<compile_context>
chip_gen: v7x
topology: tpu7x:2x2x1
jax: 0.10.2.dev20260603
libtpu: 0.0.44.dev20260713+nightly
codegen_flags: <defaults>
</compile_context>

<pallas_src>
import functools

import jax
import jax.numpy as jnp
from jax import lax
from jax.experimental import pallas as pl
from jax.experimental.pallas import tpu as pltpu
from jax.experimental.pallas import tpu_sc as plsc

B = 16
N = 2048
M = 2048
LANES = 16
NUM_CORES = 2
NUM_SUBCORES = 16
NUM_WORKERS = NUM_CORES * NUM_SUBCORES
G = 8

SC_BATCHES = 2
TC_BATCHES = B - SC_BATCHES
WPB = NUM_WORKERS // SC_BATCHES
CHUNK = N // WPB

TC_CH = 512


def _round_bf16(x):
  t = x * jnp.float32(65537.0)
  return t - (t - x)



def _sc_body(tmpl_hbm, src_hbm, out_a_hbm, out_b_hbm,
             tmpl_v, src_v, trx_v, try_v, trz_v, srx_v, sry_v, srz_v,
             tnorm_v, snorm_v, min_a_v, min_b_v):
  c = lax.axis_index("c")
  s = lax.axis_index("s")
  wid = s * NUM_CORES + c
  b = wid // WPB
  base = (wid % WPB) * CHUNK

  pltpu.sync_copy(tmpl_hbm.at[b], tmpl_v)
  pltpu.sync_copy(src_hbm.at[b], src_v)

  def prep(f32_v, rx_v, ry_v, rz_v, norm_v, npts):
    def body(i, _):
      sl = pl.ds(i * LANES, LANES)
      x = f32_v[0, sl]
      y = f32_v[1, sl]
      z = f32_v[2, sl]
      rx_v[sl] = _round_bf16(x)
      ry_v[sl] = _round_bf16(y)
      rz_v[sl] = _round_bf16(z)
      norm_v[sl] = x * x + y * y + z * z
      return 0
    lax.fori_loop(0, npts // LANES, body, 0)

  prep(tmpl_v, trx_v, try_v, trz_v, tnorm_v, N)
  prep(src_v, srx_v, sry_v, srz_v, snorm_v, M)

  lane_iota = lax.iota(jnp.int32, LANES)

  def lane_gather(vec, idx):
    dnums = lax.GatherDimensionNumbers(
        offset_dims=(), collapsed_slice_dims=(0,), start_index_map=(0,))
    return lax.gather(vec, idx[:, None], dnums, (1,),
                      mode=lax.GatherScatterMode.PROMISE_IN_BOUNDS)

  rot_idx = {k: (lane_iota + k) & (LANES - 1) for k in (1, 2, 4, 8)}
  splat_idx = [jnp.full((LANES,), j, jnp.int32) for j in range(LANES)]

  def one_direction(q_xyz, qnorm_v, p_xyz, pnorm_v, npts, out_v):
    qx_v, qy_v, qz_v = q_xyz
    px_v, py_v, pz_v = p_xyz
    def q_group(g16, _):
      qsl = pl.ds(base + g16 * LANES, LANES)
      qx16 = qx_v[qsl]
      qy16 = qy_v[qsl]
      qz16 = qz_v[qsl]
      outvec = jnp.zeros((LANES,), jnp.float32)
      for h in range(LANES // G):
        qx, qy, qz = [], [], []
        for r in range(G):
          j = h * G + r
          qx.append(lane_gather(qx16, splat_idx[j]) * -2.0)
          qy.append(lane_gather(qy16, splat_idx[j]) * -2.0)
          qz.append(lane_gather(qz16, splat_idx[j]) * -2.0)

        def scan_points(mv, best):
          sl = pl.ds(mv * LANES, LANES)
          px = px_v[sl]
          py = py_v[sl]
          pz = pz_v[sl]
          pn = pnorm_v[sl]
          out = []
          for r in range(G):
            cst = qx[r] * px + pn
            cst = qy[r] * py + cst
            cst = qz[r] * pz + cst
            out.append(jnp.minimum(best[r], cst))
          return tuple(out)

        init = tuple(jnp.full((LANES,), jnp.inf, jnp.float32)
                     for _ in range(G))
        best = lax.fori_loop(0, npts // LANES, scan_points, init)
        for r in range(G):
          t = best[r]
          for k in (8, 4, 2, 1):
            t = jnp.minimum(t, lane_gather(t, rot_idx[k]))
          outvec = jnp.where(lane_iota == (h * G + r), t, outvec)

      nq = qnorm_v[qsl]
      out_v[pl.ds(g16 * LANES, LANES)] = outvec + nq
      return 0

    lax.fori_loop(0, CHUNK // LANES, q_group, 0)

  one_direction((trx_v, try_v, trz_v), tnorm_v,
                (srx_v, sry_v, srz_v), snorm_v, M, min_a_v)
  one_direction((srx_v, sry_v, srz_v), snorm_v,
                (trx_v, try_v, trz_v), tnorm_v, N, min_b_v)

  pltpu.sync_copy(min_a_v, out_a_hbm.at[b, pl.ds(base, CHUNK)])
  pltpu.sync_copy(min_b_v, out_b_hbm.at[b, pl.ds(base, CHUNK)])


_sc_min_dists = functools.partial(
    pl.kernel,
    out_type=[
        jax.ShapeDtypeStruct((SC_BATCHES, N), jnp.float32),
        jax.ShapeDtypeStruct((SC_BATCHES, M), jnp.float32),
    ],
    mesh=plsc.VectorSubcoreMesh(
        core_axis_name="c", subcore_axis_name="s",
        num_cores=NUM_CORES, num_subcores=NUM_SUBCORES),
    scratch_types=[
        pltpu.VMEM((3, N), jnp.float32),
        pltpu.VMEM((3, M), jnp.float32),
        pltpu.VMEM((N,), jnp.float32),
        pltpu.VMEM((N,), jnp.float32),
        pltpu.VMEM((N,), jnp.float32),
        pltpu.VMEM((M,), jnp.float32),
        pltpu.VMEM((M,), jnp.float32),
        pltpu.VMEM((M,), jnp.float32),
        pltpu.VMEM((N,), jnp.float32),
        pltpu.VMEM((M,), jnp.float32),
        pltpu.VMEM((CHUNK,), jnp.float32),
        pltpu.VMEM((CHUNK,), jnp.float32),
    ],
)(_sc_body)



def _tc_body(ta_ref, t_ref, s_ref, out_a_ref, out_b_ref):
  tx = t_ref[0, 0, :]
  ty = t_ref[0, 1, :]
  tz = t_ref[0, 2, :]
  sx = s_ref[0, 0, :]
  sy = s_ref[0, 1, :]
  sz = s_ref[0, 2, :]

  rhs = s_ref[0].astype(jnp.bfloat16)
  sn = (sx * sx + sy * sy + sz * sz).reshape(1, M)
  tn = tx * tx + ty * ty + tz * tz

  inners = []
  for c in range(N // TC_CH):
    lo, hi = c * TC_CH, (c + 1) * TC_CH
    lhs = ta_ref[0, lo:hi, :].astype(jnp.bfloat16) * jnp.bfloat16(-2.0)
    inners.append(lax.dot_general(lhs, rhs, (((1,), (0,)), ((), ())),
                                  preferred_element_type=jnp.float32))
  colmin = jnp.full((1, M), jnp.inf, jnp.float32)
  for c in range(N // TC_CH):
    lo, hi = c * TC_CH, (c + 1) * TC_CH
    d = inners[c] + (tn[lo:hi].reshape(TC_CH, 1) + sn)
    out_a_ref[0, 0, lo:hi] = jnp.min(d, axis=1)
    colmin = jnp.minimum(colmin, jnp.min(d, axis=0, keepdims=True))
  out_b_ref[0, 0, :] = colmin[0, :]


_tc_min_dists = pl.pallas_call(
    _tc_body,
    grid=(TC_BATCHES,),
    in_specs=[
        pl.BlockSpec((1, N, 3), lambda i: (i, 0, 0)),
        pl.BlockSpec((1, 3, N), lambda i: (i, 0, 0)),
        pl.BlockSpec((1, 3, M), lambda i: (i, 0, 0)),
    ],
    out_specs=[
        pl.BlockSpec((1, 1, N), lambda i: (i, 0, 0)),
        pl.BlockSpec((1, 1, M), lambda i: (i, 0, 0)),
    ],
    out_shape=[
        jax.ShapeDtypeStruct((TC_BATCHES, 1, N), jnp.float32),
        jax.ShapeDtypeStruct((TC_BATCHES, 1, M), jnp.float32),
    ],
)



def _finish_body(sa_ref, sb_ref, ta_ref, tb_ref, o_ref):
  acc = jnp.sum(jnp.sqrt(jnp.maximum(sa_ref[...], 1e-12)))
  acc += jnp.sum(jnp.sqrt(jnp.maximum(sb_ref[...], 1e-12)))
  acc += jnp.sum(jnp.sqrt(jnp.maximum(ta_ref[...], 1e-12)))
  acc += jnp.sum(jnp.sqrt(jnp.maximum(tb_ref[...], 1e-12)))
  o_ref[0, 0] = acc * (0.5 / (B * N))


_finish = pl.pallas_call(
    _finish_body,
    out_shape=jax.ShapeDtypeStruct((1, 1), jnp.float32),
    out_specs=pl.BlockSpec(memory_space=pltpu.SMEM),
)


@jax.jit
def kernel(template, source):
  tmpl_soa = jnp.transpose(template, (0, 2, 1))
  src_soa = jnp.transpose(source, (0, 2, 1))
  sc_a, sc_b = _sc_min_dists(tmpl_soa[:SC_BATCHES], src_soa[:SC_BATCHES])
  tc_a, tc_b = _tc_min_dists(template[SC_BATCHES:], tmpl_soa[SC_BATCHES:],
                             src_soa[SC_BATCHES:])
  return _finish(sc_a, sc_b, tc_a, tc_b)[0, 0]

# --- scband reference (transcript-rebuilt; emitter-appended) ---
"""Pipeline reference for scband-chamfer-distance-loss-50070728737514 (READ-ONLY COPY).

The authoritative reference and input builder live on the scoring server;
editing this copy changes nothing except your own understanding.
"""

import jax, jax.numpy as jnp
import numpy as np

SCALE = 1.0

def _pairwise_sqdist(p0, p1):
    # p0: [B, N, 3], p1: [B, M, 3] -> [B, N, M]
    n0 = jnp.sum(p0 * p0, axis=-1)  # [B, N]
    n1 = jnp.sum(p1 * p1, axis=-1)  # [B, M]
    inner = jnp.einsum('bnd,bmd->bnm', p0, p1)  # [B, N, M]
    d = n0[:, :, None] + n1[:, None, :] - 2.0 * inner
    return jnp.maximum(d, 1e-12)

def setup_inputs(seed: int = 0) -> dict:
    key = jax.random.key(seed)
    k1, k2 = jax.random.split(key)
    template = jax.random.normal(k1, (16, 2048, 3), dtype=jnp.float32)
    source = jax.random.normal(k2, (16, 2048, 3), dtype=jnp.float32)
    return {"template": template, "source": source}

def reference(template, source):
    p0 = template / SCALE
    p1 = source / SCALE
    d = _pairwise_sqdist(p0, p1)  # [B, N, M] squared distances
    cost_p0_p1 = jnp.min(d, axis=2)  # nearest source point for each template point [B, N]
    cost_p1_p0 = jnp.min(d, axis=1)  # nearest template point for each source point [B, M]
    c01 = jnp.mean(jnp.sqrt(cost_p0_p1), axis=-1)  # [B]
    c10 = jnp.mean(jnp.sqrt(cost_p1_p0), axis=-1)  # [B]
    chamfer = (c01 + c10) / 2.0  # [B]
    return jnp.mean(chamfer, axis=0)  # reduction='mean' -> scalar

if __name__ == "__main__":
    import jax
    _d = setup_inputs()
    print(jax.jit(kernel)(*tuple(_d.values())))

</pallas_src>

<mosaic_0001>
#map = affine_map<(d0, d1) -> (0, 0, 0)>
#map1 = affine_map<(d0, d1) -> (0, 0)>
module attributes {stable_mosaic.version = 14 : i64} {
  func.func @_sc_body(%arg0: i32, %arg1: i32, %arg2: memref<2x3x2048xf32, #tpu.memory_space<hbm>>, %arg3: memref<2x3x2048xf32, #tpu.memory_space<hbm>>, %arg4: memref<2x2048xf32, #tpu.memory_space<hbm>>, %arg5: memref<2x2048xf32, #tpu.memory_space<hbm>>, %arg6: memref<3x2048xf32, #tpu.memory_space<vmem>>, %arg7: memref<3x2048xf32, #tpu.memory_space<vmem>>, %arg8: memref<2048xf32, #tpu.memory_space<vmem>>, %arg9: memref<2048xf32, #tpu.memory_space<vmem>>, %arg10: memref<2048xf32, #tpu.memory_space<vmem>>, %arg11: memref<2048xf32, #tpu.memory_space<vmem>>, %arg12: memref<2048xf32, #tpu.memory_space<vmem>>, %arg13: memref<2048xf32, #tpu.memory_space<vmem>>, %arg14: memref<2048xf32, #tpu.memory_space<vmem>>, %arg15: memref<2048xf32, #tpu.memory_space<vmem>>, %arg16: memref<128xf32, #tpu.memory_space<vmem>>, %arg17: memref<128xf32, #tpu.memory_space<vmem>>) attributes {dimension_semantics = [#tpu.dimension_semantics<core_parallel>, #tpu.dimension_semantics<subcore_parallel>], iteration_bounds = array<i64: 2, 16>, scalar_prefetch = 0 : i64, scratch_operands = 12 : i64, tpu.core_type = #tpu.core_type<sc_vector_subcore>, window_params = [{transform_indices = #map}, {transform_indices = #map}, {transform_indices = #map1}, {transform_indices = #map1}]} {
    %mul3A = arith.constant 2 : i32
    %mul3A_0 = arith.muli %arg1, %mul3A : i32
    %add3A = arith.addi %mul3A_0, %arg0 : i32
    %jit3A = arith.constant 16 : i32
    %div3A = arith.divsi %add3A, %jit3A : i32
    %sign3A = arith.constant 0 : i32
    %sign3A_1 = arith.cmpi sgt, %add3A, %sign3A : i32
    %sign3A_2 = arith.extui %sign3A_1 : i1 to i32
    %sign3A_3 = arith.constant 0 : i32
    %sign3A_4 = arith.cmpi slt, %add3A, %sign3A_3 : i32
    %sign3A_5 = arith.extui %sign3A_4 : i1 to i32
    %sign3A_6 = arith.subi %sign3A_2, %sign3A_5 : i32
    %sign3A_7 = arith.constant 0 : i32
    %sign3A_8 = arith.cmpi sgt, %jit3A, %sign3A_7 : i32
    %sign3A_9 = arith.extui %sign3A_8 : i1 to i32
    %sign3A_10 = arith.constant 0 : i32
    %sign3A_11 = arith.cmpi slt, %jit3A, %sign3A_10 : i32
    %sign3A_12 = arith.extui %sign3A_11 : i1 to i32
    %sign3A_13 = arith.subi %sign3A_9, %sign3A_12 : i32
    %ne3A = arith.cmpi ne, %sign3A_6, %sign3A_13 : i32
    %rem3A = arith.remsi %add3A, %jit3A : i32
    %ne3A_14 = arith.constant 0 : i32
    %ne3A_15 = arith.cmpi ne, %rem3A, %ne3A_14 : i32
    %and3A = arith.andi %ne3A, %ne3A_15 : i1
    %sub3A = arith.constant 1 : i32
    %sub3A_16 = arith.subi %div3A, %sub3A : i32
    %select_n3A = arith.select %and3A, %sub3A_16, %div3A : i32
    %jit3A_17 = arith.constant 16 : i32
    %eq3A = arith.constant 0 : i32
    %eq3A_18 = arith.cmpi eq, %jit3A_17, %eq3A : i32
    %jit3A_19 = arith.constant 1 : i32
    %select_n3A_20 = arith.select %eq3A_18, %jit3A_19, %jit3A_17 : i32
    %rem3A_21 = arith.remsi %add3A, %select_n3A_20 : i32
    %ne3A_22 = arith.constant 0 : i32
    %ne3A_23 = arith.cmpi ne, %rem3A_21, %ne3A_22 : i32
    %lt3A = arith.constant 0 : i32
    %lt3A_24 = arith.cmpi slt, %rem3A_21, %lt3A : i32
    %lt3A_25 = arith.constant 0 : i32
    %lt3A_26 = arith.cmpi slt, %select_n3A_20, %lt3A_25 : i32
    %ne3A_27 = arith.xori %lt3A_24, %lt3A_26 : i1
    %and3A_28 = arith.andi %ne3A_27, %ne3A_23 : i1
    %add3A_29 = arith.addi %rem3A_21, %select_n3A_20 : i32
    %select_n3A_30 = arith.select %and3A_28, %add3A_29, %rem3A_21 : i32
    %mul3A_31 = arith.constant 128 : i32
    %mul3A_32 = arith.muli %select_n3A_30, %mul3A_31 : i32
    "tpu.region"() ({
      %run_scoped3A = tpu.sem_alloc : memref<!tpu.dma_semaphore, #tpu.memory_space<semaphore_mem>>
      %dma_start3A = arith.constant 0 : i32
      %dma_start3A_115 = arith.constant 0 : i32
      %dma_start3A_116 = tpu.memref_slice %arg2[%select_n3A, %dma_start3A, %dma_start3A_115] : memref<2x3x2048xf32, #tpu.memory_space<hbm>> -> memref<1x3x2048xf32, #tpu.memory_space<hbm>>
      %dma_start3A_117 = tpu.memref_squeeze %dma_start3A_116 : memref<1x3x2048xf32, #tpu.memory_space<hbm>> -> memref<3x2048xf32, #tpu.memory_space<hbm>>
      %dma_start3A_118 = arith.constant 0 : i32
      %dma_start3A_119 = arith.constant 0 : i32
      %dma_start3A_120 = tpu.memref_slice %arg2[%select_n3A, %dma_start3A_118, %dma_start3A_119] : memref<2x3x2048xf32, #tpu.memory_space<hbm>> -> memref<1x3x2048xf32, #tpu.memory_space<hbm>>
      %dma_start3A_121 = tpu.memref_squeeze %dma_start3A_120 : memref<1x3x2048xf32, #tpu.memory_space<hbm>> -> memref<3x2048xf32, #tpu.memory_space<hbm>>
      tpu.enqueue_dma source(%dma_start3A_121 : memref<3x2048xf32, #tpu.memory_space<hbm>>) target(%arg6 : memref<3x2048xf32, #tpu.memory_space<vmem>>) target_semaphore(%run_scoped3A : memref<!tpu.dma_semaphore, #tpu.memory_space<semaphore_mem>>)
      %dma_wait3A = arith.constant 0 : i32
      %dma_wait3A_122 = arith.constant 0 : i32
      %dma_wait3A_123 = tpu.memref_slice %arg2[%select_n3A, %dma_wait3A, %dma_wait3A_122] : memref<2x3x2048xf32, #tpu.memory_space<hbm>> -> memref<1x3x2048xf32, #tpu.memory_space<hbm>>
      %dma_wait3A_124 = tpu.memref_squeeze %dma_wait3A_123 : memref<1x3x2048xf32, #tpu.memory_space<hbm>> -> memref<3x2048xf32, #tpu.memory_space<hbm>>
      %dma_wait3A_125 = arith.constant 0 : i32
      %dma_wait3A_126 = arith.constant 0 : i32
      %dma_wait3A_127 = tpu.memref_slice %arg2[%select_n3A, %dma_wait3A_125, %dma_wait3A_126] : memref<2x3x2048xf32, #tpu.memory_space<hbm>> -> memref<1x3x2048xf32, #tpu.memory_space<hbm>>
      %dma_wait3A_128 = tpu.memref_squeeze %dma_wait3A_127 : memref<1x3x2048xf32, #tpu.memory_space<hbm>> -> memref<3x2048xf32, #tpu.memory_space<hbm>>
      tpu.wait_dma2 semaphore(%run_scoped3A : memref<!tpu.dma_semaphore, #tpu.memory_space<semaphore_mem>>) src(%dma_wait3A_128 : memref<3x2048xf32, #tpu.memory_space<hbm>>) dst(%arg6 : memref<3x2048xf32, #tpu.memory_space<vmem>>)
      tpu.yield
    }) : () -> ()
    "tpu.region"() ({
      %run_scoped3A = tpu.sem_alloc : memref<!tpu.dma_semaphore, #tpu.memory_space<semaphore_mem>>
      %dma_start3A = arith.constant 0 : i32
      %dma_start3A_115 = arith.constant 0 : i32
      %dma_start3A_116 = tpu.memref_slice %arg3[%select_n3A, %dma_start3A, %dma_start3A_115] : memref<2x3x2048xf32, #tpu.memory_space<hbm>> -> memref<1x3x2048xf32, #tpu.memory_space<hbm>>
      %dma_start3A_117 = tpu.memref_squeeze %dma_start3A_116 : memref<1x3x2048xf32, #tpu.memory_space<hbm>> -> memref<3x2048xf32, #tpu.memory_space<hbm>>
      %dma_start3A_118 = arith.constant 0 : i32
      %dma_start3A_119 = arith.constant 0 : i32
      %dma_start3A_120 = tpu.memref_slice %arg3[%select_n3A, %dma_start3A_118, %dma_start3A_119] : memref<2x3x2048xf32, #tpu.memory_space<hbm>> -> memref<1x3x2048xf32, #tpu.memory_space<hbm>>
      %dma_start3A_121 = tpu.memref_squeeze %dma_start3A_120 : memref<1x3x2048xf32, #tpu.memory_space<hbm>> -> memref<3x2048xf32, #tpu.memory_space<hbm>>
      tpu.enqueue_dma source(%dma_start3A_121 : memref<3x2048xf32, #tpu.memory_space<hbm>>) target(%arg7 : memref<3x2048xf32, #tpu.memory_space<vmem>>) target_semaphore(%run_scoped3A : memref<!tpu.dma_semaphore, #tpu.memory_space<semaphore_mem>>)
      %dma_wait3A = arith.constant 0 : i32
      %dma_wait3A_122 = arith.constant 0 : i32
      %dma_wait3A_123 = tpu.memref_slice %arg3[%select_n3A, %dma_wait3A, %dma_wait3A_122] : memref<2x3x2048xf32, #tpu.memory_space<hbm>> -> memref<1x3x2048xf32, #tpu.memory_space<hbm>>
      %dma_wait3A_124 = tpu.memref_squeeze %dma_wait3A_123 : memref<1x3x2048xf32, #tpu.memory_space<hbm>> -> memref<3x2048xf32, #tpu.memory_space<hbm>>
      %dma_wait3A_125 = arith.constant 0 : i32
      %dma_wait3A_126 = arith.constant 0 : i32
      %dma_wait3A_127 = tpu.memref_slice %arg3[%select_n3A, %dma_wait3A_125, %dma_wait3A_126] : memref<2x3x2048xf32, #tpu.memory_space<hbm>> -> memref<1x3x2048xf32, #tpu.memory_space<hbm>>
      %dma_wait3A_128 = tpu.memref_squeeze %dma_wait3A_127 : memref<1x3x2048xf32, #tpu.memory_space<hbm>> -> memref<3x2048xf32, #tpu.memory_space<hbm>>
      tpu.wait_dma2 semaphore(%run_scoped3A : memref<!tpu.dma_semaphore, #tpu.memory_space<semaphore_mem>>) src(%dma_wait3A_128 : memref<3x2048xf32, #tpu.memory_space<hbm>>) dst(%arg7 : memref<3x2048xf32, #tpu.memory_space<vmem>>)
      tpu.yield
    }) : () -> ()
    %scan3A = arith.constant 0 : i32
    %scan3A_33 = arith.constant 0 : i32
    %scan3A_34 = arith.constant 128 : i32
    %scan3A_35 = arith.addi %scan3A_33, %scan3A_34 : i32
    %scan3A_36 = arith.constant 1 : i32
    %scan3A_37 = scf.for %scan3A_115 = %scan3A_33 to %scan3A_35 step %scan3A_36 iter_args(%scan3A_116 = %scan3A) -> (i32)  : i32 {
      %mul3A_117 = arith.constant 16 : i32
      %mul3A_118 = arith.muli %scan3A_115, %mul3A_117 : i32
      %get3A = arith.constant 0 : i32
      %get3A_119 = arith.index_cast %get3A : i32 to index
      %get3A_120 = arith.index_cast %mul3A_118 : i32 to index
      %get3A_121 = tpu.vector_load %arg6[%get3A_119, %get3A_120] {strides = array<i32>} : memref<3x2048xf32, #tpu.memory_space<vmem>>, vector<1x16xf32>,
      %get3A_122 = vector.shape_cast %get3A_121 : vector<1x16xf32> to vector<16xf32>
      %get3A_123 = arith.constant 1 : i32
      %get3A_124 = arith.index_cast %get3A_123 : i32 to index
      %get3A_125 = arith.index_cast %mul3A_118 : i32 to index
      %get3A_126 = tpu.vector_load %arg6[%get3A_124, %get3A_125] {strides = array<i32>} : memref<3x2048xf32, #tpu.memory_space<vmem>>, vector<1x16xf32>,
      %get3A_127 = vector.shape_cast %get3A_126 : vector<1x16xf32> to vector<16xf32>
      %get3A_128 = arith.constant 2 : i32
      %get3A_129 = arith.index_cast %get3A_128 : i32 to index
      %get3A_130 = arith.index_cast %mul3A_118 : i32 to index
      %get3A_131 = tpu.vector_load %arg6[%get3A_129, %get3A_130] {strides = array<i32>} : memref<3x2048xf32, #tpu.memory_space<vmem>>, vector<1x16xf32>,
      %get3A_132 = vector.shape_cast %get3A_131 : vector<1x16xf32> to vector<16xf32>
      %mul3A_133 = arith.constant 6.553700e+04 : f32
      %mul3A_134 = vector.broadcast %mul3A_133 : f32 to vector<16xf32>
      %mul3A_135 = arith.mulf %get3A_122, %mul3A_134 : vector<16xf32>
      %sub3A_136 = arith.subf %mul3A_135, %get3A_122 : vector<16xf32>
      %sub3A_137 = arith.subf %mul3A_135, %sub3A_136 : vector<16xf32>
      %swap3A = arith.index_cast %mul3A_118 : i32 to index
      %swap3A_138 = tpu.vector_load %arg8[%swap3A] {strides = array<i32>} : memref<2048xf32, #tpu.memory_space<vmem>>, vector<16xf32>,
      %swap3A_139 = vector.shape_cast %swap3A_138 : vector<16xf32> to vector<16xf32>
      %swap3A_140 = vector.shape_cast %sub3A_137 : vector<16xf32> to vector<16xf32>
      tpu.vector_store %arg8[%swap3A], %swap3A_140 {strides = array<i32>} : memref<2048xf32, #tpu.memory_space<vmem>>, vector<16xf32>,
      %mul3A_141 = arith.constant 6.553700e+04 : f32
      %mul3A_142 = vector.broadcast %mul3A_141 : f32 to vector<16xf32>
      %mul3A_143 = arith.mulf %get3A_127, %mul3A_142 : vector<16xf32>
      %sub3A_144 = arith.subf %mul3A_143, %get3A_127 : vector<16xf32>
      %sub3A_145 = arith.subf %mul3A_143, %sub3A_144 : vector<16xf32>
      %swap3A_146 = arith.index_cast %mul3A_118 : i32 to index
      %swap3A_147 = tpu.vector_load %arg9[%swap3A_146] {strides = array<i32>} : memref<2048xf32, #tpu.memory_space<vmem>>, vector<16xf32>,
      %swap3A_148 = vector.shape_cast %swap3A_147 : vector<16xf32> to vector<16xf32>
      %swap3A_149 = vector.shape_cast %sub3A_145 : vector<16xf32> to vector<16xf32>
      tpu.vector_store %arg9[%swap3A_146], %swap3A_149 {strides = array<i32>} : memref<2048xf32, #tpu.memory_space<vmem>>, vector<16xf32>,
      %mul3A_150 = arith.constant 6.553700e+04 : f32
      %mul3A_151 = vector.broadcast %mul3A_150 : f32 to vector<16xf32>
      %mul3A_152 = arith.mulf %get3A_132, %mul3A_151 : vector<16xf32>
      %sub3A_153 = arith.subf %mul3A_152, %get3A_132 : vector<16xf32>
      %sub3A_154 = arith.subf %mul3A_152, %sub3A_153 : vector<16xf32>
      %swap3A_155 = arith.index_cast %mul3A_118 : i32 to index
      %swap3A_156 = tpu.vector_load %arg10[%swap3A_155] {strides = array<i32>} : memref<2048xf32, #tpu.memory_space<vmem>>, vector<16xf32>,
      %swap3A_157 = vector.shape_cast %swap3A_156 : vector<16xf32> to vector<16xf32>
      %swap3A_158 = vector.shape_cast %sub3A_154 : vector<16xf32> to vector<16xf32>
      tpu.vector_store %arg10[%swap3A_155], %swap3A_158 {strides = array<i32>} : memref<2048xf32, #tpu.memory_space<vmem>>, vector<16xf32>,
      %mul3A_159 = arith.mulf %get3A_122, %get3A_122 : vector<16xf32>
      %mul3A_160 = arith.mulf %get3A_127, %get3A_127 : vector<16xf32>
      %add3A_161 = arith.addf %mul3A_159, %mul3A_160 : vector<16xf32>
      %mul3A_162 = arith.mulf %get3A_132, %get3A_132 : vector<16xf32>
      %add3A_163 = arith.addf %add3A_161, %mul3A_162 : vector<16xf32>
      %swap3A_164 = arith.index_cast %mul3A_118 : i32 to index
      %swap3A_165 = tpu.vector_load %arg14[%swap3A_164] {strides = array<i32>} : memref<2048xf32, #tpu.memory_space<vmem>>, vector<16xf32>,
      %swap3A_166 = vector.shape_cast %swap3A_165 : vector<16xf32> to vector<16xf32>
      %swap3A_167 = vector.shape_cast %add3A_163 : vector<16xf32> to vector<16xf32>
      tpu.vector_store %arg14[%swap3A_164], %swap3A_167 {strides = array<i32>} : memref<2048xf32, #tpu.memory_space<vmem>>, vector<16xf32>,
      %scan3A_168 = arith.constant 0 : i32
      scf.yield %scan3A_168 : i32
    }
    %scan3A_38 = arith.constant 128 : i32
    %scan3A_39 = arith.constant 0 : i32
    %scan3A_40 = arith.constant 0 : i32
    %scan3A_41 = arith.constant 128 : i32
    %scan3A_42 = arith.addi %scan3A_40, %scan3A_41 : i32
    %scan3A_43 = arith.constant 1 : i32
    %scan3A_44 = scf.for %scan3A_115 = %scan3A_40 to %scan3A_42 step %scan3A_43 iter_args(%scan3A_116 = %scan3A_39) -> (i32)  : i32 {
      %mul3A_117 = arith.constant 16 : i32
      %mul3A_118 = arith.muli %scan3A_115, %mul3A_117 : i32
      %get3A = arith.constant 0 : i32
      %get3A_119 = arith.index_cast %get3A : i32 to index
      %get3A_120 = arith.index_cast %mul3A_118 : i32 to index
      %get3A_121 = tpu.vector_load %arg7[%get3A_119, %get3A_120] {strides = array<i32>} : memref<3x2048xf32, #tpu.memory_space<vmem>>, vector<1x16xf32>,
      %get3A_122 = vector.shape_cast %get3A_121 : vector<1x16xf32> to vector<16xf32>
      %get3A_123 = arith.constant 1 : i32
      %get3A_124 = arith.index_cast %get3A_123 : i32 to index
      %get3A_125 = arith.index_cast %mul3A_118 : i32 to index
      %get3A_126 = tpu.vector_load %arg7[%get3A_124, %get3A_125] {strides = array<i32>} : memref<3x2048xf32, #tpu.memory_space<vmem>>, vector<1x16xf32>,
      %get3A_127 = vector.shape_cast %get3A_126 : vector<1x16xf32> to vector<16xf32>
      %get3A_128 = arith.constant 2 : i32
      %get3A_129 = arith.index_cast %get3A_128 : i32 to index
      %get3A_130 = arith.index_cast %mul3A_118 : i32 to index
      %get3A_131 = tpu.vector_load %arg7[%get3A_129, %get3A_130] {strides = array<i32>} : memref<3x2048xf32, #tpu.memory_space<vmem>>, vector<1x16xf32>,
      %get3A_132 = vector.shape_cast %get3A_131 : vector<1x16xf32> to vector<16xf32>
      %mul3A_133 = arith.constant 6.553700e+04 : f32
      %mul3A_134 = vector.broadcast %mul3A_133 : f32 to vector<16xf32>
      %mul3A_135 = arith.mulf %get3A_122, %mul3A_134 : vector<16xf32>
      %sub3A_136 = arith.subf %mul3A_135, %get3A_122 : vector<16xf32>
      %sub3A_137 = arith.subf %mul3A_135, %sub3A_136 : vector<16xf32>
      %swap3A = arith.index_cast %mul3A_118 : i32 to index
      %swap3A_138 = tpu.vector_load %arg11[%swap3A] {strides = array<i32>} : memref<2048xf32, #tpu.memory_space<vmem>>, vector<16xf32>,
      %swap3A_139 = vector.shape_cast %swap3A_138 : vector<16xf32> to vector<16xf32>
      %swap3A_140 = vector.shape_cast %sub3A_137 : vector<16xf32> to vector<16xf32>
      tpu.vector_store %arg11[%swap3A], %swap3A_140 {strides = array<i32>} : memref<2048xf32, #tpu.memory_space<vmem>>, vector<16xf32>,
      %mul3A_141 = arith.constant 6.553700e+04 : f32
      %mul3A_142 = vector.broadcast %mul3A_141 : f32 to vector<16xf32>
      %mul3A_143 = arith.mulf %get3A_127, %mul3A_142 : vector<16xf32>
      %sub3A_144 = arith.subf %mul3A_143, %get3A_127 : vector<16xf32>
      %sub3A_145 = arith.subf %mul3A_143, %sub3A_144 : vector<16xf32>
      %swap3A_146 = arith.index_cast %mul3A_118 : i32 to index
      %swap3A_147 = tpu.vector_load %arg12[%swap3A_146] {strides = array<i32>} : memref<2048xf32, #tpu.memory_space<vmem>>, vector<16xf32>,
      %swap3A_148 = vector.shape_cast %swap3A_147 : vector<16xf32> to vector<16xf32>
      %swap3A_149 = vector.shape_cast %sub3A_145 : vector<16xf32> to vector<16xf32>
      tpu.vector_store %arg12[%swap3A_146], %swap3A_149 {strides = array<i32>} : memref<2048xf32, #tpu.memory_space<vmem>>, vector<16xf32>,
      %mul3A_150 = arith.constant 6.553700e+04 : f32
      %mul3A_151 = vector.broadcast %mul3A_150 : f32 to vector<16xf32>
      %mul3A_152 = arith.mulf %get3A_132, %mul3A_151 : vector<16xf32>
      %sub3A_153 = arith.subf %mul3A_152, %get3A_132 : vector<16xf32>
      %sub3A_154 = arith.subf %mul3A_152, %sub3A_153 : vector<16xf32>
      %swap3A_155 = arith.index_cast %mul3A_118 : i32 to index
      %swap3A_156 = tpu.vector_load %arg13[%swap3A_155] {strides = array<i32>} : memref<2048xf32, #tpu.memory_space<vmem>>, vector<16xf32>,
      %swap3A_157 = vector.shape_cast %swap3A_156 : vector<16xf32> to vector<16xf32>
      %swap3A_158 = vector.shape_cast %sub3A_154 : vector<16xf32> to vector<16xf32>
      tpu.vector_store %arg13[%swap3A_155], %swap3A_158 {strides = array<i32>} : memref<2048xf32, #tpu.memory_space<vmem>>, vector<16xf32>,
      %mul3A_159 = arith.mulf %get3A_122, %get3A_122 : vector<16xf32>
      %mul3A_160 = arith.mulf %get3A_127, %get3A_127 : vector<16xf32>
      %add3A_161 = arith.addf %mul3A_159, %mul3A_160 : vector<16xf32>
      %mul3A_162 = arith.mulf %get3A_132, %get3A_132 : vector<16xf32>
      %add3A_163 = arith.addf %add3A_161, %mul3A_162 : vector<16xf32>
      %swap3A_164 = arith.index_cast %mul3A_118 : i32 to index
      %swap3A_165 = tpu.vector_load %arg15[%swap3A_164] {strides = array<i32>} : memref<2048xf32, #tpu.memory_space<vmem>>, vector<16xf32>,
      %swap3A_166 = vector.shape_cast %swap3A_165 : vector<16xf32> to vector<16xf32>
      %swap3A_167 = vector.shape_cast %add3A_163 : vector<16xf32> to vector<16xf32>
      tpu.vector_store %arg15[%swap3A_164], %swap3A_167 {strides = array<i32>} : memref<2048xf32, #tpu.memory_space<vmem>>, vector<16xf32>,
      %scan3A_168 = arith.constant 0 : i32
      scf.yield %scan3A_168 : i32
    }
    %scan3A_45 = arith.constant 128 : i32
    %iota3A = tpu.iota {dimensions = array<i32: 0>} : vector<16xi32>
    %add3A_46 = arith.constant 1 : i32
    %add3A_47 = vector.broadcast %add3A_46 : i32 to vector<16xi32>
    %add3A_48 = arith.addi %iota3A, %add3A_47 : vector<16xi32>
    %and3A_49 = arith.constant 15 : i32
    %and3A_50 = vector.broadcast %and3A_49 : i32 to vector<16xi32>
    %and3A_51 = arith.andi %add3A_48, %and3A_50 : vector<16xi32>
    %add3A_52 = arith.constant 2 : i32
    %add3A_53 = vector.broadcast %add3A_52 : i32 to vector<16xi32>
    %add3A_54 = arith.addi %iota3A, %add3A_53 : vector<16xi32>
    %and3A_55 = arith.constant 15 : i32
    %and3A_56 = vector.broadcast %and3A_55 : i32 to vector<16xi32>
    %and3A_57 = arith.andi %add3A_54, %and3A_56 : vector<16xi32>
    %add3A_58 = arith.constant 4 : i32
    %add3A_59 = vector.broadcast %add3A_58 : i32 to vector<16xi32>
    %add3A_60 = arith.addi %iota3A, %add3A_59 : vector<16xi32>
    %and3A_61 = arith.constant 15 : i32
    %and3A_62 = vector.broadcast %and3A_61 : i32 to vector<16xi32>
    %and3A_63 = arith.andi %add3A_60, %and3A_62 : vector<16xi32>
    %add3A_64 = arith.constant 8 : i32
    %add3A_65 = vector.broadcast %add3A_64 : i32 to vector<16xi32>
    %add3A_66 = arith.addi %iota3A, %add3A_65 : vector<16xi32>
    %and3A_67 = arith.constant 15 : i32
    %and3A_68 = vector.broadcast %and3A_67 : i32 to vector<16xi32>
    %and3A_69 = arith.andi %add3A_66, %and3A_68 : vector<16xi32>
    %broadcast_in_dim3A = arith.constant 0 : i32
    %broadcast_in_dim3A_70 = vector.broadcast %broadcast_in_dim3A : i32 to vector<16xi32>
    %broadcast_in_dim3A_71 = arith.constant 1 : i32
    %broadcast_in_dim3A_72 = vector.broadcast %broadcast_in_dim3A_71 : i32 to vector<16xi32>
    %broadcast_in_dim3A_73 = arith.constant 2 : i32
    %broadcast_in_dim3A_74 = vector.broadcast %broadcast_in_dim3A_73 : i32 to vector<16xi32>
    %broadcast_in_dim3A_75 = arith.constant 3 : i32
    %broadcast_in_dim3A_76 = vector.broadcast %broadcast_in_dim3A_75 : i32 to vector<16xi32>
    %broadcast_in_dim3A_77 = arith.constant 4 : i32
    %broadcast_in_dim3A_78 = vector.broadcast %broadcast_in_dim3A_77 : i32 to vector<16xi32>
    %broadcast_in_dim3A_79 = arith.constant 5 : i32
    %broadcast_in_dim3A_80 = vector.broadcast %broadcast_in_dim3A_79 : i32 to vector<16xi32>
    %broadcast_in_dim3A_81 = arith.constant 6 : i32
    %broadcast_in_dim3A_82 = vector.broadcast %broadcast_in_dim3A_81 : i32 to vector<16xi32>
    %broadcast_in_dim3A_83 = arith.constant 7 : i32
    %broadcast_in_dim3A_84 = vector.broadcast %broadcast_in_dim3A_83 : i32 to vector<16xi32>
    %broadcast_in_dim3A_85 = arith.constant 8 : i32
    %broadcast_in_dim3A_86 = vector.broadcast %broadcast_in_dim3A_85 : i32 to vector<16xi32>
    %broadcast_in_dim3A_87 = arith.constant 9 : i32
    %broadcast_in_dim3A_88 = vector.broadcast %broadcast_in_dim3A_87 : i32 to vector<16xi32>
    %broadcast_in_dim3A_89 = arith.constant 10 : i32
    %broadcast_in_dim3A_90 = vector.broadcast %broadcast_in_dim3A_89 : i32 to vector<16xi32>
    %broadcast_in_dim3A_91 = arith.constant 11 : i32
    %broadcast_in_dim3A_92 = vector.broadcast %broadcast_in_dim3A_91 : i32 to vector<16xi32>
    %broadcast_in_dim3A_93 = arith.constant 12 : i32
    %broadcast_in_dim3A_94 = vector.broadcast %broadcast_in_dim3A_93 : i32 to vector<16xi32>
    %broadcast_in_dim3A_95 = arith.constant 13 : i32
    %broadcast_in_dim3A_96 = vector.broadcast %broadcast_in_dim3A_95 : i32 to vector<16xi32>
    %broadcast_in_dim3A_97 = arith.constant 14 : i32
    %broadcast_in_dim3A_98 = vector.broadcast %broadcast_in_dim3A_97 : i32 to vector<16xi32>
    %broadcast_in_dim3A_99 = arith.constant 15 : i32
    %broadcast_in_dim3A_100 = vector.broadcast %broadcast_in_dim3A_99 : i32 to vector<16xi32>
    %scan3A_101 = arith.constant 0 : i32
    %scan3A_102 = arith.constant 0 : i32
    %scan3A_103 = arith.constant 8 : i32
    %scan3A_104 = arith.addi %scan3A_102, %scan3A_103 : i32
    %scan3A_105 = arith.constant 1 : i32
    %scan3A_106 = scf.for %scan3A_115 = %scan3A_102 to %scan3A_104 step %scan3A_105 iter_args(%scan3A_116 = %scan3A_101) -> (i32)  : i32 {
      %mul3A_117 = arith.constant 16 : i32
      %mul3A_118 = arith.muli %scan3A_115, %mul3A_117 : i32
      %add3A_119 = arith.addi %mul3A_32, %mul3A_118 : i32
      %get3A = arith.index_cast %add3A_119 : i32 to index
      %get3A_120 = tpu.vector_load %arg8[%get3A] {strides = array<i32>} : memref<2048xf32, #tpu.memory_space<vmem>>, vector<16xf32>,
      %get3A_121 = vector.shape_cast %get3A_120 : vector<16xf32> to vector<16xf32>
      %get3A_122 = arith.index_cast %add3A_119 : i32 to index
      %get3A_123 = tpu.vector_load %arg9[%get3A_122] {strides = array<i32>} : memref<2048xf32, #tpu.memory_space<vmem>>, vector<16xf32>,
      %get3A_124 = vector.shape_cast %get3A_123 : vector<16xf32> to vector<16xf32>
      %get3A_125 = arith.index_cast %add3A_119 : i32 to index
      %get3A_126 = tpu.vector_load %arg10[%get3A_125] {strides = array<i32>} : memref<2048xf32, #tpu.memory_space<vmem>>, vector<16xf32>,
      %get3A_127 = vector.shape_cast %get3A_126 : vector<16xf32> to vector<16xf32>
      %broadcast_in_dim3A_128 = arith.constant 0.000000e+00 : f32
      %broadcast_in_dim3A_129 = vector.broadcast %broadcast_in_dim3A_128 : f32 to vector<16xf32>
      %broadcast_in_dim3A_130 = vector.shape_cast %broadcast_in_dim3A_70 : vector<16xi32> to vector<16x1xi32>
      %gather3A = vector.shape_cast %broadcast_in_dim3A_130 : vector<16x1xi32> to vector<16xi32>
      %gather3A_131 = tpu.dynamic_gather %get3A_121[%gather3A] in [0] : vector<16xf32>, vector<16xi32> -> vector<16xf32>
      %mul3A_132 = arith.constant -2.000000e+00 : f32
      %mul3A_133 = vector.broadcast %mul3A_132 : f32 to vector<16xf32>
      %mul3A_134 = arith.mulf %gather3A_131, %mul3A_133 : vector<16xf32>
      %broadcast_in_dim3A_135 = vector.shape_cast %broadcast_in_dim3A_70 : vector<16xi32> to vector<16x1xi32>
      %gather3A_136 = vector.shape_cast %broadcast_in_dim3A_135 : vector<16x1xi32> to vector<16xi32>
      %gather3A_137 = tpu.dynamic_gather %get3A_124[%gather3A_136] in [0] : vector<16xf32>, vector<16xi32> -> vector<16xf32>
      %mul3A_138 = arith.constant -2.000000e+00 : f32
      %mul3A_139 = vector.broadcast %mul3A_138 : f32 to vector<16xf32>
      %mul3A_140 = arith.mulf %gather3A_137, %mul3A_139 : vector<16xf32>
      %broadcast_in_dim3A_141 = vector.shape_cast %broadcast_in_dim3A_70 : vector<16xi32> to vector<16x1xi32>
      %gather3A_142 = vector.shape_cast %broadcast_in_dim3A_141 : vector<16x1xi32> to vector<16xi32>
      %gather3A_143 = tpu.dynamic_gather %get3A_127[%gather3A_142] in [0] : vector<16xf32>, vector<16xi32> -> vector<16xf32>
      %mul3A_144 = arith.constant -2.000000e+00 : f32
      %mul3A_145 = vector.broadcast %mul3A_144 : f32 to vector<16xf32>
      %mul3A_146 = arith.mulf %gather3A_143, %mul3A_145 : vector<16xf32>
      %broadcast_in_dim3A_147 = vector.shape_cast %broadcast_in_dim3A_72 : vector<16xi32> to vector<16x1xi32>
      %gather3A_148 = vector.shape_cast %broadcast_in_dim3A_147 : vector<16x1xi32> to vector<16xi32>
      %gather3A_149 = tpu.dynamic_gather %get3A_121[%gather3A_148] in [0] : vector<16xf32>, vector<16xi32> -> vector<16xf32>
      %mul3A_150 = arith.constant -2.000000e+00 : f32
      %mul3A_151 = vector.broadcast %mul3A_150 : f32 to vector<16xf32>
      %mul3A_152 = arith.mulf %gather3A_149, %mul3A_151 : vector<16xf32>
      %broadcast_in_dim3A_153 = vector.shape_cast %broadcast_in_dim3A_72 : vector<16xi32> to vector<16x1xi32>
      %gather3A_154 = vector.shape_cast %broadcast_in_dim3A_153 : vector<16x1xi32> to vector<16xi32>
      %gather3A_155 = tpu.dynamic_gather %get3A_124[%gather3A_154] in [0] : vector<16xf32>, vector<16xi32> -> vector<16xf32>
      %mul3A_156 = arith.constant -2.000000e+00 : f32
      %mul3A_157 = vector.broadcast %mul3A_156 : f32 to vector<16xf32>
      %mul3A_158 = arith.mulf %gather3A_155, %mul3A_157 : vector<16xf32>
      %broadcast_in_dim3A_159 = vector.shape_cast %broadcast_in_dim3A_72 : vector<16xi32> to vector<16x1xi32>
      %gather3A_160 = vector.shape_cast %broadcast_in_dim3A_159 : vector<16x1xi32> to vector<16xi32>
      %gather3A_161 = tpu.dynamic_gather %get3A_127[%gather3A_160] in [0] : vector<16xf32>, vector<16xi32> -> vector<16xf32>
      %mul3A_162 = arith.constant -2.000000e+00 : f32
      %mul3A_163 = vector.broadcast %mul3A_162 : f32 to vector<16xf32>
      %mul3A_164 = arith.mulf %gather3A_161, %mul3A_163 : vector<16xf32>
      %broadcast_in_dim3A_165 = vector.shape_cast %broadcast_in_dim3A_74 : vector<16xi32> to vector<16x1xi32>
      %gather3A_166 = vector.shape_cast %broadcast_in_dim3A_165 : vector<16x1xi32> to vector<16xi32>
      %gather3A_167 = tpu.dynamic_gather %get3A_121[%gather3A_166] in [0] : vector<16xf32>, vector<16xi32> -> vector<16xf32>
      %mul3A_168 = arith.constant -2.000000e+00 : f32
      %mul3A_169 = vector.broadcast %mul3A_168 : f32 to vector<16xf32>
      %mul3A_170 = arith.mulf %gather3A_167, %mul3A_169 : vector<16xf32>
      %broadcast_in_dim3A_171 = vector.shape_cast %broadcast_in_dim3A_74 : vector<16xi32> to vector<16x1xi32>
      %gather3A_172 = vector.shape_cast %broadcast_in_dim3A_171 : vector<16x1xi32> to vector<16xi32>
      %gather3A_173 = tpu.dynamic_gather %get3A_124[%gather3A_172] in [0] : vector<16xf32>, vector<16xi32> -> vector<16xf32>
      %mul3A_174 = arith.constant -2.000000e+00 : f32
      %mul3A_175 = vector.broadcast %mul3A_174 : f32 to vector<16xf32>
      %mul3A_176 = arith.mulf %gather3A_173, %mul3A_175 : vector<16xf32>
      %broadcast_in_dim3A_177 = vector.shape_cast %broadcast_in_dim3A_74 : vector<16xi32> to vector<16x1xi32>
      %gather3A_178 = vector.shape_cast %broadcast_in_dim3A_177 : vector<16x1xi32> to vector<16xi32>
      %gather3A_179 = tpu.dynamic_gather %get3A_127[%gather3A_178] in [0] : vector<16xf32>, vector<16xi32> -> vector<16xf32>
      %mul3A_180 = arith.constant -2.000000e+00 : f32
      %mul3A_181 = vector.broadcast %mul3A_180 : f32 to vector<16xf32>
      %mul3A_182 = arith.mulf %gather3A_179, %mul3A_181 : vector<16xf32>
      %broadcast_in_dim3A_183 = vector.shape_cast %broadcast_in_dim3A_76 : vector<16xi32> to vector<16x1xi32>
      %gather3A_184 = vector.shape_cast %broadcast_in_dim3A_183 : vector<16x1xi32> to vector<16xi32>
      %gather3A_185 = tpu.dynamic_gather %get3A_121[%gather3A_184] in [0] : vector<16xf32>, vector<16xi32> -> vector<16xf32>
      %mul3A_186 = arith.constant -2.000000e+00 : f32
      %mul3A_187 = vector.broadcast %mul3A_186 : f32 to vector<16xf32>
      %mul3A_188 = arith.mulf %gather3A_185, %mul3A_187 : vector<16xf32>
      %broadcast_in_dim3A_189 = vector.shape_cast %broadcast_in_dim3A_76 : vector<16xi32> to vector<16x1xi32>
      %gather3A_190 = vector.shape_cast %broadcast_in_dim3A_189 : vector<16x1xi32> to vector<16xi32>
      %gather3A_191 = tpu.dynamic_gather %get3A_124[%gather3A_190] in [0] : vector<16xf32>, vector<16xi32> -> vector<16xf32>
      %mul3A_192 = arith.constant -2.000000e+00 : f32
      %mul3A_193 = vector.broadcast %mul3A_192 : f32 to vector<16xf32>
      %mul3A_194 = arith.mulf %gather3A_191, %mul3A_193 : vector<16xf32>
      %broadcast_in_dim3A_195 = vector.shape_cast %broadcast_in_dim3A_76 : vector<16xi32> to vector<16x1xi32>
      %gather3A_196 = vector.shape_cast %broadcast_in_dim3A_195 : vector<16x1xi32> to vector<16xi32>
      %gather3A_197 = tpu.dynamic_gather %get3A_127[%gather3A_196] in [0] : vector<16xf32>, vector<16xi32> -> vector<16xf32>
      %mul3A_198 = arith.constant -2.000000e+00 : f32
      %mul3A_199 = vector.broadcast %mul3A_198 : f32 to vector<16xf32>
      %mul3A_200 = arith.mulf %gather3A_197, %mul3A_199 : vector<16xf32>
      %broadcast_in_dim3A_201 = vector.shape_cast %broadcast_in_dim3A_78 : vector<16xi32> to vector<16x1xi32>
      %gather3A_202 = vector.shape_cast %broadcast_in_dim3A_201 : vector<16x1xi32> to vector<16xi32>
      %gather3A_203 = tpu.dynamic_gather %get3A_121[%gather3A_202] in [0] : vector<16xf32>, vector<16xi32> -> vector<16xf32>
      %mul3A_204 = arith.constant -2.000000e+00 : f32
      %mul3A_205 = vector.broadcast %mul3A_204 : f32 to vector<16xf32>
      %mul3A_206 = arith.mulf %gather3A_203, %mul3A_205 : vector<16xf32>
      %broadcast_in_dim3A_207 = vector.shape_cast %broadcast_in_dim3A_78 : vector<16xi32> to vector<16x1xi32>
      %gather3A_208 = vector.shape_cast %broadcast_in_dim3A_207 : vector<16x1xi32> to vector<16xi32>
      %gather3A_209 = tpu.dynamic_gather %get3A_124[%gather3A_208] in [0] : vector<16xf32>, vector<16xi32> -> vector<16xf32>
      %mul3A_210 = arith.constant -2.000000e+00 : f32
      %mul3A_211 = vector.broadcast %mul3A_210 : f32 to vector<16xf32>
      %mul3A_212 = arith.mulf %gather3A_209, %mul3A_211 : vector<16xf32>
      %broadcast_in_dim3A_213 = vector.shape_cast %broadcast_in_dim3A_78 : vector<16xi32> to vector<16x1xi32>
      %gather3A_214 = vector.shape_cast %broadcast_in_dim3A_213 : vector<16x1xi32> to vector<16xi32>
      %gather3A_215 = tpu.dynamic_gather %get3A_127[%gather3A_214] in [0] : vector<16xf32>, vector<16xi32> -> vector<16xf32>
      %mul3A_216 = arith.constant -2.000000e+00 : f32
      %mul3A_217 = vector.broadcast %mul3A_216 : f32 to vector<16xf32>
      %mul3A_218 = arith.mulf %gather3A_215, %mul3A_217 : vector<16xf32>
      %broadcast_in_dim3A_219 = vector.shape_cast %broadcast_in_dim3A_80 : vector<16xi32> to vector<16x1xi32>
      %gather3A_220 = vector.shape_cast %broadcast_in_dim3A_219 : vector<16x1xi32> to vector<16xi32>
      %gather3A_221 = tpu.dynamic_gather %get3A_121[%gather3A_220] in [0] : vector<16xf32>, vector<16xi32> -> vector<16xf32>
      %mul3A_222 = arith.constant -2.000000e+00 : f32
      %mul3A_223 = vector.broadcast %mul3A_222 : f32 to vector<16xf32>
      %mul3A_224 = arith.mulf %gather3A_221, %mul3A_223 : vector<16xf32>
      %broadcast_in_dim3A_225 = vector.shape_cast %broadcast_in_dim3A_80 : vector<16xi32> to vector<16x1xi32>
      %gather3A_226 = vector.shape_cast %broadcast_in_dim3A_225 : vector<16x1xi32> to vector<16xi32>
      %gather3A_227 = tpu.dynamic_gather %get3A_124[%gather3A_226] in [0] : vector<16xf32>, vector<16xi32> -> vector<16xf32>
      %mul3A_228 = arith.constant -2.000000e+00 : f32
      %mul3A_229 = vector.broadcast %mul3A_228 : f32 to vector<16xf32>
      %mul3A_230 = arith.mulf %gather3A_227, %mul3A_229 : vector<16xf32>
      %broadcast_in_dim3A_231 = vector.shape_cast %broadcast_in_dim3A_80 : vector<16xi32> to vector<16x1xi32>
      %gather3A_232 = vector.shape_cast %broadcast_in_dim3A_231 : vector<16x1xi32> to vector<16xi32>
      %gather3A_233 = tpu.dynamic_gather %get3A_127[%gather3A_232] in [0] : vector<16xf32>, vector<16xi32> -> vector<16xf32>
      %mul3A_234 = arith.constant -2.000000e+00 : f32
      %mul3A_235 = vector.broadcast %mul3A_234 : f32 to vector<16xf32>
      %mul3A_236 = arith.mulf %gather3A_233, %mul3A_235 : vector<16xf32>
      %broadcast_in_dim3A_237 = vector.shape_cast %broadcast_in_dim3A_82 : vector<16xi32> to vector<16x1xi32>
      %gather3A_238 = vector.shape_cast %broadcast_in_dim3A_237 : vector<16x1xi32> to vector<16xi32>
      %gather3A_239 = tpu.dynamic_gather %get3A_121[%gather3A_238] in [0] : vector<16xf32>, vector<16xi32> -> vector<16xf32>
      %mul3A_240 = arith.constant -2.000000e+00 : f32
      %mul3A_241 = vector.broadcast %mul3A_240 : f32 to vector<16xf32>
      %mul3A_242 = arith.mulf %gather3A_239, %mul3A_241 : vector<16xf32>
      %broadcast_in_dim3A_243 = vector.shape_cast %broadcast_in_dim3A_82 : vector<16xi32> to vector<16x1xi32>
      %gather3A_244 = vector.shape_cast %broadcast_in_dim3A_243 : vector<16x1xi32> to vector<16xi32>
      %gather3A_245 = tpu.dynamic_gather %get3A_124[%gather3A_244] in [0] : vector<16xf32>, vector<16xi32> -> vector<16xf32>
      %mul3A_246 = arith.constant -2.000000e+00 : f32
      %mul3A_247 = vector.broadcast %mul3A_246 : f32 to vector<16xf32>
      %mul3A_248 = arith.mulf %gather3A_245, %mul3A_247 : vector<16xf32>
      %broadcast_in_dim3A_249 = vector.shape_cast %broadcast_in_dim3A_82 : vector<16xi32> to vector<16x1xi32>
      %gather3A_250 = vector.shape_cast %broadcast_in_dim3A_249 : vector<16x1xi32> to vector<16xi32>
      %gather3A_251 = tpu.dynamic_gather %get3A_127[%gather3A_250] in [0] : vector<16xf32>, vector<16xi32> -> vector<16xf32>
      %mul3A_252 = arith.constant -2.000000e+00 : f32
      %mul3A_253 = vector.broadcast %mul3A_252 : f32 to vector<16xf32>
      %mul3A_254 = arith.mulf %gather3A_251, %mul3A_253 : vector<16xf32>
      %broadcast_in_dim3A_255 = vector.shape_cast %broadcast_in_dim3A_84 : vector<16xi32> to vector<16x1xi32>
      %gather3A_256 = vector.shape_cast %broadcast_in_dim3A_255 : vector<16x1xi32> to vector<16xi32>
      %gather3A_257 = tpu.dynamic_gather %get3A_121[%gather3A_256] in [0] : vector<16xf32>, vector<16xi32> -> vector<16xf32>
      %mul3A_258 = arith.constant -2.000000e+00 : f32
      %mul3A_259 = vector.broadcast %mul3A_258 : f32 to vector<16xf32>
      %mul3A_260 = arith.mulf %gather3A_257, %mul3A_259 : vector<16xf32>
      %broadcast_in_dim3A_261 = vector.shape_cast %broadcast_in_dim3A_84 : vector<16xi32> to vector<16x1xi32>
      %gather3A_262 = vector.shape_cast %broadcast_in_dim3A_261 : vector<16x1xi32> to vector<16xi32>
      %gather3A_263 = tpu.dynamic_gather %get3A_124[%gather3A_262] in [0] : vector<16xf32>, vector<16xi32> -> vector<16xf32>
      %mul3A_264 = arith.constant -2.000000e+00 : f32
      %mul3A_265 = vector.broadcast %mul3A_264 : f32 to vector<16xf32>
      %mul3A_266 = arith.mulf %gather3A_263, %mul3A_265 : vector<16xf32>
      %broadcast_in_dim3A_267 = vector.shape_cast %broadcast_in_dim3A_84 : vector<16xi32> to vector<16x1xi32>
      %gather3A_268 = vector.shape_cast %broadcast_in_dim3A_267 : vector<16x1xi32> to vector<16xi32>
      %gather3A_269 = tpu.dynamic_gather %get3A_127[%gather3A_268] in [0] : vector<16xf32>, vector<16xi32> -> vector<16xf32>
      %mul3A_270 = arith.constant -2.000000e+00 : f32
      %mul3A_271 = vector.broadcast %mul3A_270 : f32 to vector<16xf32>
      %mul3A_272 = arith.mulf %gather3A_269, %mul3A_271 : vector<16xf32>
      %broadcast_in_dim3A_273 = arith.constant 0x7F800000 : f32
      %broadcast_in_dim3A_274 = vector.broadcast %broadcast_in_dim3A_273 : f32 to vector<16xf32>
      %broadcast_in_dim3A_275 = arith.constant 0x7F800000 : f32
      %broadcast_in_dim3A_276 = vector.broadcast %broadcast_in_dim3A_275 : f32 to vector<16xf32>
      %broadcast_in_dim3A_277 = arith.constant 0x7F800000 : f32
      %broadcast_in_dim3A_278 = vector.broadcast %broadcast_in_dim3A_277 : f32 to vector<16xf32>
      %broadcast_in_dim3A_279 = arith.constant 0x7F800000 : f32
      %broadcast_in_dim3A_280 = vector.broadcast %broadcast_in_dim3A_279 : f32 to vector<16xf32>
      %broadcast_in_dim3A_281 = arith.constant 0x7F800000 : f32
      %broadcast_in_dim3A_282 = vector.broadcast %broadcast_in_dim3A_281 : f32 to vector<16xf32>
      %broadcast_in_dim3A_283 = arith.constant 0x7F800000 : f32
      %broadcast_in_dim3A_284 = vector.broadcast %broadcast_in_dim3A_283 : f32 to vector<16xf32>
      %broadcast_in_dim3A_285 = arith.constant 0x7F800000 : f32
      %broadcast_in_dim3A_286 = vector.broadcast %broadcast_in_dim3A_285 : f32 to vector<16xf32>
      %broadcast_in_dim3A_287 = arith.constant 0x7F800000 : f32
      %broadcast_in_dim3A_288 = vector.broadcast %broadcast_in_dim3A_287 : f32 to vector<16xf32>
      %scan3A_289 = arith.constant 0 : i32
      %scan3A_290 = arith.constant 128 : i32
      %scan3A_291 = arith.addi %scan3A_289, %scan3A_290 : i32
      %scan3A_292 = arith.constant 1 : i32
      %scan3A_293:8 = scf.for %scan3A_790 = %scan3A_289 to %scan3A_291 step %scan3A_292 iter_args(%scan3A_791 = %broadcast_in_dim3A_274, %scan3A_792 = %broadcast_in_dim3A_276, %scan3A_793 = %broadcast_in_dim3A_278, %scan3A_794 = %broadcast_in_dim3A_280, %scan3A_795 = %broadcast_in_dim3A_282, %scan3A_796 = %broadcast_in_dim3A_284, %scan3A_797 = %broadcast_in_dim3A_286, %scan3A_798 = %broadcast_in_dim3A_288) -> (vector<16xf32>, vector<16xf32>, vector<16xf32>, vector<16xf32>, vector<16xf32>, vector<16xf32>, vector<16xf32>, vector<16xf32>)  : i32 {
        %mul3A_799 = arith.constant 16 : i32
        %mul3A_800 = arith.muli %scan3A_790, %mul3A_799 : i32
        %get3A_801 = arith.index_cast %mul3A_800 : i32 to index
        %get3A_802 = tpu.vector_load %arg11[%get3A_801] {strides = array<i32>} : memref<2048xf32, #tpu.memory_space<vmem>>, vector<16xf32>,
        %get3A_803 = vector.shape_cast %get3A_802 : vector<16xf32> to vector<16xf32>
        %get3A_804 = arith.index_cast %mul3A_800 : i32 to index
        %get3A_805 = tpu.vector_load %arg12[%get3A_804] {strides = array<i32>} : memref<2048xf32, #tpu.memory_space<vmem>>, vector<16xf32>,
        %get3A_806 = vector.shape_cast %get3A_805 : vector<16xf32> to vector<16xf32>
        %get3A_807 = arith.index_cast %mul3A_800 : i32 to index
        %get3A_808 = tpu.vector_load %arg13[%get3A_807] {strides = array<i32>} : memref<2048xf32, #tpu.memory_space<vmem>>, vector<16xf32>,
        %get3A_809 = vector.shape_cast %get3A_808 : vector<16xf32> to vector<16xf32>
        %get3A_810 = arith.index_cast %mul3A_800 : i32 to index
        %get3A_811 = tpu.vector_load %arg15[%get3A_810] {strides = array<i32>} : memref<2048xf32, #tpu.memory_space<vmem>>, vector<16xf32>,
        %get3A_812 = vector.shape_cast %get3A_811 : vector<16xf32> to vector<16xf32>
        %mul3A_813 = arith.mulf %mul3A_134, %get3A_803 : vector<16xf32>
        %add3A_814 = arith.addf %mul3A_813, %get3A_812 : vector<16xf32>
        %mul3A_815 = arith.mulf %mul3A_140, %get3A_806 : vector<16xf32>
        %add3A_816 = arith.addf %mul3A_815, %add3A_814 : vector<16xf32>
        %mul3A_817 = arith.mulf %mul3A_146, %get3A_809 : vector<16xf32>
        %add3A_818 = arith.addf %mul3A_817, %add3A_816 : vector<16xf32>
        %min3A_819 = arith.minimumf %scan3A_791, %add3A_818 : vector<16xf32>
        %mul3A_820 = arith.mulf %mul3A_152, %get3A_803 : vector<16xf32>
        %add3A_821 = arith.addf %mul3A_820, %get3A_812 : vector<16xf32>
        %mul3A_822 = arith.mulf %mul3A_158, %get3A_806 : vector<16xf32>
        %add3A_823 = arith.addf %mul3A_822, %add3A_821 : vector<16xf32>
        %mul3A_824 = arith.mulf %mul3A_164, %get3A_809 : vector<16xf32>
        %add3A_825 = arith.addf %mul3A_824, %add3A_823 : vector<16xf32>
        %min3A_826 = arith.minimumf %scan3A_792, %add3A_825 : vector<16xf32>
        %mul3A_827 = arith.mulf %mul3A_170, %get3A_803 : vector<16xf32>
        %add3A_828 = arith.addf %mul3A_827, %get3A_812 : vector<16xf32>
        %mul3A_829 = arith.mulf %mul3A_176, %get3A_806 : vector<16xf32>
        %add3A_830 = arith.addf %mul3A_829, %add3A_828 : vector<16xf32>
        %mul3A_831 = arith.mulf %mul3A_182, %get3A_809 : vector<16xf32>
        %add3A_832 = arith.addf %mul3A_831, %add3A_830 : vector<16xf32>
        %min3A_833 = arith.minimumf %scan3A_793, %add3A_832 : vector<16xf32>
        %mul3A_834 = arith.mulf %mul3A_188, %get3A_803 : vector<16xf32>
        %add3A_835 = arith.addf %mul3A_834, %get3A_812 : vector<16xf32>
        %mul3A_836 = arith.mulf %mul3A_194, %get3A_806 : vector<16xf32>
        %add3A_837 = arith.addf %mul3A_836, %add3A_835 : vector<16xf32>
        %mul3A_838 = arith.mulf %mul3A_200, %get3A_809 : vector<16xf32>
        %add3A_839 = arith.addf %mul3A_838, %add3A_837 : vector<16xf32>
        %min3A_840 = arith.minimumf %scan3A_794, %add3A_839 : vector<16xf32>
        %mul3A_841 = arith.mulf %mul3A_206, %get3A_803 : vector<16xf32>
        %add3A_842 = arith.addf %mul3A_841, %get3A_812 : vector<16xf32>
        %mul3A_843 = arith.mulf %mul3A_212, %get3A_806 : vector<16xf32>
        %add3A_844 = arith.addf %mul3A_843, %add3A_842 : vector<16xf32>
        %mul3A_845 = arith.mulf %mul3A_218, %get3A_809 : vector<16xf32>
        %add3A_846 = arith.addf %mul3A_845, %add3A_844 : vector<16xf32>
        %min3A_847 = arith.minimumf %scan3A_795, %add3A_846 : vector<16xf32>
        %mul3A_848 = arith.mulf %mul3A_224, %get3A_803 : vector<16xf32>
        %add3A_849 = arith.addf %mul3A_848, %get3A_812 : vector<16xf32>
        %mul3A_850 = arith.mulf %mul3A_230, %get3A_806 : vector<16xf32>
        %add3A_851 = arith.addf %mul3A_850, %add3A_849 : vector<16xf32>
        %mul3A_852 = arith.mulf %mul3A_236, %get3A_809 : vector<16xf32>
        %add3A_853 = arith.addf %mul3A_852, %add3A_851 : vector<16xf32>
        %min3A_854 = arith.minimumf %scan3A_796, %add3A_853 : vector<16xf32>
        %mul3A_855 = arith.mulf %mul3A_242, %get3A_803 : vector<16xf32>
        %add3A_856 = arith.addf %mul3A_855, %get3A_812 : vector<16xf32>
        %mul3A_857 = arith.mulf %mul3A_248, %get3A_806 : vector<16xf32>
        %add3A_858 = arith.addf %mul3A_857, %add3A_856 : vector<16xf32>
        %mul3A_859 = arith.mulf %mul3A_254, %get3A_809 : vector<16xf32>
        %add3A_860 = arith.addf %mul3A_859, %add3A_858 : vector<16xf32>
        %min3A_861 = arith.minimumf %scan3A_797, %add3A_860 : vector<16xf32>
        %mul3A_862 = arith.mulf %mul3A_260, %get3A_803 : vector<16xf32>
        %add3A_863 = arith.addf %mul3A_862, %get3A_812 : vector<16xf32>
        %mul3A_864 = arith.mulf %mul3A_266, %get3A_806 : vector<16xf32>
        %add3A_865 = arith.addf %mul3A_864, %add3A_863 : vector<16xf32>
        %mul3A_866 = arith.mulf %mul3A_272, %get3A_809 : vector<16xf32>
        %add3A_867 = arith.addf %mul3A_866, %add3A_865 : vector<16xf32>
        %min3A_868 = arith.minimumf %scan3A_798, %add3A_867 : vector<16xf32>
        scf.yield %min3A_819, %min3A_826, %min3A_833, %min3A_840, %min3A_847, %min3A_854, %min3A_861, %min3A_868 : vector<16xf32>, vector<16xf32>, vector<16xf32>, vector<16xf32>, vector<16xf32>, vector<16xf32>, vector<16xf32>, vector<16xf32>
      }
      %scan3A_294 = arith.constant 128 : i32
      %broadcast_in_dim3A_295 = vector.shape_cast %and3A_69 : vector<16xi32> to vector<16x1xi32>
      %gather3A_296 = vector.shape_cast %broadcast_in_dim3A_295 : vector<16x1xi32> to vector<16xi32>
      %gather3A_297 = tpu.dynamic_gather %scan3A_293#0[%gather3A_296] in [0] : vector<16xf32>, vector<16xi32> -> vector<16xf32>
      %min3A = arith.minimumf %scan3A_293#0, %gather3A_297 : vector<16xf32>
      %broadcast_in_dim3A_298 = vector.shape_cast %and3A_63 : vector<16xi32> to vector<16x1xi32>
      %gather3A_299 = vector.shape_cast %broadcast_in_dim3A_298 : vector<16x1xi32> to vector<16xi32>
      %gather3A_300 = tpu.dynamic_gather %min3A[%gather3A_299] in [0] : vector<16xf32>, vector<16xi32> -> vector<16xf32>
      %min3A_301 = arith.minimumf %min3A, %gather3A_300 : vector<16xf32>
      %broadcast_in_dim3A_302 = vector.shape_cast %and3A_57 : vector<16xi32> to vector<16x1xi32>
      %gather3A_303 = vector.shape_cast %broadcast_in_dim3A_302 : vector<16x1xi32> to vector<16xi32>
      %gather3A_304 = tpu.dynamic_gather %min3A_301[%gather3A_303] in [0] : vector<16xf32>, vector<16xi32> -> vector<16xf32>
      %min3A_305 = arith.minimumf %min3A_301, %gather3A_304 : vector<16xf32>
      %broadcast_in_dim3A_306 = vector.shape_cast %and3A_51 : vector<16xi32> to vector<16x1xi32>
      %gather3A_307 = vector.shape_cast %broadcast_in_dim3A_306 : vector<16x1xi32> to vector<16xi32>
      %gather3A_308 = tpu.dynamic_gather %min3A_305[%gather3A_307] in [0] : vector<16xf32>, vector<16xi32> -> vector<16xf32>
      %min3A_309 = arith.minimumf %min3A_305, %gather3A_308 : vector<16xf32>
      %eq3A_310 = arith.constant 0 : i32
      %eq3A_311 = vector.broadcast %eq3A_310 : i32 to vector<16xi32>
      %eq3A_312 = arith.cmpi eq, %iota3A, %eq3A_311 : vector<16xi32>
      %select_n3A_313 = arith.select %eq3A_312, %min3A_309, %broadcast_in_dim3A_129 : vector<16xi1>, vector<16xf32>
      %broadcast_in_dim3A_314 = vector.shape_cast %and3A_69 : vector<16xi32> to vector<16x1xi32>
      %gather3A_315 = vector.shape_cast %broadcast_in_dim3A_314 : vector<16x1xi32> to vector<16xi32>
      %gather3A_316 = tpu.dynamic_gather %scan3A_293#1[%gather3A_315] in [0] : vector<16xf32>, vector<16xi32> -> vector<16xf32>
      %min3A_317 = arith.minimumf %scan3A_293#1, %gather3A_316 : vector<16xf32>
      %broadcast_in_dim3A_318 = vector.shape_cast %and3A_63 : vector<16xi32> to vector<16x1xi32>
      %gather3A_319 = vector.shape_cast %broadcast_in_dim3A_318 : vector<16x1xi32> to vector<16xi32>
      %gather3A_320 = tpu.dynamic_gather %min3A_317[%gather3A_319] in [0] : vector<16xf32>, vector<16xi32> -> vector<16xf32>
      %min3A_321 = arith.minimumf %min3A_317, %gather3A_320 : vector<16xf32>
      %broadcast_in_dim3A_322 = vector.shape_cast %and3A_57 : vector<16xi32> to vector<16x1xi32>
      %gather3A_323 = vector.shape_cast %broadcast_in_dim3A_322 : vector<16x1xi32> to vector<16xi32>
      %gather3A_324 = tpu.dynamic_gather %min3A_321[%gather3A_323] in [0] : vector<16xf32>, vector<16xi32> -> vector<16xf32>
      %min3A_325 = arith.minimumf %min3A_321, %gather3A_324 : vector<16xf32>
      %broadcast_in_dim3A_326 = vector.shape_cast %and3A_51 : vector<16xi32> to vector<16x1xi32>
      %gather3A_327 = vector.shape_cast %broadcast_in_dim3A_326 : vector<16x1xi32> to vector<16xi32>
      %gather3A_328 = tpu.dynamic_gather %min3A_325[%gather3A_327] in [0] : vector<16xf32>, vector<16xi32> -> vector<16xf32>
      %min3A_329 = arith.minimumf %min3A_325, %gather3A_328 : vector<16xf32>
      %eq3A_330 = arith.constant 1 : i32
      %eq3A_331 = vector.broadcast %eq3A_330 : i32 to vector<16xi32>
      %eq3A_332 = arith.cmpi eq, %iota3A, %eq3A_331 : vector<16xi32>
      %select_n3A_333 = arith.select %eq3A_332, %min3A_329, %select_n3A_313 : vector<16xi1>, vector<16xf32>
      %broadcast_in_dim3A_334 = vector.shape_cast %and3A_69 : vector<16xi32> to vector<16x1xi32>
      %gather3A_335 = vector.shape_cast %broadcast_in_dim3A_334 : vector<16x1xi32> to vector<16xi32>
      %gather3A_336 = tpu.dynamic_gather %scan3A_293#2[%gather3A_335] in [0] : vector<16xf32>, vector<16xi32> -> vector<16xf32>
      %min3A_337 = arith.minimumf %scan3A_293#2, %gather3A_336 : vector<16xf32>
      %broadcast_in_dim3A_338 = vector.shape_cast %and3A_63 : vector<16xi32> to vector<16x1xi32>
      %gather3A_339 = vector.shape_cast %broadcast_in_dim3A_338 : vector<16x1xi32> to vector<16xi32>
      %gather3A_340 = tpu.dynamic_gather %min3A_337[%gather3A_339] in [0] : vector<16xf32>, vector<16xi32> -> vector<16xf32>
      %min3A_341 = arith.minimumf %min3A_337, %gather3A_340 : vector<16xf32>
      %broadcast_in_dim3A_342 = vector.shape_cast %and3A_57 : vector<16xi32> to vector<16x1xi32>
      %gather3A_343 = vector.shape_cast %broadcast_in_dim3A_342 : vector<16x1xi32> to vector<16xi32>
      %gather3A_344 = tpu.dynamic_gather %min3A_341[%gather3A_343] in [0] : vector<16xf32>, vector<16xi32> -> vector<16xf32>
      %min3A_345 = arith.minimumf %min3A_341, %gather3A_344 : vector<16xf32>
      %broadcast_in_dim3A_346 = vector.shape_cast %and3A_51 : vector<16xi32> to vector<16x1xi32>
      %gather3A_347 = vector.shape_cast %broadcast_in_dim3A_346 : vector<16x1xi32> to vector<16xi32>
      %gather3A_348 = tpu.dynamic_gather %min3A_345[%gather3A_347] in [0] : vector<16xf32>, vector<16xi32> -> vector<16xf32>
      %min3A_349 = arith.minimumf %min3A_345, %gather3A_348 : vector<16xf32>
      %eq3A_350 = arith.constant 2 : i32
      %eq3A_351 = vector.broadcast %eq3A_350 : i32 to vector<16xi32>
      %eq3A_352 = arith.cmpi eq, %iota3A, %eq3A_351 : vector<16xi32>
      %select_n3A_353 = arith.select %eq3A_352, %min3A_349, %select_n3A_333 : vector<16xi1>, vector<16xf32>
      %broadcast_in_dim3A_354 = vector.shape_cast %and3A_69 : vector<16xi32> to vector<16x1xi32>
      %gather3A_355 = vector.shape_cast %broadcast_in_dim3A_354 : vector<16x1xi32> to vector<16xi32>
      %gather3A_356 = tpu.dynamic_gather %scan3A_293#3[%gather3A_355] in [0] : vector<16xf32>, vector<16xi32> -> vector<16xf32>
      %min3A_357 = arith.minimumf %scan3A_293#3, %gather3A_356 : vector<16xf32>
      %broadcast_in_dim3A_358 = vector.shape_cast %and3A_63 : vector<16xi32> to vector<16x1xi32>
      %gather3A_359 = vector.shape_cast %broadcast_in_dim3A_358 : vector<16x1xi32> to vector<16xi32>
      %gather3A_360 = tpu.dynamic_gather %min3A_357[%gather3A_359] in [0] : vector<16xf32>, vector<16xi32> -> vector<16xf32>
      %min3A_361 = arith.minimumf %min3A_357, %gather3A_360 : vector<16xf32>
      %broadcast_in_dim3A_362 = vector.shape_cast %and3A_57 : vector<16xi32> to vector<16x1xi32>
      %gather3A_363 = vector.shape_cast %broadcast_in_dim3A_362 : vector<16x1xi32> to vector<16xi32>
      %gather3A_364 = tpu.dynamic_gather %min3A_361[%gather3A_363] in [0] : vector<16xf32>, vector<16xi32> -> vector<16xf32>
      %min3A_365 = arith.minimumf %min3A_361, %gather3A_364 : vector<16xf32>
      %broadcast_in_dim3A_366 = vector.shape_cast %and3A_51 : vector<16xi32> to vector<16x1xi32>
      %gather3A_367 = vector.shape_cast %broadcast_in_dim3A_366 : vector<16x1xi32> to vector<16xi32>
      %gather3A_368 = tpu.dynamic_gather %min3A_365[%gather3A_367] in [0] : vector<16xf32>, vector<16xi32> -> vector<16xf32>
      %min3A_369 = arith.minimumf %min3A_365, %gather3A_368 : vector<16xf32>
      %eq3A_370 = arith.constant 3 : i32
      %eq3A_371 = vector.broadcast %eq3A_370 : i32 to vector<16xi32>
      %eq3A_372 = arith.cmpi eq, %iota3A, %eq3A_371 : vector<16xi32>
      %select_n3A_373 = arith.select %eq3A_372, %min3A_369, %select_n3A_353 : vector<16xi1>, vector<16xf32>
      %broadcast_in_dim3A_374 = vector.shape_cast %and3A_69 : vector<16xi32> to vector<16x1xi32>
      %gather3A_375 = vector.shape_cast %broadcast_in_dim3A_374 : vector<16x1xi32> to vector<16xi32>
      %gather3A_376 = tpu.dynamic_gather %scan3A_293#4[%gather3A_375] in [0] : vector<16xf32>, vector<16xi32> -> vector<16xf32>
      %min3A_377 = arith.minimumf %scan3A_293#4, %gather3A_376 : vector<16xf32>
      %broadcast_in_dim3A_378 = vector.shape_cast %and3A_63 : vector<16xi32> to vector<16x1xi32>
      %gather3A_379 = vector.shape_cast %broadcast_in_dim3A_378 : vector<16x1xi32> to vector<16xi32>
      %gather3A_380 = tpu.dynamic_gather %min3A_377[%gather3A_379] in [0] : vector<16xf32>, vector<16xi32> -> vector<16xf32>
      %min3A_381 = arith.minimumf %min3A_377, %gather3A_380 : vector<16xf32>
      %broadcast_in_dim3A_382 = vector.shape_cast %and3A_57 : vector<16xi32> to vector<16x1xi32>
      %gather3A_383 = vector.shape_cast %broadcast_in_dim3A_382 : vector<16x1xi32> to vector<16xi32>
      %gather3A_384 = tpu.dynamic_gather %min3A_381[%gather3A_383] in [0] : vector<16xf32>, vector<16xi32> -> vector<16xf32>
      %min3A_385 = arith.minimumf %min3A_381, %gather3A_384 : vector<16xf32>
      %broadcast_in_dim3A_386 = vector.shape_cast %and3A_51 : vector<16xi32> to vector<16x1xi32>
      %gather3A_387 = vector.shape_cast %broadcast_in_dim3A_386 : vector<16x1xi32> to vector<16xi32>
      %gather3A_388 = tpu.dynamic_gather %min3A_385[%gather3A_387] in [0] : vector<16xf32>, vector<16xi32> -> vector<16xf32>
      %min3A_389 = arith.minimumf %min3A_385, %gather3A_388 : vector<16xf32>
      %eq3A_390 = arith.constant 4 : i32
      %eq3A_391 = vector.broadcast %eq3A_390 : i32 to vector<16xi32>
      %eq3A_392 = arith.cmpi eq, %iota3A, %eq3A_391 : vector<16xi32>
      %select_n3A_393 = arith.select %eq3A_392, %min3A_389, %select_n3A_373 : vector<16xi1>, vector<16xf32>
      %broadcast_in_dim3A_394 = vector.shape_cast %and3A_69 : vector<16xi32> to vector<16x1xi32>
      %gather3A_395 = vector.shape_cast %broadcast_in_dim3A_394 : vector<16x1xi32> to vector<16xi32>
      %gather3A_396 = tpu.dynamic_gather %scan3A_293#5[%gather3A_395] in [0] : vector<16xf32>, vector<16xi32> -> vector<16xf32>
      %min3A_397 = arith.minimumf %scan3A_293#5, %gather3A_396 : vector<16xf32>
      %broadcast_in_dim3A_398 = vector.shape_cast %and3A_63 : vector<16xi32> to vector<16x1xi32>
      %gather3A_399 = vector.shape_cast %broadcast_in_dim3A_398 : vector<16x1xi32> to vector<16xi32>
      %gather3A_400 = tpu.dynamic_gather %min3A_397[%gather3A_399] in [0] : vector<16xf32>, vector<16xi32> -> vector<16xf32>
      %min3A_401 = arith.minimumf %min3A_397, %gather3A_400 : vector<16xf32>
      %broadcast_in_dim3A_402 = vector.shape_cast %and3A_57 : vector<16xi32> to vector<16x1xi32>
      %gather3A_403 = vector.shape_cast %broadcast_in_dim3A_402 : vector<16x1xi32> to vector<16xi32>
      %gather3A_404 = tpu.dynamic_gather %min3A_401[%gather3A_403] in [0] : vector<16xf32>, vector<16xi32> -> vector<16xf32>
      %min3A_405 = arith.minimumf %min3A_401, %gather3A_404 : vector<16xf32>
      %broadcast_in_dim3A_406 = vector.shape_cast %and3A_51 : vector<16xi32> to vector<16x1xi32>
      %gather3A_407 = vector.shape_cast %broadcast_in_dim3A_406 : vector<16x1xi32> to vector<16xi32>
      %gather3A_408 = tpu.dynamic_gather %min3A_405[%gather3A_407] in [0] : vector<16xf32>, vector<16xi32> -> vector<16xf32>
      %min3A_409 = arith.minimumf %min3A_405, %gather3A_408 : vector<16xf32>
      %eq3A_410 = arith.constant 5 : i32
      %eq3A_411 = vector.broadcast %eq3A_410 : i32 to vector<16xi32>
      %eq3A_412 = arith.cmpi eq, %iota3A, %eq3A_411 : vector<16xi32>
      %select_n3A_413 = arith.select %eq3A_412, %min3A_409, %select_n3A_393 : vector<16xi1>, vector<16xf32>
      %broadcast_in_dim3A_414 = vector.shape_cast %and3A_69 : vector<16xi32> to vector<16x1xi32>
      %gather3A_415 = vector.shape_cast %broadcast_in_dim3A_414 : vector<16x1xi32> to vector<16xi32>
      %gather3A_416 = tpu.dynamic_gather %scan3A_293#6[%gather3A_415] in [0] : vector<16xf32>, vector<16xi32> -> vector<16xf32>
      %min3A_417 = arith.minimumf %scan3A_293#6, %gather3A_416 : vector<16xf32>
      %broadcast_in_dim3A_418 = vector.shape_cast %and3A_63 : vector<16xi32> to vector<16x1xi32>
      %gather3A_419 = vector.shape_cast %broadcast_in_dim3A_418 : vector<16x1xi32> to vector<16xi32>
      %gather3A_420 = tpu.dynamic_gather %min3A_417[%gather3A_419] in [0] : vector<16xf32>, vector<16xi32> -> vector<16xf32>
      %min3A_421 = arith.minimumf %min3A_417, %gather3A_420 : vector<16xf32>
      %broadcast_in_dim3A_422 = vector.shape_cast %and3A_57 : vector<16xi32> to vector<16x1xi32>
      %gather3A_423 = vector.shape_cast %broadcast_in_dim3A_422 : vector<16x1xi32> to vector<16xi32>
      %gather3A_424 = tpu.dynamic_gather %min3A_421[%gather3A_423] in [0] : vector<16xf32>, vector<16xi32> -> vector<16xf32>
      %min3A_425 = arith.minimumf %min3A_421, %gather3A_424 : vector<16xf32>
      %broadcast_in_dim3A_426 = vector.shape_cast %and3A_51 : vector<16xi32> to vector<16x1xi32>
      %gather3A_427 = vector.shape_cast %broadcast_in_dim3A_426 : vector<16x1xi32> to vector<16xi32>
      %gather3A_428 = tpu.dynamic_gather %min3A_425[%gather3A_427] in [0] : vector<16xf32>, vector<16xi32> -> vector<16xf32>
      %min3A_429 = arith.minimumf %min3A_425, %gather3A_428 : vector<16xf32>
      %eq3A_430 = arith.constant 6 : i32
      %eq3A_431 = vector.broadcast %eq3A_430 : i32 to vector<16xi32>
      %eq3A_432 = arith.cmpi eq, %iota3A, %eq3A_431 : vector<16xi32>
      %select_n3A_433 = arith.select %eq3A_432, %min3A_429, %select_n3A_413 : vector<16xi1>, vector<16xf32>
      %broadcast_in_dim3A_434 = vector.shape_cast %and3A_69 : vector<16xi32> to vector<16x1xi32>
      %gather3A_435 = vector.shape_cast %broadcast_in_dim3A_434 : vector<16x1xi32> to vector<16xi32>
      %gather3A_436 = tpu.dynamic_gather %scan3A_293#7[%gather3A_435] in [0] : vector<16xf32>, vector<16xi32> -> vector<16xf32>
      %min3A_437 = arith.minimumf %scan3A_293#7, %gather3A_436 : vector<16xf32>
      %broadcast_in_dim3A_438 = vector.shape_cast %and3A_63 : vector<16xi32> to vector<16x1xi32>
      %gather3A_439 = vector.shape_cast %broadcast_in_dim3A_438 : vector<16x1xi32> to vector<16xi32>
      %gather3A_440 = tpu.dynamic_gather %min3A_437[%gather3A_439] in [0] : vector<16xf32>, vector<16xi32> -> vector<16xf32>
      %min3A_441 = arith.minimumf %min3A_437, %gather3A_440 : vector<16xf32>
      %broadcast_in_dim3A_442 = vector.shape_cast %and3A_57 : vector<16xi32> to vector<16x1xi32>
      %gather3A_443 = vector.shape_cast %broadcast_in_dim3A_442 : vector<16x1xi32> to vector<16xi32>
      %gather3A_444 = tpu.dynamic_gather %min3A_441[%gather3A_443] in [0] : vector<16xf32>, vector<16xi32> -> vector<16xf32>
      %min3A_445 = arith.minimumf %min3A_441, %gather3A_444 : vector<16xf32>
      %broadcast_in_dim3A_446 = vector.shape_cast %and3A_51 : vector<16xi32> to vector<16x1xi32>
      %gather3A_447 = vector.shape_cast %broadcast_in_dim3A_446 : vector<16x1xi32> to vector<16xi32>
      %gather3A_448 = tpu.dynamic_gather %min3A_445[%gather3A_447] in [0] : vector<16xf32>, vector<16xi32> -> vector<16xf32>
      %min3A_449 = arith.minimumf %min3A_445, %gather3A_448 : vector<16xf32>
      %eq3A_450 = arith.constant 7 : i32
      %eq3A_451 = vector.broadcast %eq3A_450 : i32 to vector<16xi32>
      %eq3A_452 = arith.cmpi eq, %iota3A, %eq3A_451 : vector<16xi32>
      %select_n3A_453 = arith.select %eq3A_452, %min3A_449, %select_n3A_433 : vector<16xi1>, vector<16xf32>
      %broadcast_in_dim3A_454 = vector.shape_cast %broadcast_in_dim3A_86 : vector<16xi32> to vector<16x1xi32>
      %gather3A_455 = vector.shape_cast %broadcast_in_dim3A_454 : vector<16x1xi32> to vector<16xi32>
      %gather3A_456 = tpu.dynamic_gather %get3A_121[%gather3A_455] in [0] : vector<16xf32>, vector<16xi32> -> vector<16xf32>
      %mul3A_457 = arith.constant -2.000000e+00 : f32
      %mul3A_458 = vector.broadcast %mul3A_457 : f32 to vector<16xf32>
      %mul3A_459 = arith.mulf %gather3A_456, %mul3A_458 : vector<16xf32>
      %broadcast_in_dim3A_460 = vector.shape_cast %broadcast_in_dim3A_86 : vector<16xi32> to vector<16x1xi32>
      %gather3A_461 = vector.shape_cast %broadcast_in_dim3A_460 : vector<16x1xi32> to vector<16xi32>
      %gather3A_462 = tpu.dynamic_gather %get3A_124[%gather3A_461] in [0] : vector<16xf32>, vector<16xi32> -> vector<16xf32>
      %mul3A_463 = arith.constant -2.000000e+00 : f32
      %mul3A_464 = vector.broadcast %mul3A_463 : f32 to vector<16xf32>
      %mul3A_465 = arith.mulf %gather3A_462, %mul3A_464 : vector<16xf32>
      %broadcast_in_dim3A_466 = vector.shape_cast %broadcast_in_dim3A_86 : vector<16xi32> to vector<16x1xi32>
      %gather3A_467 = vector.shape_cast %broadcast_in_dim3A_466 : vector<16x1xi32> to vector<16xi32>
      %gather3A_468 = tpu.dynamic_gather %get3A_127[%gather3A_467] in [0] : vector<16xf32>, vector<16xi32> -> vector<16xf32>
      %mul3A_469 = arith.constant -2.000000e+00 : f32
      %mul3A_470 = vector.broadcast %mul3A_469 : f32 to vector<16xf32>
      %mul3A_471 = arith.mulf %gather3A_468, %mul3A_470 : vector<16xf32>
      %broadcast_in_dim3A_472 = vector.shape_cast %broadcast_in_dim3A_88 : vector<16xi32> to vector<16x1xi32>
      %gather3A_473 = vector.shape_cast %broadcast_in_dim3A_472 : vector<16x1xi32> to vector<16xi32>
      %gather3A_474 = tpu.dynamic_gather %get3A_121[%gather3A_473] in [0] : vector<16xf32>, vector<16xi32> -> vector<16xf32>
      %mul3A_475 = arith.constant -2.000000e+00 : f32
      %mul3A_476 = vector.broadcast %mul3A_475 : f32 to vector<16xf32>
      %mul3A_477 = arith.mulf %gather3A_474, %mul3A_476 : vector<16xf32>
      %broadcast_in_dim3A_478 = vector.shape_cast %broadcast_in_dim3A_88 : vector<16xi32> to vector<16x1xi32>
      %gather3A_479 = vector.shape_cast %broadcast_in_dim3A_478 : vector<16x1xi32> to vector<16xi32>
      %gather3A_480 = tpu.dynamic_gather %get3A_124[%gather3A_479] in [0] : vector<16xf32>, vector<16xi32> -> vector<16xf32>
      %mul3A_481 = arith.constant -2.000000e+00 : f32
      %mul3A_482 = vector.broadcast %mul3A_481 : f32 to vector<16xf32>
      %mul3A_483 = arith.mulf %gather3A_480, %mul3A_482 : vector<16xf32>
      %broadcast_in_dim3A_484 = vector.shape_cast %broadcast_in_dim3A_88 : vector<16xi32> to vector<16x1xi32>
      %gather3A_485 = vector.shape_cast %broadcast_in_dim3A_484 : vector<16x1xi32> to vector<16xi32>
      %gather3A_486 = tpu.dynamic_gather %get3A_127[%gather3A_485] in [0] : vector<16xf32>, vector<16xi32> -> vector<16xf32>
      %mul3A_487 = arith.constant -2.000000e+00 : f32
      %mul3A_488 = vector.broadcast %mul3A_487 : f32 to vector<16xf32>
      %mul3A_489 = arith.mulf %gather3A_486, %mul3A_488 : vector<16xf32>
      %broadcast_in_dim3A_490 = vector.shape_cast %broadcast_in_dim3A_90 : vector<16xi32> to vector<16x1xi32>
      %gather3A_491 = vector.shape_cast %broadcast_in_dim3A_490 : vector<16x1xi32> to vector<16xi32>
      %gather3A_492 = tpu.dynamic_gather %get3A_121[%gather3A_491] in [0] : vector<16xf32>, vector<16xi32> -> vector<16xf32>
      %mul3A_493 = arith.constant -2.000000e+00 : f32
      %mul3A_494 = vector.broadcast %mul3A_493 : f32 to vector<16xf32>
      %mul3A_495 = arith.mulf %gather3A_492, %mul3A_494 : vector<16xf32>
      %broadcast_in_dim3A_496 = vector.shape_cast %broadcast_in_dim3A_90 : vector<16xi32> to vector<16x1xi32>
      %gather3A_497 = vector.shape_cast %broadcast_in_dim3A_496 : vector<16x1xi32> to vector<16xi32>
      %gather3A_498 = tpu.dynamic_gather %get3A_124[%gather3A_497] in [0] : vector<16xf32>, vector<16xi32> -> vector<16xf32>
      %mul3A_499 = arith.constant -2.000000e+00 : f32
      %mul3A_500 = vector.broadcast %mul3A_499 : f32 to vector<16xf32>
      %mul3A_501 = arith.mulf %gather3A_498, %mul3A_500 : vector<16xf32>
      %broadcast_in_dim3A_502 = vector.shape_cast %broadcast_in_dim3A_90 : vector<16xi32> to vector<16x1xi32>
      %gather3A_503 = vector.shape_cast %broadcast_in_dim3A_502 : vector<16x1xi32> to vector<16xi32>
      %gather3A_504 = tpu.dynamic_gather %get3A_127[%gather3A_503] in [0] : vector<16xf32>, vector<16xi32> -> vector<16xf32>
      %mul3A_505 = arith.constant -2.000000e+00 : f32
      %mul3A_506 = vector.broadcast %mul3A_505 : f32 to vector<16xf32>
      %mul3A_507 = arith.mulf %gather3A_504, %mul3A_506 : vector<16xf32>
      %broadcast_in_dim3A_508 = vector.shape_cast %broadcast_in_dim3A_92 : vector<16xi32> to vector<16x1xi32>
      %gather3A_509 = vector.shape_cast %broadcast_in_dim3A_508 : vector<16x1xi32> to vector<16xi32>
      %gather3A_510 = tpu.dynamic_gather %get3A_121[%gather3A_509] in [0] : vector<16xf32>, vector<16xi32> -> vector<16xf32>
      %mul3A_511 = arith.constant -2.000000e+00 : f32
      %mul3A_512 = vector.broadcast %mul3A_511 : f32 to vector<16xf32>
      %mul3A_513 = arith.mulf %gather3A_510, %mul3A_512 : vector<16xf32>
      %broadcast_in_dim3A_514 = vector.shape_cast %broadcast_in_dim3A_92 : vector<16xi32> to vector<16x1xi32>
      %gather3A_515 = vector.shape_cast %broadcast_in_dim3A_514 : vector<16x1xi32> to vector<16xi32>
      %gather3A_516 = tpu.dynamic_gather %get3A_124[%gather3A_515] in [0] : vector<16xf32>, vector<16xi32> -> vector<16xf32>
      %mul3A_517 = arith.constant -2.000000e+00 : f32
      %mul3A_518 = vector.broadcast %mul3A_517 : f32 to vector<16xf32>
      %mul3A_519 = arith.mulf %gather3A_516, %mul3A_518 : vector<16xf32>
      %broadcast_in_dim3A_520 = vector.shape_cast %broadcast_in_dim3A_92 : vector<16xi32> to vector<16x1xi32>
      %gather3A_521 = vector.shape_cast %broadcast_in_dim3A_520 : vector<16x1xi32> to vector<16xi32>
      %gather3A_522 = tpu.dynamic_gather %get3A_127[%gather3A_521] in [0] : vector<16xf32>, vector<16xi32> -> vector<16xf32>
      %mul3A_523 = arith.constant -2.000000e+00 : f32
      %mul3A_524 = vector.broadcast %mul3A_523 : f32 to vector<16xf32>
      %mul3A_525 = arith.mulf %gather3A_522, %mul3A_524 : vector<16xf32>
      %broadcast_in_dim3A_526 = vector.shape_cast %broadcast_in_dim3A_94 : vector<16xi32> to vector<16x1xi32>
      %gather3A_527 = vector.shape_cast %broadcast_in_dim3A_526 : vector<16x1xi32> to vector<16xi32>
      %gather3A_528 = tpu.dynamic_gather %get3A_121[%gather3A_527] in [0] : vector<16xf32>, vector<16xi32> -> vector<16xf32>
      %mul3A_529 = arith.constant -2.000000e+00 : f32
      %mul3A_530 = vector.broadcast %mul3A_529 : f32 to vector<16xf32>
      %mul3A_531 = arith.mulf %gather3A_528, %mul3A_530 : vector<16xf32>
      %broadcast_in_dim3A_532 = vector.shape_cast %broadcast_in_dim3A_94 : vector<16xi32> to vector<16x1xi32>
      %gather3A_533 = vector.shape_cast %broadcast_in_dim3A_532 : vector<16x1xi32> to vector<16xi32>
      %gather3A_534 = tpu.dynamic_gather %get3A_124[%gather3A_533] in [0] : vector<16xf32>, vector<16xi32> -> vector<16xf32>
      %mul3A_535 = arith.constant -2.000000e+00 : f32
      %mul3A_536 = vector.broadcast %mul3A_535 : f32 to vector<16xf32>
      %mul3A_537 = arith.mulf %gather3A_534, %mul3A_536 : vector<16xf32>
      %broadcast_in_dim3A_538 = vector.shape_cast %broadcast_in_dim3A_94 : vector<16xi32> to vector<16x1xi32>
      %gather3A_539 = vector.shape_cast %broadcast_in_dim3A_538 : vector<16x1xi32> to vector<16xi32>
      %gather3A_540 = tpu.dynamic_gather %get3A_127[%gather3A_539] in [0] : vector<16xf32>, vector<16xi32> -> vector<16xf32>
      %mul3A_541 = arith.constant -2.000000e+00 : f32
      %mul3A_542 = vector.broadcast %mul3A_541 : f32 to vector<16xf32>
      %mul3A_543 = arith.mulf %gather3A_540, %mul3A_542 : vector<16xf32>
      %broadcast_in_dim3A_544 = vector.shape_cast %broadcast_in_dim3A_96 : vector<16xi32> to vector<16x1xi32>
      %gather3A_545 = vector.shape_cast %broadcast_in_dim3A_544 : vector<16x1xi32> to vector<16xi32>
      %gather3A_546 = tpu.dynamic_gather %get3A_121[%gather3A_545] in [0] : vector<16xf32>, vector<16xi32> -> vector<16xf32>
      %mul3A_547 = arith.constant -2.000000e+00 : f32
      %mul3A_548 = vector.broadcast %mul3A_547 : f32 to vector<16xf32>
      %mul3A_549 = arith.mulf %gather3A_546, %mul3A_548 : vector<16xf32>
      %broadcast_in_dim3A_550 = vector.shape_cast %broadcast_in_dim3A_96 : vector<16xi32> to vector<16x1xi32>
      %gather3A_551 = vector.shape_cast %broadcast_in_dim3A_550 : vector<16x1xi32> to vector<16xi32>
      %gather3A_552 = tpu.dynamic_gather %get3A_124[%gather3A_551] in [0] : vector<16xf32>, vector<16xi32> -> vector<16xf32>
      %mul3A_553 = arith.constant -2.000000e+00 : f32
      %mul3A_554 = vector.broadcast %mul3A_553 : f32 to vector<16xf32>
      %mul3A_555 = arith.mulf %gather3A_552, %mul3A_554 : vector<16xf32>
      %broadcast_in_dim3A_556 = vector.shape_cast %broadcast_in_dim3A_96 : vector<16xi32> to vector<16x1xi32>
      %gather3A_557 = vector.shape_cast %broadcast_in_dim3A_556 : vector<16x1xi32> to vector<16xi32>
      %gather3A_558 = tpu.dynamic_gather %get3A_127[%gather3A_557] in [0] : vector<16xf32>, vector<16xi32> -> vector<16xf32>
      %mul3A_559 = arith.constant -2.000000e+00 : f32
      %mul3A_560 = vector.broadcast %mul3A_559 : f32 to vector<16xf32>
      %mul3A_561 = arith.mulf %gather3A_558, %mul3A_560 : vector<16xf32>
      %broadcast_in_dim3A_562 = vector.shape_cast %broadcast_in_dim3A_98 : vector<16xi32> to vector<16x1xi32>
      %gather3A_563 = vector.shape_cast %broadcast_in_dim3A_562 : vector<16x1xi32> to vector<16xi32>
      %gather3A_564 = tpu.dynamic_gather %get3A_121[%gather3A_563] in [0] : vector<16xf32>, vector<16xi32> -> vector<16xf32>
      %mul3A_565 = arith.constant -2.000000e+00 : f32
      %mul3A_566 = vector.broadcast %mul3A_565 : f32 to vector<16xf32>
      %mul3A_567 = arith.mulf %gather3A_564, %mul3A_566 : vector<16xf32>
      %broadcast_in_dim3A_568 = vector.shape_cast %broadcast_in_dim3A_98 : vector<16xi32> to vector<16x1xi32>
      %gather3A_569 = vector.shape_cast %broadcast_in_dim3A_568 : vector<16x1xi32> to vector<16xi32>
      %gather3A_570 = tpu.dynamic_gather %get3A_124[%gather3A_569] in [0] : vector<16xf32>, vector<16xi32> -> vector<16xf32>
      %mul3A_571 = arith.constant -2.000000e+00 : f32
      %mul3A_572 = vector.broadcast %mul3A_571 : f32 to vector<16xf32>
      %mul3A_573 = arith.mulf %gather3A_570, %mul3A_572 : vector<16xf32>
      %broadcast_in_dim3A_574 = vector.shape_cast %broadcast_in_dim3A_98 : vector<16xi32> to vector<16x1xi32>
      %gather3A_575 = vector.shape_cast %broadcast_in_dim3A_574 : vector<16x1xi32> to vector<16xi32>
      %gather3A_576 = tpu.dynamic_gather %get3A_127[%gather3A_575] in [0] : vector<16xf32>, vector<16xi32> -> vector<16xf32>
      %mul3A_577 = arith.constant -2.000000e+00 : f32
      %mul3A_578 = vector.broadcast %mul3A_577 : f32 to vector<16xf32>
      %mul3A_579 = arith.mulf %gather3A_576, %mul3A_578 : vector<16xf32>
      %broadcast_in_dim3A_580 = vector.shape_cast %broadcast_in_dim3A_100 : vector<16xi32> to vector<16x1xi32>
      %gather3A_581 = vector.shape_cast %broadcast_in_dim3A_580 : vector<16x1xi32> to vector<16xi32>
      %gather3A_582 = tpu.dynamic_gather %get3A_121[%gather3A_581] in [0] : vector<16xf32>, vector<16xi32> -> vector<16xf32>
      %mul3A_583 = arith.constant -2.000000e+00 : f32
      %mul3A_584 = vector.broadcast %mul3A_583 : f32 to vector<16xf32>
      %mul3A_585 = arith.mulf %gather3A_582, %mul3A_584 : vector<16xf32>
      %broadcast_in_dim3A_586 = vector.shape_cast %broadcast_in_dim3A_100 : vector<16xi32> to vector<16x1xi32>
      %gather3A_587 = vector.shape_cast %broadcast_in_dim3A_586 : vector<16x1xi32> to vector<16xi32>
      %gather3A_588 = tpu.dynamic_gather %get3A_124[%gather3A_587] in [0] : vector<16xf32>, vector<16xi32> -> vector<16xf32>
      %mul3A_589 = arith.constant -2.000000e+00 : f32
      %mul3A_590 = vector.broadcast %mul3A_589 : f32 to vector<16xf32>
      %mul3A_591 = arith.mulf %gather3A_588, %mul3A_590 : vector<16xf32>
      %broadcast_in_dim3A_592 = vector.shape_cast %broadcast_in_dim3A_100 : vector<16xi32> to vector<16x1xi32>
      %gather3A_593 = vector.shape_cast %broadcast_in_dim3A_592 : vector<16x1xi32> to vector<16xi32>
      %gather3A_594 = tpu.dynamic_gather %get3A_127[%gather3A_593] in [0] : vector<16xf32>, vector<16xi32> -> vector<16xf32>
      %mul3A_595 = arith.constant -2.000000e+00 : f32
      %mul3A_596 = vector.broadcast %mul3A_595 : f32 to vector<16xf32>
      %mul3A_597 = arith.mulf %gather3A_594, %mul3A_596 : vector<16xf32>
      %broadcast_in_dim3A_598 = arith.constant 0x7F800000 : f32
      %broadcast_in_dim3A_599 = vector.broadcast %broadcast_in_dim3A_598 : f32 to vector<16xf32>
      %broadcast_in_dim3A_600 = arith.constant 0x7F800000 : f32
      %broadcast_in_dim3A_601 = vector.broadcast %broadcast_in_dim3A_600 : f32 to vector<16xf32>
      %broadcast_in_dim3A_602 = arith.constant 0x7F800000 : f32
      %broadcast_in_dim3A_603 = vector.broadcast %broadcast_in_dim3A_602 : f32 to vector<16xf32>
      %broadcast_in_dim3A_604 = arith.constant 0x7F800000 : f32
      %broadcast_in_dim3A_605 = vector.broadcast %broadcast_in_dim3A_604 : f32 to vector<16xf32>
      %broadcast_in_dim3A_606 = arith.constant 0x7F800000 : f32
      %broadcast_in_dim3A_607 = vector.broadcast %broadcast_in_dim3A_606 : f32 to vector<16xf32>
      %broadcast_in_dim3A_608 = arith.constant 0x7F800000 : f32
      %broadcast_in_dim3A_609 = vector.broadcast %broadcast_in_dim3A_608 : f32 to vector<16xf32>
      %broadcast_in_dim3A_610 = arith.constant 0x7F800000 : f32
      %broadcast_in_dim3A_611 = vector.broadcast %broadcast_in_dim3A_610 : f32 to vector<16xf32>
      %broadcast_in_dim3A_612 = arith.constant 0x7F800000 : f32
      %broadcast_in_dim3A_613 = vector.broadcast %broadcast_in_dim3A_612 : f32 to vector<16xf32>
      %scan3A_614 = arith.constant 0 : i32
      %scan3A_615 = arith.constant 128 : i32
      %scan3A_616 = arith.addi %scan3A_614, %scan3A_615 : i32
      %scan3A_617 = arith.constant 1 : i32
      %scan3A_618:8 = scf.for %scan3A_790 = %scan3A_614 to %scan3A_616 step %scan3A_617 iter_args(%scan3A_791 = %broadcast_in_dim3A_599, %scan3A_792 = %broadcast_in_dim3A_601, %scan3A_793 = %broadcast_in_dim3A_603, %scan3A_794 = %broadcast_in_dim3A_605, %scan3A_795 = %broadcast_in_dim3A_607, %scan3A_796 = %broadcast_in_dim3A_609, %scan3A_797 = %broadcast_in_dim3A_611, %scan3A_798 = %broadcast_in_dim3A_613) -> (vector<16xf32>, vector<16xf32>, vector<16xf32>, vector<16xf32>, vector<16xf32>, vector<16xf32>, vector<16xf32>, vector<16xf32>)  : i32 {
        %mul3A_799 = arith.constant 16 : i32
        %mul3A_800 = arith.muli %scan3A_790, %mul3A_799 : i32
        %get3A_801 = arith.index_cast %mul3A_800 : i32 to index
        %get3A_802 = tpu.vector_load %arg11[%get3A_801] {strides = array<i32>} : memref<2048xf32, #tpu.memory_space<vmem>>, vector<16xf32>,
        %get3A_803 = vector.shape_cast %get3A_802 : vector<16xf32> to vector<16xf32>
        %get3A_804 = arith.index_cast %mul3A_800 : i32 to index
        %get3A_805 = tpu.vector_load %arg12[%get3A_804] {strides = array<i32>} : memref<2048xf32, #tpu.memory_space<vmem>>, vector<16xf32>,
        %get3A_806 = vector.shape_cast %get3A_805 : vector<16xf32> to vector<16xf32>
        %get3A_807 = arith.index_cast %mul3A_800 : i32 to index
        %get3A_808 = tpu.vector_load %arg13[%get3A_807] {strides = array<i32>} : memref<2048xf32, #tpu.memory_space<vmem>>, vector<16xf32>,
        %get3A_809 = vector.shape_cast %get3A_808 : vector<16xf32> to vector<16xf32>
        %get3A_810 = arith.index_cast %mul3A_800 : i32 to index
        %get3A_811 = tpu.vector_load %arg15[%get3A_810] {strides = array<i32>} : memref<2048xf32, #tpu.memory_space<vmem>>, vector<16xf32>,
        %get3A_812 = vector.shape_cast %get3A_811 : vector<16xf32> to vector<16xf32>
        %mul3A_813 = arith.mulf %mul3A_459, %get3A_803 : vector<16xf32>
        %add3A_814 = arith.addf %mul3A_813, %get3A_812 : vector<16xf32>
        %mul3A_815 = arith.mulf %mul3A_465, %get3A_806 : vector<16xf32>
        %add3A_816 = arith.addf %mul3A_815, %add3A_814 : vector<16xf32>
        %mul3A_817 = arith.mulf %mul3A_471, %get3A_809 : vector<16xf32>
        %add3A_818 = arith.addf %mul3A_817, %add3A_816 : vector<16xf32>
        %min3A_819 = arith.minimumf %scan3A_791, %add3A_818 : vector<16xf32>
        %mul3A_820 = arith.mulf %mul3A_477, %get3A_803 : vector<16xf32>
        %add3A_821 = arith.addf %mul3A_820, %get3A_812 : vector<16xf32>
        %mul3A_822 = arith.mulf %mul3A_483, %get3A_806 : vector<16xf32>
        %add3A_823 = arith.addf %mul3A_822, %add3A_821 : vector<16xf32>
        %mul3A_824 = arith.mulf %mul3A_489, %get3A_809 : vector<16xf32>
        %add3A_825 = arith.addf %mul3A_824, %add3A_823 : vector<16xf32>
        %min3A_826 = arith.minimumf %scan3A_792, %add3A_825 : vector<16xf32>
        %mul3A_827 = arith.mulf %mul3A_495, %get3A_803 : vector<16xf32>
        %add3A_828 = arith.addf %mul3A_827, %get3A_812 : vector<16xf32>
        %mul3A_829 = arith.mulf %mul3A_501, %get3A_806 : vector<16xf32>
        %add3A_830 = arith.addf %mul3A_829, %add3A_828 : vector<16xf32>
        %mul3A_831 = arith.mulf %mul3A_507, %get3A_809 : vector<16xf32>
        %add3A_832 = arith.addf %mul3A_831, %add3A_830 : vector<16xf32>
        %min3A_833 = arith.minimumf %scan3A_793, %add3A_832 : vector<16xf32>
        %mul3A_834 = arith.mulf %mul3A_513, %get3A_803 : vector<16xf32>
        %add3A_835 = arith.addf %mul3A_834, %get3A_812 : vector<16xf32>
        %mul3A_836 = arith.mulf %mul3A_519, %get3A_806 : vector<16xf32>
        %add3A_837 = arith.addf %mul3A_836, %add3A_835 : vector<16xf32>
        %mul3A_838 = arith.mulf %mul3A_525, %get3A_809 : vector<16xf32>
        %add3A_839 = arith.addf %mul3A_838, %add3A_837 : vector<16xf32>
        %min3A_840 = arith.minimumf %scan3A_794, %add3A_839 : vector<16xf32>
        %mul3A_841 = arith.mulf %mul3A_531, %get3A_803 : vector<16xf32>
        %add3A_842 = arith.addf %mul3A_841, %get3A_812 : vector<16xf32>
        %mul3A_843 = arith.mulf %mul3A_537, %get3A_806 : vector<16xf32>
        %add3A_844 = arith.addf %mul3A_843, %add3A_842 : vector<16xf32>
        %mul3A_845 = arith.mulf %mul3A_543, %get3A_809 : vector<16xf32>
        %add3A_846 = arith.addf %mul3A_845, %add3A_844 : vector<16xf32>
        %min3A_847 = arith.minimumf %scan3A_795, %add3A_846 : vector<16xf32>
        %mul3A_848 = arith.mulf %mul3A_549, %get3A_803 : vector<16xf32>
        %add3A_849 = arith.addf %mul3A_848, %get3A_812 : vector<16xf32>
        %mul3A_850 = arith.mulf %mul3A_555, %get3A_806 : vector<16xf32>
        %add3A_851 = arith.addf %mul3A_850, %add3A_849 : vector<16xf32>
        %mul3A_852 = arith.mulf %mul3A_561, %get3A_809 : vector<16xf32>
        %add3A_853 = arith.addf %mul3A_852, %add3A_851 : vector<16xf32>
        %min3A_854 = arith.minimumf %scan3A_796, %add3A_853 : vector<16xf32>
        %mul3A_855 = arith.mulf %mul3A_567, %get3A_803 : vector<16xf32>
        %add3A_856 = arith.addf %mul3A_855, %get3A_812 : vector<16xf32>
        %mul3A_857 = arith.mulf %mul3A_573, %get3A_806 : vector<16xf32>
        %add3A_858 = arith.addf %mul3A_857, %add3A_856 : vector<16xf32>
        %mul3A_859 = arith.mulf %mul3A_579, %get3A_809 : vector<16xf32>
        %add3A_860 = arith.addf %mul3A_859, %add3A_858 : vector<16xf32>
        %min3A_861 = arith.minimumf %scan3A_797, %add3A_860 : vector<16xf32>
        %mul3A_862 = arith.mulf %mul3A_585, %get3A_803 : vector<16xf32>
        %add3A_863 = arith.addf %mul3A_862, %get3A_812 : vector<16xf32>
        %mul3A_864 = arith.mulf %mul3A_591, %get3A_806 : vector<16xf32>
        %add3A_865 = arith.addf %mul3A_864, %add3A_863 : vector<16xf32>
        %mul3A_866 = arith.mulf %mul3A_597, %get3A_809 : vector<16xf32>
        %add3A_867 = arith.addf %mul3A_866, %add3A_865 : vector<16xf32>
        %min3A_868 = arith.minimumf %scan3A_798, %add3A_867 : vector<16xf32>
        scf.yield %min3A_819, %min3A_826, %min3A_833, %min3A_840, %min3A_847, %min3A_854, %min3A_861, %min3A_868 : vector<16xf32>, vector<16xf32>, vector<16xf32>, vector<16xf32>, vector<16xf32>, vector<16xf32>, vector<16xf32>, vector<16xf32>
      }
      %scan3A_619 = arith.constant 128 : i32
      %broadcast_in_dim3A_620 = vector.shape_cast %and3A_69 : vector<16xi32> to vector<16x1xi32>
      %gather3A_621 = vector.shape_cast %broadcast_in_dim3A_620 : vector<16x1xi32> to vector<16xi32>
      %gather3A_622 = tpu.dynamic_gather %scan3A_618#0[%gather3A_621] in [0] : vector<16xf32>, vector<16xi32> -> vector<16xf32>
      %min3A_623 = arith.minimumf %scan3A_618#0, %gather3A_622 : vector<16xf32>
      %broadcast_in_dim3A_624 = vector.shape_cast %and3A_63 : vector<16xi32> to vector<16x1xi32>
      %gather3A_625 = vector.shape_cast %broadcast_in_dim3A_624 : vector<16x1xi32> to vector<16xi32>
      %gather3A_626 = tpu.dynamic_gather %min3A_623[%gather3A_625] in [0] : vector<16xf32>, vector<16xi32> -> vector<16xf32>
      %min3A_627 = arith.minimumf %min3A_623, %gather3A_626 : vector<16xf32>
      %broadcast_in_dim3A_628 = vector.shape_cast %and3A_57 : vector<16xi32> to vector<16x1xi32>
      %gather3A_629 = vector.shape_cast %broadcast_in_dim3A_628 : vector<16x1xi32> to vector<16xi32>
      %gather3A_630 = tpu.dynamic_gather %min3A_627[%gather3A_629] in [0] : vector<16xf32>, vector<16xi32> -> vector<16xf32>
      %min3A_631 = arith.minimumf %min3A_627, %gather3A_630 : vector<16xf32>
      %broadcast_in_dim3A_632 = vector.shape_cast %and3A_51 : vector<16xi32> to vector<16x1xi32>
      %gather3A_633 = vector.shape_cast %broadcast_in_dim3A_632 : vector<16x1xi32> to vector<16xi32>
      %gather3A_634 = tpu.dynamic_gather %min3A_631[%gather3A_633] in [0] : vector<16xf32>, vector<16xi32> -> vector<16xf32>
      %min3A_635 = arith.minimumf %min3A_631, %gather3A_634 : vector<16xf32>
      %eq3A_636 = arith.constant 8 : i32
      %eq3A_637 = vector.broadcast %eq3A_636 : i32 to vector<16xi32>
      %eq3A_638 = arith.cmpi eq, %iota3A, %eq3A_637 : vector<16xi32>
      %select_n3A_639 = arith.select %eq3A_638, %min3A_635, %select_n3A_453 : vector<16xi1>, vector<16xf32>
      %broadcast_in_dim3A_640 = vector.shape_cast %and3A_69 : vector<16xi32> to vector<16x1xi32>
      %gather3A_641 = vector.shape_cast %broadcast_in_dim3A_640 : vector<16x1xi32> to vector<16xi32>
      %gather3A_642 = tpu.dynamic_gather %scan3A_618#1[%gather3A_641] in [0] : vector<16xf32>, vector<16xi32> -> vector<16xf32>
      %min3A_643 = arith.minimumf %scan3A_618#1, %gather3A_642 : vector<16xf32>
      %broadcast_in_dim3A_644 = vector.shape_cast %and3A_63 : vector<16xi32> to vector<16x1xi32>
      %gather3A_645 = vector.shape_cast %broadcast_in_dim3A_644 : vector<16x1xi32> to vector<16xi32>
      %gather3A_646 = tpu.dynamic_gather %min3A_643[%gather3A_645] in [0] : vector<16xf32>, vector<16xi32> -> vector<16xf32>
      %min3A_647 = arith.minimumf %min3A_643, %gather3A_646 : vector<16xf32>
      %broadcast_in_dim3A_648 = vector.shape_cast %and3A_57 : vector<16xi32> to vector<16x1xi32>
      %gather3A_649 = vector.shape_cast %broadcast_in_dim3A_648 : vector<16x1xi32> to vector<16xi32>
      %gather3A_650 = tpu.dynamic_gather %min3A_647[%gather3A_649] in [0] : vector<16xf32>, vector<16xi32> -> vector<16xf32>
      %min3A_651 = arith.minimumf %min3A_647, %gather3A_650 : vector<16xf32>
      %broadcast_in_dim3A_652 = vector.shape_cast %and3A_51 : vector<16xi32> to vector<16x1xi32>
      %gather3A_653 = vector.shape_cast %broadcast_in_dim3A_652 : vector<16x1xi32> to vector<16xi32>
      %gather3A_654 = tpu.dynamic_gather %min3A_651[%gather3A_653] in [0] : vector<16xf32>, vector<16xi32> -> vector<16xf32>
      %min3A_655 = arith.minimumf %min3A_651, %gather3A_654 : vector<16xf32>
      %eq3A_656 = arith.constant 9 : i32
      %eq3A_657 = vector.broadcast %eq3A_656 : i32 to vector<16xi32>
      %eq3A_658 = arith.cmpi eq, %iota3A, %eq3A_657 : vector<16xi32>
      %select_n3A_659 = arith.select %eq3A_658, %min3A_655, %select_n3A_639 : vector<16xi1>, vector<16xf32>
      %broadcast_in_dim3A_660 = vector.shape_cast %and3A_69 : vector<16xi32> to vector<16x1xi32>
      %gather3A_661 = vector.shape_cast %broadcast_in_dim3A_660 : vector<16x1xi32> to vector<16xi32>
      %gather3A_662 = tpu.dynamic_gather %scan3A_618#2[%gather3A_661] in [0] : vector<16xf32>, vector<16xi32> -> vector<16xf32>
      %min3A_663 = arith.minimumf %scan3A_618#2, %gather3A_662 : vector<16xf32>
      %broadcast_in_dim3A_664 = vector.shape_cast %and3A_63 : vector<16xi32> to vector<16x1xi32>
      %gather3A_665 = vector.shape_cast %broadcast_in_dim3A_664 : vector<16x1xi32> to vector<16xi32>
      %gather3A_666 = tpu.dynamic_gather %min3A_663[%gather3A_665] in [0] : vector<16xf32>, vector<16xi32> -> vector<16xf32>
      %min3A_667 = arith.minimumf %min3A_663, %gather3A_666 : vector<16xf32>
      %broadcast_in_dim3A_668 = vector.shape_cast %and3A_57 : vector<16xi32> to vector<16x1xi32>
      %gather3A_669 = vector.shape_cast %broadcast_in_dim3A_668 : vector<16x1xi32> to vector<16xi32>
      %gather3A_670 = tpu.dynamic_gather %min3A_667[%gather3A_669] in [0] : vector<16xf32>, vector<16xi32> -> vector<16xf32>
      %min3A_671 = arith.minimumf %min3A_667, %gather3A_670 : vector<16xf32>
      %broadcast_in_dim3A_672 = vector.shape_cast %and3A_51 : vector<16xi32> to vector<16x1xi32>
      %gather3A_673 = vector.shape_cast %broadcast_in_dim3A_672 : vector<16x1xi32> to vector<16xi32>
      %gather3A_674 = tpu.dynamic_gather %min3A_671[%gather3A_673] in [0] : vector<16xf32>, vector<16xi32> -> vector<16xf32>
      %min3A_675 = arith.minimumf %min3A_671, %gather3A_674 : vector<16xf32>
      %eq3A_676 = arith.constant 10 : i32
      %eq3A_677 = vector.broadcast %eq3A_676 : i32 to vector<16xi32>
      %eq3A_678 = arith.cmpi eq, %iota3A, %eq3A_677 : vector<16xi32>
      %select_n3A_679 = arith.select %eq3A_678, %min3A_675, %select_n3A_659 : vector<16xi1>, vector<16xf32>
      %broadcast_in_dim3A_680 = vector.shape_cast %and3A_69 : vector<16xi32> to vector<16x1xi32>
      %gather3A_681 = vector.shape_cast %broadcast_in_dim3A_680 : vector<16x1xi32> to vector<16xi32>
      %gather3A_682 = tpu.dynamic_gather %scan3A_618#3[%gather3A_681] in [0] : vector<16xf32>, vector<16xi32> -> vector<16xf32>
      %min3A_683 = arith.minimumf %scan3A_618#3, %gather3A_682 : vector<16xf32>
      %broadcast_in_dim3A_684 = vector.shape_cast %and3A_63 : vector<16xi32> to vector<16x1xi32>
      %gather3A_685 = vector.shape_cast %broadcast_in_dim3A_684 : vector<16x1xi32> to vector<16xi32>
      %gather3A_686 = tpu.dynamic_gather %min3A_683[%gather3A_685] in [0] : vector<16xf32>, vector<16xi32> -> vector<16xf32>
      %min3A_687 = arith.minimumf %min3A_683, %gather3A_686 : vector<16xf32>
      %broadcast_in_dim3A_688 = vector.shape_cast %and3A_57 : vector<16xi32> to vector<16x1xi32>
      %gather3A_689 = vector.shape_cast %broadcast_in_dim3A_688 : vector<16x1xi32> to vector<16xi32>
      %gather3A_690 = tpu.dynamic_gather %min3A_687[%gather3A_689] in [0] : vector<16xf32>, vector<16xi32> -> vector<16xf32>
      %min3A_691 = arith.minimumf %min3A_687, %gather3A_690 : vector<16xf32>
      %broadcast_in_dim3A_692 = vector.shape_cast %and3A_51 : vector<16xi32> to vector<16x1xi32>
      %gather3A_693 = vector.shape_cast %broadcast_in_dim3A_692 : vector<16x1xi32> to vector<16xi32>
      %gather3A_694 = tpu.dynamic_gather %min3A_691[%gather3A_693] in [0] : vector<16xf32>, vector<16xi32> -> vector<16xf32>
      %min3A_695 = arith.minimumf %min3A_691, %gather3A_694 : vector<16xf32>
      %eq3A_696 = arith.constant 11 : i32
      %eq3A_697 = vector.broadcast %eq3A_696 : i32 to vector<16xi32>
      %eq3A_698 = arith.cmpi eq, %iota3A, %eq3A_697 : vector<16xi32>
      %select_n3A_699 = arith.select %eq3A_698, %min3A_695, %select_n3A_679 : vector<16xi1>, vector<16xf32>
      %broadcast_in_dim3A_700 = vector.shape_cast %and3A_69 : vector<16xi32> to vector<16x1xi32>
      %gather3A_701 = vector.shape_cast %broadcast_in_dim3A_700 : vector<16x1xi32> to vector<16xi32>
      %gather3A_702 = tpu.dynamic_gather %scan3A_618#4[%gather3A_701] in [0] : vector<16xf32>, vector<16xi32> -> vector<16xf32>
      %min3A_703 = arith.minimumf %scan3A_618#4, %gather3A_702 : vector<16xf32>
      %broadcast_in_dim3A_704 = vector.shape_cast %and3A_63 : vector<16xi32> to vector<16x1xi32>
      %gather3A_705 = vector.shape_cast %broadcast_in_dim3A_704 : vector<16x1xi32> to vector<16xi32>
      %gather3A_706 = tpu.dynamic_gather %min3A_703[%gather3A_705] in [0] : vector<16xf32>, vector<16xi32> -> vector<16xf32>
      %min3A_707 = arith.minimumf %min3A_703, %gather3A_706 : vector<16xf32>
      %broadcast_in_dim3A_708 = vector.shape_cast %and3A_57 : vector<16xi32> to vector<16x1xi32>
      %gather3A_709 = vector.shape_cast %broadcast_in_dim3A_708 : vector<16x1xi32> to vector<16xi32>
      %gather3A_710 = tpu.dynamic_gather %min3A_707[%gather3A_709] in [0] : vector<16xf32>, vector<16xi32> -> vector<16xf32>
      %min3A_711 = arith.minimumf %min3A_707, %gather3A_710 : vector<16xf32>
      %broadcast_in_dim3A_712 = vector.shape_cast %and3A_51 : vector<16xi32> to vector<16x1xi32>
      %gather3A_713 = vector.shape_cast %broadcast_in_dim3A_712 : vector<16x1xi32> to vector<16xi32>
      %gather3A_714 = tpu.dynamic_gather %min3A_711[%gather3A_713] in [0] : vector<16xf32>, vector<16xi32> -> vector<16xf32>
      %min3A_715 = arith.minimumf %min3A_711, %gather3A_714 : vector<16xf32>
      %eq3A_716 = arith.constant 12 : i32
      %eq3A_717 = vector.broadcast %eq3A_716 : i32 to vector<16xi32>
      %eq3A_718 = arith.cmpi eq, %iota3A, %eq3A_717 : vector<16xi32>
      %select_n3A_719 = arith.select %eq3A_718, %min3A_715, %select_n3A_699 : vector<16xi1>, vector<16xf32>
      %broadcast_in_dim3A_720 = vector.shape_cast %and3A_69 : vector<16xi32> to vector<16x1xi32>
      %gather3A_721 = vector.shape_cast %broadcast_in_dim3A_720 : vector<16x1xi32> to vector<16xi32>
      %gather3A_722 = tpu.dynamic_gather %scan3A_618#5[%gather3A_721] in [0] : vector<16xf32>, vector<16xi32> -> vector<16xf32>
      %min3A_723 = arith.minimumf %scan3A_618#5, %gather3A_722 : vector<16xf32>
      %broadcast_in_dim3A_724 = vector.shape_cast %and3A_63 : vector<16xi32> to vector<16x1xi32>
      %gather3A_725 = vector.shape_cast %broadcast_in_dim3A_724 : vector<16x1xi32> to vector<16xi32>
      %gather3A_726 = tpu.dynamic_gather %min3A_723[%gather3A_725] in [0] : vector<16xf32>, vector<16xi32> -> vector<16xf32>
      %min3A_727 = arith.minimumf %min3A_723, %gather3A_726 : vector<16xf32>
      %broadcast_in_dim3A_728 = vector.shape_cast %and3A_57 : vector<16xi32> to vector<16x1xi32>
      %gather3A_729 = vector.shape_cast %broadcast_in_dim3A_728 : vector<16x1xi32> to vector<16xi32>
      %gather3A_730 = tpu.dynamic_gather %min3A_727[%gather3A_729] in [0] : vector<16xf32>, vector<16xi32> -> vector<16xf32>
      %min3A_731 = arith.minimumf %min3A_727, %gather3A_730 : vector<16xf32>
      %broadcast_in_dim3A_732 = vector.shape_cast %and3A_51 : vector<16xi32> to vector<16x1xi32>
      %gather3A_733 = vector.shape_cast %broadcast_in_dim3A_732 : vector<16x1xi32> to vector<16xi32>
      %gather3A_734 = tpu.dynamic_gather %min3A_731[%gather3A_733] in [0] : vector<16xf32>, vector<16xi32> -> vector<16xf32>
      %min3A_735 = arith.minimumf %min3A_731, %gather3A_734 : vector<16xf32>
      %eq3A_736 = arith.constant 13 : i32
      %eq3A_737 = vector.broadcast %eq3A_736 : i32 to vector<16xi32>
      %eq3A_738 = arith.cmpi eq, %iota3A, %eq3A_737 : vector<16xi32>
      %select_n3A_739 = arith.select %eq3A_738, %min3A_735, %select_n3A_719 : vector<16xi1>, vector<16xf32>
      %broadcast_in_dim3A_740 = vector.shape_cast %and3A_69 : vector<16xi32> to vector<16x1xi32>
      %gather3A_741 = vector.shape_cast %broadcast_in_dim3A_740 : vector<16x1xi32> to vector<16xi32>
      %gather3A_742 = tpu.dynamic_gather %scan3A_618#6[%gather3A_741] in [0] : vector<16xf32>, vector<16xi32> -> vector<16xf32>
      %min3A_743 = arith.minimumf %scan3A_618#6, %gather3A_742 : vector<16xf32>
      %broadcast_in_dim3A_744 = vector.shape_cast %and3A_63 : vector<16xi32> to vector<16x1xi32>
      %gather3A_745 = vector.shape_cast %broadcast_in_dim3A_744 : vector<16x1xi32> to vector<16xi32>
      %gather3A_746 = tpu.dynamic_gather %min3A_743[%gather3A_745] in [0] : vector<16xf32>, vector<16xi32> -> vector<16xf32>
      %min3A_747 = arith.minimumf %min3A_743, %gather3A_746 : vector<16xf32>
      %broadcast_in_dim3A_748 = vector.shape_cast %and3A_57 : vector<16xi32> to vector<16x1xi32>
      %gather3A_749 = vector.shape_cast %broadcast_in_dim3A_748 : vector<16x1xi32> to vector<16xi32>
      %gather3A_750 = tpu.dynamic_gather %min3A_747[%gather3A_749] in [0] : vector<16xf32>, vector<16xi32> -> vector<16xf32>
      %min3A_751 = arith.minimumf %min3A_747, %gather3A_750 : vector<16xf32>
      %broadcast_in_dim3A_752 = vector.shape_cast %and3A_51 : vector<16xi32> to vector<16x1xi32>
      %gather3A_753 = vector.shape_cast %broadcast_in_dim3A_752 : vector<16x1xi32> to vector<16xi32>
      %gather3A_754 = tpu.dynamic_gather %min3A_751[%gather3A_753] in [0] : vector<16xf32>, vector<16xi32> -> vector<16xf32>
      %min3A_755 = arith.minimumf %min3A_751, %gather3A_754 : vector<16xf32>
      %eq3A_756 = arith.constant 14 : i32
      %eq3A_757 = vector.broadcast %eq3A_756 : i32 to vector<16xi32>
      %eq3A_758 = arith.cmpi eq, %iota3A, %eq3A_757 : vector<16xi32>
      %select_n3A_759 = arith.select %eq3A_758, %min3A_755, %select_n3A_739 : vector<16xi1>, vector<16xf32>
      %broadcast_in_dim3A_760 = vector.shape_cast %and3A_69 : vector<16xi32> to vector<16x1xi32>
      %gather3A_761 = vector.shape_cast %broadcast_in_dim3A_760 : vector<16x1xi32> to vector<16xi32>
      %gather3A_762 = tpu.dynamic_gather %scan3A_618#7[%gather3A_761] in [0] : vector<16xf32>, vector<16xi32> -> vector<16xf32>
      %min3A_763 = arith.minimumf %scan3A_618#7, %gather3A_762 : vector<16xf32>
      %broadcast_in_dim3A_764 = vector.shape_cast %and3A_63 : vector<16xi32> to vector<16x1xi32>
      %gather3A_765 = vector.shape_cast %broadcast_in_dim3A_764 : vector<16x1xi32> to vector<16xi32>
      %gather3A_766 = tpu.dynamic_gather %min3A_763[%gather3A_765] in [0] : vector<16xf32>, vector<16xi32> -> vector<16xf32>
      %min3A_767 = arith.minimumf %min3A_763, %gather3A_766 : vector<16xf32>
      %broadcast_in_dim3A_768 = vector.shape_cast %and3A_57 : vector<16xi32> to vector<16x1xi32>
      %gather3A_769 = vector.shape_cast %broadcast_in_dim3A_768 : vector<16x1xi32> to vector<16xi32>
      %gather3A_770 = tpu.dynamic_gather %min3A_767[%gather3A_769] in [0] : vector<16xf32>, vector<16xi32> -> vector<16xf32>
      %min3A_771 = arith.minimumf %min3A_767, %gather3A_770 : vector<16xf32>
      %broadcast_in_dim3A_772 = vector.shape_cast %and3A_51 : vector<16xi32> to vector<16x1xi32>
      %gather3A_773 = vector.shape_cast %broadcast_in_dim3A_772 : vector<16x1xi32> to vector<16xi32>
      %gather3A_774 = tpu.dynamic_gather %min3A_771[%gather3A_773] in [0] : vector<16xf32>, vector<16xi32> -> vector<16xf32>
      %min3A_775 = arith.minimumf %min3A_771, %gather3A_774 : vector<16xf32>
      %eq3A_776 = arith.constant 15 : i32
      %eq3A_777 = vector.broadcast %eq3A_776 : i32 to vector<16xi32>
      %eq3A_778 = arith.cmpi eq, %iota3A, %eq3A_777 : vector<16xi32>
      %select_n3A_779 = arith.select %eq3A_778, %min3A_775, %select_n3A_759 : vector<16xi1>, vector<16xf32>
      %get3A_780 = arith.index_cast %add3A_119 : i32 to index
      %get3A_781 = tpu.vector_load %arg14[%get3A_780] {strides = array<i32>} : memref<2048xf32, #tpu.memory_space<vmem>>, vector<16xf32>,
      %get3A_782 = vector.shape_cast %get3A_781 : vector<16xf32> to vector<16xf32>
      %add3A_783 = arith.addf %select_n3A_779, %get3A_782 : vector<16xf32>
      %mul3A_784 = arith.constant 16 : i32
      %mul3A_785 = arith.muli %scan3A_115, %mul3A_784 : i32
      %swap3A = arith.index_cast %mul3A_785 : i32 to index
      %swap3A_786 = tpu.vector_load %arg16[%swap3A] {strides = array<i32>} : memref<128xf32, #tpu.memory_space<vmem>>, vector<16xf32>,
      %swap3A_787 = vector.shape_cast %swap3A_786 : vector<16xf32> to vector<16xf32>
      %swap3A_788 = vector.shape_cast %add3A_783 : vector<16xf32> to vector<16xf32>
      tpu.vector_store %arg16[%swap3A], %swap3A_788 {strides = array<i32>} : memref<128xf32, #tpu.memory_space<vmem>>, vector<16xf32>,
      %scan3A_789 = arith.constant 0 : i32
      scf.yield %scan3A_789 : i32
    }
    %scan3A_107 = arith.constant 8 : i32
    %scan3A_108 = arith.constant 0 : i32
    %scan3A_109 = arith.constant 0 : i32
    %scan3A_110 = arith.constant 8 : i32
    %scan3A_111 = arith.addi %scan3A_109, %scan3A_110 : i32
    %scan3A_112 = arith.constant 1 : i32
    %scan3A_113 = scf.for %scan3A_115 = %scan3A_109 to %scan3A_111 step %scan3A_112 iter_args(%scan3A_116 = %scan3A_108) -> (i32)  : i32 {
      %mul3A_117 = arith.constant 16 : i32
      %mul3A_118 = arith.muli %scan3A_115, %mul3A_117 : i32
      %add3A_119 = arith.addi %mul3A_32, %mul3A_118 : i32
      %get3A = arith.index_cast %add3A_119 : i32 to index
      %get3A_120 = tpu.vector_load %arg11[%get3A] {strides = array<i32>} : memref<2048xf32, #tpu.memory_space<vmem>>, vector<16xf32>,
      %get3A_121 = vector.shape_cast %get3A_120 : vector<16xf32> to vector<16xf32>
      %get3A_122 = arith.index_cast %add3A_119 : i32 to index
      %get3A_123 = tpu.vector_load %arg12[%get3A_122] {strides = array<i32>} : memref<2048xf32, #tpu.memory_space<vmem>>, vector<16xf32>,
      %get3A_124 = vector.shape_cast %get3A_123 : vector<16xf32> to vector<16xf32>
      %get3A_125 = arith.index_cast %add3A_119 : i32 to index
      %get3A_126 = tpu.vector_load %arg13[%get3A_125] {strides = array<i32>} : memref<2048xf32, #tpu.memory_space<vmem>>, vector<16xf32>,
      %get3A_127 = vector.shape_cast %get3A_126 : vector<16xf32> to vector<16xf32>
      %broadcast_in_dim3A_128 = arith.constant 0.000000e+00 : f32
      %broadcast_in_dim3A_129 = vector.broadcast %broadcast_in_dim3A_128 : f32 to vector<16xf32>
      %broadcast_in_dim3A_130 = vector.shape_cast %broadcast_in_dim3A_70 : vector<16xi32> to vector<16x1xi32>
      %gather3A = vector.shape_cast %broadcast_in_dim3A_130 : vector<16x1xi32> to vector<16xi32>
      %gather3A_131 = tpu.dynamic_gather %get3A_121[%gather3A] in [0] : vector<16xf32>, vector<16xi32> -> vector<16xf32>
      %mul3A_132 = arith.constant -2.000000e+00 : f32
      %mul3A_133 = vector.broadcast %mul3A_132 : f32 to vector<16xf32>
      %mul3A_134 = arith.mulf %gather3A_131, %mul3A_133 : vector<16xf32>
      %broadcast_in_dim3A_135 = vector.shape_cast %broadcast_in_dim3A_70 : vector<16xi32> to vector<16x1xi32>
      %gather3A_136 = vector.shape_cast %broadcast_in_dim3A_135 : vector<16x1xi32> to vector<16xi32>
      %gather3A_137 = tpu.dynamic_gather %get3A_124[%gather3A_136] in [0] : vector<16xf32>, vector<16xi32> -> vector<16xf32>
      %mul3A_138 = arith.constant -2.000000e+00 : f32
      %mul3A_139 = vector.broadcast %mul3A_138 : f32 to vector<16xf32>
      %mul3A_140 = arith.mulf %gather3A_137, %mul3A_139 : vector<16xf32>
      %broadcast_in_dim3A_141 = vector.shape_cast %broadcast_in_dim3A_70 : vector<16xi32> to vector<16x1xi32>
      %gather3A_142 = vector.shape_cast %broadcast_in_dim3A_141 : vector<16x1xi32> to vector<16xi32>
      %gather3A_143 = tpu.dynamic_gather %get3A_127[%gather3A_142] in [0] : vector<16xf32>, vector<16xi32> -> vector<16xf32>
      %mul3A_144 = arith.constant -2.000000e+00 : f32
      %mul3A_145 = vector.broadcast %mul3A_144 : f32 to vector<16xf32>
      %mul3A_146 = arith.mulf %gather3A_143, %mul3A_145 : vector<16xf32>
      %broadcast_in_dim3A_147 = vector.shape_cast %broadcast_in_dim3A_72 : vector<16xi32> to vector<16x1xi32>
      %gather3A_148 = vector.shape_cast %broadcast_in_dim3A_147 : vector<16x1xi32> to vector<16xi32>
      %gather3A_149 = tpu.dynamic_gather %get3A_121[%gather3A_148] in [0] : vector<16xf32>, vector<16xi32> -> vector<16xf32>
      %mul3A_150 = arith.constant -2.000000e+00 : f32
      %mul3A_151 = vector.broadcast %mul3A_150 : f32 to vector<16xf32>
      %mul3A_152 = arith.mulf %gather3A_149, %mul3A_151 : vector<16xf32>
      %broadcast_in_dim3A_153 = vector.shape_cast %broadcast_in_dim3A_72 : vector<16xi32> to vector<16x1xi32>
      %gather3A_154 = vector.shape_cast %broadcast_in_dim3A_153 : vector<16x1xi32> to vector<16xi32>
      %gather3A_155 = tpu.dynamic_gather %get3A_124[%gather3A_154] in [0] : vector<16xf32>, vector<16xi32> -> vector<16xf32>
      %mul3A_156 = arith.constant -2.000000e+00 : f32
      %mul3A_157 = vector.broadcast %mul3A_156 : f32 to vector<16xf32>
      %mul3A_158 = arith.mulf %gather3A_155, %mul3A_157 : vector<16xf32>
      %broadcast_in_dim3A_159 = vector.shape_cast %broadcast_in_dim3A_72 : vector<16xi32> to vector<16x1xi32>
      %gather3A_160 = vector.shape_cast %broadcast_in_dim3A_159 : vector<16x1xi32> to vector<16xi32>
      %gather3A_161 = tpu.dynamic_gather %get3A_127[%gather3A_160] in [0] : vector<16xf32>, vector<16xi32> -> vector<16xf32>
      %mul3A_162 = arith.constant -2.000000e+00 : f32
      %mul3A_163 = vector.broadcast %mul3A_162 : f32 to vector<16xf32>
      %mul3A_164 = arith.mulf %gather3A_161, %mul3A_163 : vector<16xf32>
      %broadcast_in_dim3A_165 = vector.shape_cast %broadcast_in_dim3A_74 : vector<16xi32> to vector<16x1xi32>
      %gather3A_166 = vector.shape_cast %broadcast_in_dim3A_165 : vector<16x1xi32> to vector<16xi32>
      %gather3A_167 = tpu.dynamic_gather %get3A_121[%gather3A_166] in [0] : vector<16xf32>, vector<16xi32> -> vector<16xf32>
      %mul3A_168 = arith.constant -2.000000e+00 : f32
      %mul3A_169 = vector.broadcast %mul3A_168 : f32 to vector<16xf32>
      %mul3A_170 = arith.mulf %gather3A_167, %mul3A_169 : vector<16xf32>
      %broadcast_in_dim3A_171 = vector.shape_cast %broadcast_in_dim3A_74 : vector<16xi32> to vector<16x1xi32>
      %gather3A_172 = vector.shape_cast %broadcast_in_dim3A_171 : vector<16x1xi32> to vector<16xi32>
      %gather3A_173 = tpu.dynamic_gather %get3A_124[%gather3A_172] in [0] : vector<16xf32>, vector<16xi32> -> vector<16xf32>
      %mul3A_174 = arith.constant -2.000000e+00 : f32
      %mul3A_175 = vector.broadcast %mul3A_174 : f32 to vector<16xf32>
      %mul3A_176 = arith.mulf %gather3A_173, %mul3A_175 : vector<16xf32>
      %broadcast_in_dim3A_177 = vector.shape_cast %broadcast_in_dim3A_74 : vector<16xi32> to vector<16x1xi32>
      %gather3A_178 = vector.shape_cast %broadcast_in_dim3A_177 : vector<16x1xi32> to vector<16xi32>
      %gather3A_179 = tpu.dynamic_gather %get3A_127[%gather3A_178] in [0] : vector<16xf32>, vector<16xi32> -> vector<16xf32>
      %mul3A_180 = arith.constant -2.000000e+00 : f32
      %mul3A_181 = vector.broadcast %mul3A_180 : f32 to vector<16xf32>
      %mul3A_182 = arith.mulf %gather3A_179, %mul3A_181 : vector<16xf32>
      %broadcast_in_dim3A_183 = vector.shape_cast %broadcast_in_dim3A_76 : vector<16xi32> to vector<16x1xi32>
      %gather3A_184 = vector.shape_cast %broadcast_in_dim3A_183 : vector<16x1xi32> to vector<16xi32>
      %gather3A_185 = tpu.dynamic_gather %get3A_121[%gather3A_184] in [0] : vector<16xf32>, vector<16xi32> -> vector<16xf32>
      %mul3A_186 = arith.constant -2.000000e+00 : f32
      %mul3A_187 = vector.broadcast %mul3A_186 : f32 to vector<16xf32>
      %mul3A_188 = arith.mulf %gather3A_185, %mul3A_187 : vector<16xf32>
      %broadcast_in_dim3A_189 = vector.shape_cast %broadcast_in_dim3A_76 : vector<16xi32> to vector<16x1xi32>
      %gather3A_190 = vector.shape_cast %broadcast_in_dim3A_189 : vector<16x1xi32> to vector<16xi32>
      %gather3A_191 = tpu.dynamic_gather %get3A_124[%gather3A_190] in [0] : vector<16xf32>, vector<16xi32> -> vector<16xf32>
      %mul3A_192 = arith.constant -2.000000e+00 : f32
      %mul3A_193 = vector.broadcast %mul3A_192 : f32 to vector<16xf32>
      %mul3A_194 = arith.mulf %gather3A_191, %mul3A_193 : vector<16xf32>
      %broadcast_in_dim3A_195 = vector.shape_cast %broadcast_in_dim3A_76 : vector<16xi32> to vector<16x1xi32>
      %gather3A_196 = vector.shape_cast %broadcast_in_dim3A_195 : vector<16x1xi32> to vector<16xi32>
      %gather3A_197 = tpu.dynamic_gather %get3A_127[%gather3A_196] in [0] : vector<16xf32>, vector<16xi32> -> vector<16xf32>
      %mul3A_198 = arith.constant -2.000000e+00 : f32
      %mul3A_199 = vector.broadcast %mul3A_198 : f32 to vector<16xf32>
      %mul3A_200 = arith.mulf %gather3A_197, %mul3A_199 : vector<16xf32>
      %broadcast_in_dim3A_201 = vector.shape_cast %broadcast_in_dim3A_78 : vector<16xi32> to vector<16x1xi32>
      %gather3A_202 = vector.shape_cast %broadcast_in_dim3A_201 : vector<16x1xi32> to vector<16xi32>
      %gather3A_203 = tpu.dynamic_gather %get3A_121[%gather3A_202] in [0] : vector<16xf32>, vector<16xi32> -> vector<16xf32>
      %mul3A_204 = arith.constant -2.000000e+00 : f32
      %mul3A_205 = vector.broadcast %mul3A_204 : f32 to vector<16xf32>
      %mul3A_206 = arith.mulf %gather3A_203, %mul3A_205 : vector<16xf32>
      %broadcast_in_dim3A_207 = vector.shape_cast %broadcast_in_dim3A_78 : vector<16xi32> to vector<16x1xi32>
      %gather3A_208 = vector.shape_cast %broadcast_in_dim3A_207 : vector<16x1xi32> to vector<16xi32>
      %gather3A_209 = tpu.dynamic_gather %get3A_124[%gather3A_208] in [0] : vector<16xf32>, vector<16xi32> -> vector<16xf32>
      %mul3A_210 = arith.constant -2.000000e+00 : f32
      %mul3A_211 = vector.broadcast %mul3A_210 : f32 to vector<16xf32>
      %mul3A_212 = arith.mulf %gather3A_209, %mul3A_211 : vector<16xf32>
      %broadcast_in_dim3A_213 = vector.shape_cast %broadcast_in_dim3A_78 : vector<16xi32> to vector<16x1xi32>
      %gather3A_214 = vector.shape_cast %broadcast_in_dim3A_213 : vector<16x1xi32> to vector<16xi32>
      %gather3A_215 = tpu.dynamic_gather %get3A_127[%gather3A_214] in [0] : vector<16xf32>, vector<16xi32> -> vector<16xf32>
      %mul3A_216 = arith.constant -2.000000e+00 : f32
      %mul3A_217 = vector.broadcast %mul3A_216 : f32 to vector<16xf32>
      %mul3A_218 = arith.mulf %gather3A_215, %mul3A_217 : vector<16xf32>
      %broadcast_in_dim3A_219 = vector.shape_cast %broadcast_in_dim3A_80 : vector<16xi32> to vector<16x1xi32>
      %gather3A_220 = vector.shape_cast %broadcast_in_dim3A_219 : vector<16x1xi32> to vector<16xi32>
      %gather3A_221 = tpu.dynamic_gather %get3A_121[%gather3A_220] in [0] : vector<16xf32>, vector<16xi32> -> vector<16xf32>
      %mul3A_222 = arith.constant -2.000000e+00 : f32
      %mul3A_223 = vector.broadcast %mul3A_222 : f32 to vector<16xf32>
      %mul3A_224 = arith.mulf %gather3A_221, %mul3A_223 : vector<16xf32>
      %broadcast_in_dim3A_225 = vector.shape_cast %broadcast_in_dim3A_80 : vector<16xi32> to vector<16x1xi32>
      %gather3A_226 = vector.shape_cast %broadcast_in_dim3A_225 : vector<16x1xi32> to vector<16xi32>
      %gather3A_227 = tpu.dynamic_gather %get3A_124[%gather3A_226] in [0] : vector<16xf32>, vector<16xi32> -> vector<16xf32>
      %mul3A_228 = arith.constant -2.000000e+00 : f32
      %mul3A_229 = vector.broadcast %mul3A_228 : f32 to vector<16xf32>
      %mul3A_230 = arith.mulf %gather3A_227, %mul3A_229 : vector<16xf32>
      %broadcast_in_dim3A_231 = vector.shape_cast %broadcast_in_dim3A_80 : vector<16xi32> to vector<16x1xi32>
      %gather3A_232 = vector.shape_cast %broadcast_in_dim3A_231 : vector<16x1xi32> to vector<16xi32>
      %gather3A_233 = tpu.dynamic_gather %get3A_127[%gather3A_232] in [0] : vector<16xf32>, vector<16xi32> -> vector<16xf32>
      %mul3A_234 = arith.constant -2.000000e+00 : f32
      %mul3A_235 = vector.broadcast %mul3A_234 : f32 to vector<16xf32>
      %mul3A_236 = arith.mulf %gather3A_233, %mul3A_235 : vector<16xf32>
      %broadcast_in_dim3A_237 = vector.shape_cast %broadcast_in_dim3A_82 : vector<16xi32> to vector<16x1xi32>
      %gather3A_238 = vector.shape_cast %broadcast_in_dim3A_237 : vector<16x1xi32> to vector<16xi32>
      %gather3A_239 = tpu.dynamic_gather %get3A_121[%gather3A_238] in [0] : vector<16xf32>, vector<16xi32> -> vector<16xf32>
      %mul3A_240 = arith.constant -2.000000e+00 : f32
      %mul3A_241 = vector.broadcast %mul3A_240 : f32 to vector<16xf32>
      %mul3A_242 = arith.mulf %gather3A_239, %mul3A_241 : vector<16xf32>
      %broadcast_in_dim3A_243 = vector.shape_cast %broadcast_in_dim3A_82 : vector<16xi32> to vector<16x1xi32>
      %gather3A_244 = vector.shape_cast %broadcast_in_dim3A_243 : vector<16x1xi32> to vector<16xi32>
      %gather3A_245 = tpu.dynamic_gather %get3A_124[%gather3A_244] in [0] : vector<16xf32>, vector<16xi32> -> vector<16xf32>
      %mul3A_246 = arith.constant -2.000000e+00 : f32
      %mul3A_247 = vector.broadcast %mul3A_246 : f32 to vector<16xf32>
      %mul3A_248 = arith.mulf %gather3A_245, %mul3A_247 : vector<16xf32>
      %broadcast_in_dim3A_249 = vector.shape_cast %broadcast_in_dim3A_82 : vector<16xi32> to vector<16x1xi32>
      %gather3A_250 = vector.shape_cast %broadcast_in_dim3A_249 : vector<16x1xi32> to vector<16xi32>
      %gather3A_251 = tpu.dynamic_gather %get3A_127[%gather3A_250] in [0] : vector<16xf32>, vector<16xi32> -> vector<16xf32>
      %mul3A_252 = arith.constant -2.000000e+00 : f32
      %mul3A_253 = vector.broadcast %mul3A_252 : f32 to vector<16xf32>
      %mul3A_254 = arith.mulf %gather3A_251, %mul3A_253 : vector<16xf32>
      %broadcast_in_dim3A_255 = vector.shape_cast %broadcast_in_dim3A_84 : vector<16xi32> to vector<16x1xi32>
      %gather3A_256 = vector.shape_cast %broadcast_in_dim3A_255 : vector<16x1xi32> to vector<16xi32>
      %gather3A_257 = tpu.dynamic_gather %get3A_121[%gather3A_256] in [0] : vector<16xf32>, vector<16xi32> -> vector<16xf32>
      %mul3A_258 = arith.constant -2.000000e+00 : f32
      %mul3A_259 = vector.broadcast %mul3A_258 : f32 to vector<16xf32>
      %mul3A_260 = arith.mulf %gather3A_257, %mul3A_259 : vector<16xf32>
      %broadcast_in_dim3A_261 = vector.shape_cast %broadcast_in_dim3A_84 : vector<16xi32> to vector<16x1xi32>
      %gather3A_262 = vector.shape_cast %broadcast_in_dim3A_261 : vector<16x1xi32> to vector<16xi32>
      %gather3A_263 = tpu.dynamic_gather %get3A_124[%gather3A_262] in [0] : vector<16xf32>, vector<16xi32> -> vector<16xf32>
      %mul3A_264 = arith.constant -2.000000e+00 : f32
      %mul3A_265 = vector.broadcast %mul3A_264 : f32 to vector<16xf32>
      %mul3A_266 = arith.mulf %gather3A_263, %mul3A_265 : vector<16xf32>
      %broadcast_in_dim3A_267 = vector.shape_cast %broadcast_in_dim3A_84 : vector<16xi32> to vector<16x1xi32>
      %gather3A_268 = vector.shape_cast %broadcast_in_dim3A_267 : vector<16x1xi32> to vector<16xi32>
      %gather3A_269 = tpu.dynamic_gather %get3A_127[%gather3A_268] in [0] : vector<16xf32>, vector<16xi32> -> vector<16xf32>
      %mul3A_270 = arith.constant -2.000000e+00 : f32
      %mul3A_271 = vector.broadcast %mul3A_270 : f32 to vector<16xf32>
      %mul3A_272 = arith.mulf %gather3A_269, %mul3A_271 : vector<16xf32>
      %broadcast_in_dim3A_273 = arith.constant 0x7F800000 : f32
      %broadcast_in_dim3A_274 = vector.broadcast %broadcast_in_dim3A_273 : f32 to vector<16xf32>
      %broadcast_in_dim3A_275 = arith.constant 0x7F800000 : f32
      %broadcast_in_dim3A_276 = vector.broadcast %broadcast_in_dim3A_275 : f32 to vector<16xf32>
      %broadcast_in_dim3A_277 = arith.constant 0x7F800000 : f32
      %broadcast_in_dim3A_278 = vector.broadcast %broadcast_in_dim3A_277 : f32 to vector<16xf32>
      %broadcast_in_dim3A_279 = arith.constant 0x7F800000 : f32
      %broadcast_in_dim3A_280 = vector.broadcast %broadcast_in_dim3A_279 : f32 to vector<16xf32>
      %broadcast_in_dim3A_281 = arith.constant 0x7F800000 : f32
      %broadcast_in_dim3A_282 = vector.broadcast %broadcast_in_dim3A_281 : f32 to vector<16xf32>
      %broadcast_in_dim3A_283 = arith.constant 0x7F800000 : f32
      %broadcast_in_dim3A_284 = vector.broadcast %broadcast_in_dim3A_283 : f32 to vector<16xf32>
      %broadcast_in_dim3A_285 = arith.constant 0x7F800000 : f32
      %broadcast_in_dim3A_286 = vector.broadcast %broadcast_in_dim3A_285 : f32 to vector<16xf32>
      %broadcast_in_dim3A_287 = arith.constant 0x7F800000 : f32
      %broadcast_in_dim3A_288 = vector.broadcast %broadcast_in_dim3A_287 : f32 to vector<16xf32>
      %scan3A_289 = arith.constant 0 : i32
      %scan3A_290 = arith.constant 128 : i32
      %scan3A_291 = arith.addi %scan3A_289, %scan3A_290 : i32
      %scan3A_292 = arith.constant 1 : i32
      %scan3A_293:8 = scf.for %scan3A_790 = %scan3A_289 to %scan3A_291 step %scan3A_292 iter_args(%scan3A_791 = %broadcast_in_dim3A_274, %scan3A_792 = %broadcast_in_dim3A_276, %scan3A_793 = %broadcast_in_dim3A_278, %scan3A_794 = %broadcast_in_dim3A_280, %scan3A_795 = %broadcast_in_dim3A_282, %scan3A_796 = %broadcast_in_dim3A_284, %scan3A_797 = %broadcast_in_dim3A_286, %scan3A_798 = %broadcast_in_dim3A_288) -> (vector<16xf32>, vector<16xf32>, vector<16xf32>, vector<16xf32>, vector<16xf32>, vector<16xf32>, vector<16xf32>, vector<16xf32>)  : i32 {
        %mul3A_799 = arith.constant 16 : i32
        %mul3A_800 = arith.muli %scan3A_790, %mul3A_799 : i32
        %get3A_801 = arith.index_cast %mul3A_800 : i32 to index
        %get3A_802 = tpu.vector_load %arg8[%get3A_801] {strides = array<i32>} : memref<2048xf32, #tpu.memory_space<vmem>>, vector<16xf32>,
        %get3A_803 = vector.shape_cast %get3A_802 : vector<16xf32> to vector<16xf32>
        %get3A_804 = arith.index_cast %mul3A_800 : i32 to index
        %get3A_805 = tpu.vector_load %arg9[%get3A_804] {strides = array<i32>} : memref<2048xf32, #tpu.memory_space<vmem>>, vector<16xf32>,
        %get3A_806 = vector.shape_cast %get3A_805 : vector<16xf32> to vector<16xf32>
        %get3A_807 = arith.index_cast %mul3A_800 : i32 to index
        %get3A_808 = tpu.vector_load %arg10[%get3A_807] {strides = array<i32>} : memref<2048xf32, #tpu.memory_space<vmem>>, vector<16xf32>,
        %get3A_809 = vector.shape_cast %get3A_808 : vector<16xf32> to vector<16xf32>
        %get3A_810 = arith.index_cast %mul3A_800 : i32 to index
        %get3A_811 = tpu.vector_load %arg14[%get3A_810] {strides = array<i32>} : memref<2048xf32, #tpu.memory_space<vmem>>, vector<16xf32>,
        %get3A_812 = vector.shape_cast %get3A_811 : vector<16xf32> to vector<16xf32>
        %mul3A_813 = arith.mulf %mul3A_134, %get3A_803 : vector<16xf32>
        %add3A_814 = arith.addf %mul3A_813, %get3A_812 : vector<16xf32>
        %mul3A_815 = arith.mulf %mul3A_140, %get3A_806 : vector<16xf32>
        %add3A_816 = arith.addf %mul3A_815, %add3A_814 : vector<16xf32>
        %mul3A_817 = arith.mulf %mul3A_146, %get3A_809 : vector<16xf32>
        %add3A_818 = arith.addf %mul3A_817, %add3A_816 : vector<16xf32>
        %min3A_819 = arith.minimumf %scan3A_791, %add3A_818 : vector<16xf32>
        %mul3A_820 = arith.mulf %mul3A_152, %get3A_803 : vector<16xf32>
        %add3A_821 = arith.addf %mul3A_820, %get3A_812 : vector<16xf32>
        %mul3A_822 = arith.mulf %mul3A_158, %get3A_806 : vector<16xf32>
        %add3A_823 = arith.addf %mul3A_822, %add3A_821 : vector<16xf32>
        %mul3A_824 = arith.mulf %mul3A_164, %get3A_809 : vector<16xf32>
        %add3A_825 = arith.addf %mul3A_824, %add3A_823 : vector<16xf32>
        %min3A_826 = arith.minimumf %scan3A_792, %add3A_825 : vector<16xf32>
        %mul3A_827 = arith.mulf %mul3A_170, %get3A_803 : vector<16xf32>
        %add3A_828 = arith.addf %mul3A_827, %get3A_812 : vector<16xf32>
        %mul3A_829 = arith.mulf %mul3A_176, %get3A_806 : vector<16xf32>
        %add3A_830 = arith.addf %mul3A_829, %add3A_828 : vector<16xf32>
        %mul3A_831 = arith.mulf %mul3A_182, %get3A_809 : vector<16xf32>
        %add3A_832 = arith.addf %mul3A_831, %add3A_830 : vector<16xf32>
        %min3A_833 = arith.minimumf %scan3A_793, %add3A_832 : vector<16xf32>
        %mul3A_834 = arith.mulf %mul3A_188, %get3A_803 : vector<16xf32>
        %add3A_835 = arith.addf %mul3A_834, %get3A_812 : vector<16xf32>
        %mul3A_836 = arith.mulf %mul3A_194, %get3A_806 : vector<16xf32>
        %add3A_837 = arith.addf %mul3A_836, %add3A_835 : vector<16xf32>
        %mul3A_838 = arith.mulf %mul3A_200, %get3A_809 : vector<16xf32>
        %add3A_839 = arith.addf %mul3A_838, %add3A_837 : vector<16xf32>
        %min3A_840 = arith.minimumf %scan3A_794, %add3A_839 : vector<16xf32>
        %mul3A_841 = arith.mulf %mul3A_206, %get3A_803 : vector<16xf32>
        %add3A_842 = arith.addf %mul3A_841, %get3A_812 : vector<16xf32>
        %mul3A_843 = arith.mulf %mul3A_212, %get3A_806 : vector<16xf32>
        %add3A_844 = arith.addf %mul3A_843, %add3A_842 : vector<16xf32>
        %mul3A_845 = arith.mulf %mul3A_218, %get3A_809 : vector<16xf32>
        %add3A_846 = arith.addf %mul3A_845, %add3A_844 : vector<16xf32>
        %min3A_847 = arith.minimumf %scan3A_795, %add3A_846 : vector<16xf32>
        %mul3A_848 = arith.mulf %mul3A_224, %get3A_803 : vector<16xf32>
        %add3A_849 = arith.addf %mul3A_848, %get3A_812 : vector<16xf32>
        %mul3A_850 = arith.mulf %mul3A_230, %get3A_806 : vector<16xf32>
        %add3A_851 = arith.addf %mul3A_850, %add3A_849 : vector<16xf32>
        %mul3A_852 = arith.mulf %mul3A_236, %get3A_809 : vector<16xf32>
        %add3A_853 = arith.addf %mul3A_852, %add3A_851 : vector<16xf32>
        %min3A_854 = arith.minimumf %scan3A_796, %add3A_853 : vector<16xf32>
        %mul3A_855 = arith.mulf %mul3A_242, %get3A_803 : vector<16xf32>
        %add3A_856 = arith.addf %mul3A_855, %get3A_812 : vector<16xf32>
        %mul3A_857 = arith.mulf %mul3A_248, %get3A_806 : vector<16xf32>
        %add3A_858 = arith.addf %mul3A_857, %add3A_856 : vector<16xf32>
        %mul3A_859 = arith.mulf %mul3A_254, %get3A_809 : vector<16xf32>
        %add3A_860 = arith.addf %mul3A_859, %add3A_858 : vector<16xf32>
        %min3A_861 = arith.minimumf %scan3A_797, %add3A_860 : vector<16xf32>
        %mul3A_862 = arith.mulf %mul3A_260, %get3A_803 : vector<16xf32>
        %add3A_863 = arith.addf %mul3A_862, %get3A_812 : vector<16xf32>
        %mul3A_864 = arith.mulf %mul3A_266, %get3A_806 : vector<16xf32>
        %add3A_865 = arith.addf %mul3A_864, %add3A_863 : vector<16xf32>
        %mul3A_866 = arith.mulf %mul3A_272, %get3A_809 : vector<16xf32>
        %add3A_867 = arith.addf %mul3A_866, %add3A_865 : vector<16xf32>
        %min3A_868 = arith.minimumf %scan3A_798, %add3A_867 : vector<16xf32>
        scf.yield %min3A_819, %min3A_826, %min3A_833, %min3A_840, %min3A_847, %min3A_854, %min3A_861, %min3A_868 : vector<16xf32>, vector<16xf32>, vector<16xf32>, vector<16xf32>, vector<16xf32>, vector<16xf32>, vector<16xf32>, vector<16xf32>
      }
      %scan3A_294 = arith.constant 128 : i32
      %broadcast_in_dim3A_295 = vector.shape_cast %and3A_69 : vector<16xi32> to vector<16x1xi32>
      %gather3A_296 = vector.shape_cast %broadcast_in_dim3A_295 : vector<16x1xi32> to vector<16xi32>
      %gather3A_297 = tpu.dynamic_gather %scan3A_293#0[%gather3A_296] in [0] : vector<16xf32>, vector<16xi32> -> vector<16xf32>
      %min3A = arith.minimumf %scan3A_293#0, %gather3A_297 : vector<16xf32>
      %broadcast_in_dim3A_298 = vector.shape_cast %and3A_63 : vector<16xi32> to vector<16x1xi32>
      %gather3A_299 = vector.shape_cast %broadcast_in_dim3A_298 : vector<16x1xi32> to vector<16xi32>
      %gather3A_300 = tpu.dynamic_gather %min3A[%gather3A_299] in [0] : vector<16xf32>, vector<16xi32> -> vector<16xf32>
      %min3A_301 = arith.minimumf %min3A, %gather3A_300 : vector<16xf32>
      %broadcast_in_dim3A_302 = vector.shape_cast %and3A_57 : vector<16xi32> to vector<16x1xi32>
      %gather3A_303 = vector.shape_cast %broadcast_in_dim3A_302 : vector<16x1xi32> to vector<16xi32>
      %gather3A_304 = tpu.dynamic_gather %min3A_301[%gather3A_303] in [0] : vector<16xf32>, vector<16xi32> -> vector<16xf32>
      %min3A_305 = arith.minimumf %min3A_301, %gather3A_304 : vector<16xf32>
      %broadcast_in_dim3A_306 = vector.shape_cast %and3A_51 : vector<16xi32> to vector<16x1xi32>
      %gather3A_307 = vector.shape_cast %broadcast_in_dim3A_306 : vector<16x1xi32> to vector<16xi32>
      %gather3A_308 = tpu.dynamic_gather %min3A_305[%gather3A_307] in [0] : vector<16xf32>, vector<16xi32> -> vector<16xf32>
      %min3A_309 = arith.minimumf %min3A_305, %gather3A_308 : vector<16xf32>
      %eq3A_310 = arith.constant 0 : i32
      %eq3A_311 = vector.broadcast %eq3A_310 : i32 to vector<16xi32>
      %eq3A_312 = arith.cmpi eq, %iota3A, %eq3A_311 : vector<16xi32>
      %select_n3A_313 = arith.select %eq3A_312, %min3A_309, %broadcast_in_dim3A_129 : vector<16xi1>, vector<16xf32>
      %broadcast_in_dim3A_314 = vector.shape_cast %and3A_69 : vector<16xi32> to vector<16x1xi32>
      %gather3A_315 = vector.shape_cast %broadcast_in_dim3A_314 : vector<16x1xi32> to vector<16xi32>
      %gather3A_316 = tpu.dynamic_gather %scan3A_293#1[%gather3A_315] in [0] : vector<16xf32>, vector<16xi32> -> vector<16xf32>
      %min3A_317 = arith.minimumf %scan3A_293#1, %gather3A_316 : vector<16xf32>
      %broadcast_in_dim3A_318 = vector.shape_cast %and3A_63 : vector<16xi32> to vector<16x1xi32>
      %gather3A_319 = vector.shape_cast %broadcast_in_dim3A_318 : vector<16x1xi32> to vector<16xi32>
      %gather3A_320 = tpu.dynamic_gather %min3A_317[%gather3A_319] in [0] : vector<16xf32>, vector<16xi32> -> vector<16xf32>
      %min3A_321 = arith.minimumf %min3A_317, %gather3A_320 : vector<16xf32>
      %broadcast_in_dim3A_322 = vector.shape_cast %and3A_57 : vector<16xi32> to vector<16x1xi32>
      %gather3A_323 = vector.shape_cast %broadcast_in_dim3A_322 : vector<16x1xi32> to vector<16xi32>
      %gather3A_324 = tpu.dynamic_gather %min3A_321[%gather3A_323] in [0] : vector<16xf32>, vector<16xi32> -> vector<16xf32>
      %min3A_325 = arith.minimumf %min3A_321, %gather3A_324 : vector<16xf32>
      %broadcast_in_dim3A_326 = vector.shape_cast %and3A_51 : vector<16xi32> to vector<16x1xi32>
      %gather3A_327 = vector.shape_cast %broadcast_in_dim3A_326 : vector<16x1xi32> to vector<16xi32>
      %gather3A_328 = tpu.dynamic_gather %min3A_325[%gather3A_327] in [0] : vector<16xf32>, vector<16xi32> -> vector<16xf32>
      %min3A_329 = arith.minimumf %min3A_325, %gather3A_328 : vector<16xf32>
      %eq3A_330 = arith.constant 1 : i32
      %eq3A_331 = vector.broadcast %eq3A_330 : i32 to vector<16xi32>
      %eq3A_332 = arith.cmpi eq, %iota3A, %eq3A_331 : vector<16xi32>
      %select_n3A_333 = arith.select %eq3A_332, %min3A_329, %select_n3A_313 : vector<16xi1>, vector<16xf32>
      %broadcast_in_dim3A_334 = vector.shape_cast %and3A_69 : vector<16xi32> to vector<16x1xi32>
      %gather3A_335 = vector.shape_cast %broadcast_in_dim3A_334 : vector<16x1xi32> to vector<16xi32>
      %gather3A_336 = tpu.dynamic_gather %scan3A_293#2[%gather3A_335] in [0] : vector<16xf32>, vector<16xi32> -> vector<16xf32>
      %min3A_337 = arith.minimumf %scan3A_293#2, %gather3A_336 : vector<16xf32>
      %broadcast_in_dim3A_338 = vector.shape_cast %and3A_63 : vector<16xi32> to vector<16x1xi32>
      %gather3A_339 = vector.shape_cast %broadcast_in_dim3A_338 : vector<16x1xi32> to vector<16xi32>
      %gather3A_340 = tpu.dynamic_gather %min3A_337[%gather3A_339] in [0] : vector<16xf32>, vector<16xi32> -> vector<16xf32>
      %min3A_341 = arith.minimumf %min3A_337, %gather3A_340 : vector<16xf32>
      %broadcast_in_dim3A_342 = vector.shape_cast %and3A_57 : vector<16xi32> to vector<16x1xi32>
      %gather3A_343 = vector.shape_cast %broadcast_in_dim3A_342 : vector<16x1xi32> to vector<16xi32>
      %gather3A_344 = tpu.dynamic_gather %min3A_341[%gather3A_343] in [0] : vector<16xf32>, vector<16xi32> -> vector<16xf32>
      %min3A_345 = arith.minimumf %min3A_341, %gather3A_344 : vector<16xf32>
      %broadcast_in_dim3A_346 = vector.shape_cast %and3A_51 : vector<16xi32> to vector<16x1xi32>
      %gather3A_347 = vector.shape_cast %broadcast_in_dim3A_346 : vector<16x1xi32> to vector<16xi32>
      %gather3A_348 = tpu.dynamic_gather %min3A_345[%gather3A_347] in [0] : vector<16xf32>, vector<16xi32> -> vector<16xf32>
      %min3A_349 = arith.minimumf %min3A_345, %gather3A_348 : vector<16xf32>
      %eq3A_350 = arith.constant 2 : i32
      %eq3A_351 = vector.broadcast %eq3A_350 : i32 to vector<16xi32>
      %eq3A_352 = arith.cmpi eq, %iota3A, %eq3A_351 : vector<16xi32>
      %select_n3A_353 = arith.select %eq3A_352, %min3A_349, %select_n3A_333 : vector<16xi1>, vector<16xf32>
      %broadcast_in_dim3A_354 = vector.shape_cast %and3A_69 : vector<16xi32> to vector<16x1xi32>
      %gather3A_355 = vector.shape_cast %broadcast_in_dim3A_354 : vector<16x1xi32> to vector<16xi32>
      %gather3A_356 = tpu.dynamic_gather %scan3A_293#3[%gather3A_355] in [0] : vector<16xf32>, vector<16xi32> -> vector<16xf32>
      %min3A_357 = arith.minimumf %scan3A_293#3, %gather3A_356 : vector<16xf32>
      %broadcast_in_dim3A_358 = vector.shape_cast %and3A_63 : vector<16xi32> to vector<16x1xi32>
      %gather3A_359 = vector.shape_cast %broadcast_in_dim3A_358 : vector<16x1xi32> to vector<16xi32>
      %gather3A_360 = tpu.dynamic_gather %min3A_357[%gather3A_359] in [0] : vector<16xf32>, vector<16xi32> -> vector<16xf32>
      %min3A_361 = arith.minimumf %min3A_357, %gather3A_360 : vector<16xf32>
      %broadcast_in_dim3A_362 = vector.shape_cast %and3A_57 : vector<16xi32> to vector<16x1xi32>
      %gather3A_363 = vector.shape_cast %broadcast_in_dim3A_362 : vector<16x1xi32> to vector<16xi32>
      %gather3A_364 = tpu.dynamic_gather %min3A_361[%gather3A_363] in [0] : vector<16xf32>, vector<16xi32> -> vector<16xf32>
      %min3A_365 = arith.minimumf %min3A_361, %gather3A_364 : vector<16xf32>
      %broadcast_in_dim3A_366 = vector.shape_cast %and3A_51 : vector<16xi32> to vector<16x1xi32>
      %gather3A_367 = vector.shape_cast %broadcast_in_dim3A_366 : vector<16x1xi32> to vector<16xi32>
      %gather3A_368 = tpu.dynamic_gather %min3A_365[%gather3A_367] in [0] : vector<16xf32>, vector<16xi32> -> vector<16xf32>
      %min3A_369 = arith.minimumf %min3A_365, %gather3A_368 : vector<16xf32>
      %eq3A_370 = arith.constant 3 : i32
      %eq3A_371 = vector.broadcast %eq3A_370 : i32 to vector<16xi32>
      %eq3A_372 = arith.cmpi eq, %iota3A, %eq3A_371 : vector<16xi32>
      %select_n3A_373 = arith.select %eq3A_372, %min3A_369, %select_n3A_353 : vector<16xi1>, vector<16xf32>
      %broadcast_in_dim3A_374 = vector.shape_cast %and3A_69 : vector<16xi32> to vector<16x1xi32>
      %gather3A_375 = vector.shape_cast %broadcast_in_dim3A_374 : vector<16x1xi32> to vector<16xi32>
      %gather3A_376 = tpu.dynamic_gather %scan3A_293#4[%gather3A_375] in [0] : vector<16xf32>, vector<16xi32> -> vector<16xf32>
      %min3A_377 = arith.minimumf %scan3A_293#4, %gather3A_376 : vector<16xf32>
      %broadcast_in_dim3A_378 = vector.shape_cast %and3A_63 : vector<16xi32> to vector<16x1xi32>
      %gather3A_379 = vector.shape_cast %broadcast_in_dim3A_378 : vector<16x1xi32> to vector<16xi32>
      %gather3A_380 = tpu.dynamic_gather %min3A_377[%gather3A_379] in [0] : vector<16xf32>, vector<16xi32> -> vector<16xf32>
      %min3A_381 = arith.minimumf %min3A_377, %gather3A_380 : vector<16xf32>
      %broadcast_in_dim3A_382 = vector.shape_cast %and3A_57 : vector<16xi32> to vector<16x1xi32>
      %gather3A_383 = vector.shape_cast %broadcast_in_dim3A_382 : vector<16x1xi32> to vector<16xi32>
      %gather3A_384 = tpu.dynamic_gather %min3A_381[%gather3A_383] in [0] : vector<16xf32>, vector<16xi32> -> vector<16xf32>
      %min3A_385 = arith.minimumf %min3A_381, %gather3A_384 : vector<16xf32>
      %broadcast_in_dim3A_386 = vector.shape_cast %and3A_51 : vector<16xi32> to vector<16x1xi32>
      %gather3A_387 = vector.shape_cast %broadcast_in_dim3A_386 : vector<16x1xi32> to vector<16xi32>
      %gather3A_388 = tpu.dynamic_gather %min3A_385[%gather3A_387] in [0] : vector<16xf32>, vector<16xi32> -> vector<16xf32>
      %min3A_389 = arith.minimumf %min3A_385, %gather3A_388 : vector<16xf32>
      %eq3A_390 = arith.constant 4 : i32
      %eq3A_391 = vector.broadcast %eq3A_390 : i32 to vector<16xi32>
      %eq3A_392 = arith.cmpi eq, %iota3A, %eq3A_391 : vector<16xi32>
      %select_n3A_393 = arith.select %eq3A_392, %min3A_389, %select_n3A_373 : vector<16xi1>, vector<16xf32>
      %broadcast_in_dim3A_394 = vector.shape_cast %and3A_69 : vector<16xi32> to vector<16x1xi32>
      %gather3A_395 = vector.shape_cast %broadcast_in_dim3A_394 : vector<16x1xi32> to vector<16xi32>
      %gather3A_396 = tpu.dynamic_gather %scan3A_293#5[%gather3A_395] in [0] : vector<16xf32>, vector<16xi32> -> vector<16xf32>
      %min3A_397 = arith.minimumf %scan3A_293#5, %gather3A_396 : vector<16xf32>
      %broadcast_in_dim3A_398 = vector.shape_cast %and3A_63 : vector<16xi32> to vector<16x1xi32>
      %gather3A_399 = vector.shape_cast %broadcast_in_dim3A_398 : vector<16x1xi32> to vector<16xi32>
      %gather3A_400 = tpu.dynamic_gather %min3A_397[%gather3A_399] in [0] : vector<16xf32>, vector<16xi32> -> vector<16xf32>
      %min3A_401 = arith.minimumf %min3A_397, %gather3A_400 : vector<16xf32>
      %broadcast_in_dim3A_402 = vector.shape_cast %and3A_57 : vector<16xi32> to vector<16x1xi32>
      %gather3A_403 = vector.shape_cast %broadcast_in_dim3A_402 : vector<16x1xi32> to vector<16xi32>
      %gather3A_404 = tpu.dynamic_gather %min3A_401[%gather3A_403] in [0] : vector<16xf32>, vector<16xi32> -> vector<16xf32>
      %min3A_405 = arith.minimumf %min3A_401, %gather3A_404 : vector<16xf32>
      %broadcast_in_dim3A_406 = vector.shape_cast %and3A_51 : vector<16xi32> to vector<16x1xi32>
      %gather3A_407 = vector.shape_cast %broadcast_in_dim3A_406 : vector<16x1xi32> to vector<16xi32>
      %gather3A_408 = tpu.dynamic_gather %min3A_405[%gather3A_407] in [0] : vector<16xf32>, vector<16xi32> -> vector<16xf32>
      %min3A_409 = arith.minimumf %min3A_405, %gather3A_408 : vector<16xf32>
      %eq3A_410 = arith.constant 5 : i32
      %eq3A_411 = vector.broadcast %eq3A_410 : i32 to vector<16xi32>
      %eq3A_412 = arith.cmpi eq, %iota3A, %eq3A_411 : vector<16xi32>
      %select_n3A_413 = arith.select %eq3A_412, %min3A_409, %select_n3A_393 : vector<16xi1>, vector<16xf32>
      %broadcast_in_dim3A_414 = vector.shape_cast %and3A_69 : vector<16xi32> to vector<16x1xi32>
      %gather3A_415 = vector.shape_cast %broadcast_in_dim3A_414 : vector<16x1xi32> to vector<16xi32>
      %gather3A_416 = tpu.dynamic_gather %scan3A_293#6[%gather3A_415] in [0] : vector<16xf32>, vector<16xi32> -> vector<16xf32>
      %min3A_417 = arith.minimumf %scan3A_293#6, %gather3A_416 : vector<16xf32>
      %broadcast_in_dim3A_418 = vector.shape_cast %and3A_63 : vector<16xi32> to vector<16x1xi32>
      %gather3A_419 = vector.shape_cast %broadcast_in_dim3A_418 : vector<16x1xi32> to vector<16xi32>
      %gather3A_420 = tpu.dynamic_gather %min3A_417[%gather3A_419] in [0] : vector<16xf32>, vector<16xi32> -> vector<16xf32>
      %min3A_421 = arith.minimumf %min3A_417, %gather3A_420 : vector<16xf32>
      %broadcast_in_dim3A_422 = vector.shape_cast %and3A_57 : vector<16xi32> to vector<16x1xi32>
      %gather3A_423 = vector.shape_cast %broadcast_in_dim3A_422 : vector<16x1xi32> to vector<16xi32>
      %gather3A_424 = tpu.dynamic_gather %min3A_421[%gather3A_423] in [0] : vector<16xf32>, vector<16xi32> -> vector<16xf32>
      %min3A_425 = arith.minimumf %min3A_421, %gather3A_424 : vector<16xf32>
      %broadcast_in_dim3A_426 = vector.shape_cast %and3A_51 : vector<16xi32> to vector<16x1xi32>
      %gather3A_427 = vector.shape_cast %broadcast_in_dim3A_426 : vector<16x1xi32> to vector<16xi32>
      %gather3A_428 = tpu.dynamic_gather %min3A_425[%gather3A_427] in [0] : vector<16xf32>, vector<16xi32> -> vector<16xf32>
      %min3A_429 = arith.minimumf %min3A_425, %gather3A_428 : vector<16xf32>
      %eq3A_430 = arith.constant 6 : i32
      %eq3A_431 = vector.broadcast %eq3A_430 : i32 to vector<16xi32>
      %eq3A_432 = arith.cmpi eq, %iota3A, %eq3A_431 : vector<16xi32>
      %select_n3A_433 = arith.select %eq3A_432, %min3A_429, %select_n3A_413 : vector<16xi1>, vector<16xf32>
      %broadcast_in_dim3A_434 = vector.shape_cast %and3A_69 : vector<16xi32> to vector<16x1xi32>
      %gather3A_435 = vector.shape_cast %broadcast_in_dim3A_434 : vector<16x1xi32> to vector<16xi32>
      %gather3A_436 = tpu.dynamic_gather %scan3A_293#7[%gather3A_435] in [0] : vector<16xf32>, vector<16xi32> -> vector<16xf32>
      %min3A_437 = arith.minimumf %scan3A_293#7, %gather3A_436 : vector<16xf32>
      %broadcast_in_dim3A_438 = vector.shape_cast %and3A_63 : vector<16xi32> to vector<16x1xi32>
      %gather3A_439 = vector.shape_cast %broadcast_in_dim3A_438 : vector<16x1xi32> to vector<16xi32>
      %gather3A_440 = tpu.dynamic_gather %min3A_437[%gather3A_439] in [0] : vector<16xf32>, vector<16xi32> -> vector<16xf32>
      %min3A_441 = arith.minimumf %min3A_437, %gather3A_440 : vector<16xf32>
      %broadcast_in_dim3A_442 = vector.shape_cast %and3A_57 : vector<16xi32> to vector<16x1xi32>
      %gather3A_443 = vector.shape_cast %broadcast_in_dim3A_442 : vector<16x1xi32> to vector<16xi32>
      %gather3A_444 = tpu.dynamic_gather %min3A_441[%gather3A_443] in [0] : vector<16xf32>, vector<16xi32> -> vector<16xf32>
      %min3A_445 = arith.minimumf %min3A_441, %gather3A_444 : vector<16xf32>
      %broadcast_in_dim3A_446 = vector.shape_cast %and3A_51 : vector<16xi32> to vector<16x1xi32>
      %gather3A_447 = vector.shape_cast %broadcast_in_dim3A_446 : vector<16x1xi32> to vector<16xi32>
      %gather3A_448 = tpu.dynamic_gather %min3A_445[%gather3A_447] in [0] : vector<16xf32>, vector<16xi32> -> vector<16xf32>
      %min3A_449 = arith.minimumf %min3A_445, %gather3A_448 : vector<16xf32>
      %eq3A_450 = arith.constant 7 : i32
      %eq3A_451 = vector.broadcast %eq3A_450 : i32 to vector<16xi32>
      %eq3A_452 = arith.cmpi eq, %iota3A, %eq3A_451 : vector<16xi32>
      %select_n3A_453 = arith.select %eq3A_452, %min3A_449, %select_n3A_433 : vector<16xi1>, vector<16xf32>
      %broadcast_in_dim3A_454 = vector.shape_cast %broadcast_in_dim3A_86 : vector<16xi32> to vector<16x1xi32>
      %gather3A_455 = vector.shape_cast %broadcast_in_dim3A_454 : vector<16x1xi32> to vector<16xi32>
      %gather3A_456 = tpu.dynamic_gather %get3A_121[%gather3A_455] in [0] : vector<16xf32>, vector<16xi32> -> vector<16xf32>
      %mul3A_457 = arith.constant -2.000000e+00 : f32
      %mul3A_458 = vector.broadcast %mul3A_457 : f32 to vector<16xf32>
      %mul3A_459 = arith.mulf %gather3A_456, %mul3A_458 : vector<16xf32>
      %broadcast_in_dim3A_460 = vector.shape_cast %broadcast_in_dim3A_86 : vector<16xi32> to vector<16x1xi32>
      %gather3A_461 = vector.shape_cast %broadcast_in_dim3A_460 : vector<16x1xi32> to vector<16xi32>
      %gather3A_462 = tpu.dynamic_gather %get3A_124[%gather3A_461] in [0] : vector<16xf32>, vector<16xi32> -> vector<16xf32>
      %mul3A_463 = arith.constant -2.000000e+00 : f32
      %mul3A_464 = vector.broadcast %mul3A_463 : f32 to vector<16xf32>
      %mul3A_465 = arith.mulf %gather3A_462, %mul3A_464 : vector<16xf32>
      %broadcast_in_dim3A_466 = vector.shape_cast %broadcast_in_dim3A_86 : vector<16xi32> to vector<16x1xi32>
      %gather3A_467 = vector.shape_cast %broadcast_in_dim3A_466 : vector<16x1xi32> to vector<16xi32>
      %gather3A_468 = tpu.dynamic_gather %get3A_127[%gather3A_467] in [0] : vector<16xf32>, vector<16xi32> -> vector<16xf32>
      %mul3A_469 = arith.constant -2.000000e+00 : f32
      %mul3A_470 = vector.broadcast %mul3A_469 : f32 to vector<16xf32>
      %mul3A_471 = arith.mulf %gather3A_468, %mul3A_470 : vector<16xf32>
      %broadcast_in_dim3A_472 = vector.shape_cast %broadcast_in_dim3A_88 : vector<16xi32> to vector<16x1xi32>
      %gather3A_473 = vector.shape_cast %broadcast_in_dim3A_472 : vector<16x1xi32> to vector<16xi32>
      %gather3A_474 = tpu.dynamic_gather %get3A_121[%gather3A_473] in [0] : vector<16xf32>, vector<16xi32> -> vector<16xf32>
      %mul3A_475 = arith.constant -2.000000e+00 : f32
      %mul3A_476 = vector.broadcast %mul3A_475 : f32 to vector<16xf32>
      %mul3A_477 = arith.mulf %gather3A_474, %mul3A_476 : vector<16xf32>
      %broadcast_in_dim3A_478 = vector.shape_cast %broadcast_in_dim3A_88 : vector<16xi32> to vector<16x1xi32>
      %gather3A_479 = vector.shape_cast %broadcast_in_dim3A_478 : vector<16x1xi32> to vector<16xi32>
      %gather3A_480 = tpu.dynamic_gather %get3A_124[%gather3A_479] in [0] : vector<16xf32>, vector<16xi32> -> vector<16xf32>
      %mul3A_481 = arith.constant -2.000000e+00 : f32
      %mul3A_482 = vector.broadcast %mul3A_481 : f32 to vector<16xf32>
      %mul3A_483 = arith.mulf %gather3A_480, %mul3A_482 : vector<16xf32>
      %broadcast_in_dim3A_484 = vector.shape_cast %broadcast_in_dim3A_88 : vector<16xi32> to vector<16x1xi32>
      %gather3A_485 = vector.shape_cast %broadcast_in_dim3A_484 : vector<16x1xi32> to vector<16xi32>
      %gather3A_486 = tpu.dynamic_gather %get3A_127[%gather3A_485] in [0] : vector<16xf32>, vector<16xi32> -> vector<16xf32>
      %mul3A_487 = arith.constant -2.000000e+00 : f32
      %mul3A_488 = vector.broadcast %mul3A_487 : f32 to vector<16xf32>
      %mul3A_489 = arith.mulf %gather3A_486, %mul3A_488 : vector<16xf32>
      %broadcast_in_dim3A_490 = vector.shape_cast %broadcast_in_dim3A_90 : vector<16xi32> to vector<16x1xi32>
      %gather3A_491 = vector.shape_cast %broadcast_in_dim3A_490 : vector<16x1xi32> to vector<16xi32>
      %gather3A_492 = tpu.dynamic_gather %get3A_121[%gather3A_491] in [0] : vector<16xf32>, vector<16xi32> -> vector<16xf32>
      %mul3A_493 = arith.constant -2.000000e+00 : f32
      %mul3A_494 = vector.broadcast %mul3A_493 : f32 to vector<16xf32>
      %mul3A_495 = arith.mulf %gather3A_492, %mul3A_494 : vector<16xf32>
      %broadcast_in_dim3A_496 = vector.shape_cast %broadcast_in_dim3A_90 : vector<16xi32> to vector<16x1xi32>
      %gather3A_497 = vector.shape_cast %broadcast_in_dim3A_496 : vector<16x1xi32> to vector<16xi32>
      %gather3A_498 = tpu.dynamic_gather %get3A_124[%gather3A_497] in [0] : vector<16xf32>, vector<16xi32> -> vector<16xf32>
      %mul3A_499 = arith.constant -2.000000e+00 : f32
      %mul3A_500 = vector.broadcast %mul3A_499 : f32 to vector<16xf32>
      %mul3A_501 = arith.mulf %gather3A_498, %mul3A_500 : vector<16xf32>
      %broadcast_in_dim3A_502 = vector.shape_cast %broadcast_in_dim3A_90 : vector<16xi32> to vector<16x1xi32>
      %gather3A_503 = vector.shape_cast %broadcast_in_dim3A_502 : vector<16x1xi32> to vector<16xi32>
      %gather3A_504 = tpu.dynamic_gather %get3A_127[%gather3A_503] in [0] : vector<16xf32>, vector<16xi32> -> vector<16xf32>
      %mul3A_505 = arith.constant -2.000000e+00 : f32
      %mul3A_506 = vector.broadcast %mul3A_505 : f32 to vector<16xf32>
      %mul3A_507 = arith.mulf %gather3A_504, %mul3A_506 : vector<16xf32>
      %broadcast_in_dim3A_508 = vector.shape_cast %broadcast_in_dim3A_92 : vector<16xi32> to vector<16x1xi32>
      %gather3A_509 = vector.shape_cast %broadcast_in_dim3A_508 : vector<16x1xi32> to vector<16xi32>
      %gather3A_510 = tpu.dynamic_gather %get3A_121[%gather3A_509] in [0] : vector<16xf32>, vector<16xi32> -> vector<16xf32>
      %mul3A_511 = arith.constant -2.000000e+00 : f32
      %mul3A_512 = vector.broadcast %mul3A_511 : f32 to vector<16xf32>
      %mul3A_513 = arith.mulf %gather3A_510, %mul3A_512 : vector<16xf32>
      %broadcast_in_dim3A_514 = vector.shape_cast %broadcast_in_dim3A_92 : vector<16xi32> to vector<16x1xi32>
      %gather3A_515 = vector.shape_cast %broadcast_in_dim3A_514 : vector<16x1xi32> to vector<16xi32>
      %gather3A_516 = tpu.dynamic_gather %get3A_124[%gather3A_515] in [0] : vector<16xf32>, vector<16xi32> -> vector<16xf32>
      %mul3A_517 = arith.constant -2.000000e+00 : f32
      %mul3A_518 = vector.broadcast %mul3A_517 : f32 to vector<16xf32>
      %mul3A_519 = arith.mulf %gather3A_516, %mul3A_518 : vector<16xf32>
      %broadcast_in_dim3A_520 = vector.shape_cast %broadcast_in_dim3A_92 : vector<16xi32> to vector<16x1xi32>
      %gather3A_521 = vector.shape_cast %broadcast_in_dim3A_520 : vector<16x1xi32> to vector<16xi32>
      %gather3A_522 = tpu.dynamic_gather %get3A_127[%gather3A_521] in [0] : vector<16xf32>, vector<16xi32> -> vector<16xf32>
      %mul3A_523 = arith.constant -2.000000e+00 : f32
      %mul3A_524 = vector.broadcast %mul3A_523 : f32 to vector<16xf32>
      %mul3A_525 = arith.mulf %gather3A_522, %mul3A_524 : vector<16xf32>
      %broadcast_in_dim3A_526 = vector.shape_cast %broadcast_in_dim3A_94 : vector<16xi32> to vector<16x1xi32>
      %gather3A_527 = vector.shape_cast %broadcast_in_dim3A_526 : vector<16x1xi32> to vector<16xi32>
      %gather3A_528 = tpu.dynamic_gather %get3A_121[%gather3A_527] in [0] : vector<16xf32>, vector<16xi32> -> vector<16xf32>
      %mul3A_529 = arith.constant -2.000000e+00 : f32
      %mul3A_530 = vector.broadcast %mul3A_529 : f32 to vector<16xf32>
      %mul3A_531 = arith.mulf %gather3A_528, %mul3A_530 : vector<16xf32>
      %broadcast_in_dim3A_532 = vector.shape_cast %broadcast_in_dim3A_94 : vector<16xi32> to vector<16x1xi32>
      %gather3A_533 = vector.shape_cast %broadcast_in_dim3A_532 : vector<16x1xi32> to vector<16xi32>
      %gather3A_534 = tpu.dynamic_gather %get3A_124[%gather3A_533] in [0] : vector<16xf32>, vector<16xi32> -> vector<16xf32>
      %mul3A_535 = arith.constant -2.000000e+00 : f32
      %mul3A_536 = vector.broadcast %mul3A_535 : f32 to vector<16xf32>
      %mul3A_537 = arith.mulf %gather3A_534, %mul3A_536 : vector<16xf32>
      %broadcast_in_dim3A_538 = vector.shape_cast %broadcast_in_dim3A_94 : vector<16xi32> to vector<16x1xi32>
      %gather3A_539 = vector.shape_cast %broadcast_in_dim3A_538 : vector<16x1xi32> to vector<16xi32>
      %gather3A_540 = tpu.dynamic_gather %get3A_127[%gather3A_539] in [0] : vector<16xf32>, vector<16xi32> -> vector<16xf32>
      %mul3A_541 = arith.constant -2.000000e+00 : f32
      %mul3A_542 = vector.broadcast %mul3A_541 : f32 to vector<16xf32>
      %mul3A_543 = arith.mulf %gather3A_540, %mul3A_542 : vector<16xf32>
      %broadcast_in_dim3A_544 = vector.shape_cast %broadcast_in_dim3A_96 : vector<16xi32> to vector<16x1xi32>
      %gather3A_545 = vector.shape_cast %broadcast_in_dim3A_544 : vector<16x1xi32> to vector<16xi32>
      %gather3A_546 = tpu.dynamic_gather %get3A_121[%gather3A_545] in [0] : vector<16xf32>, vector<16xi32> -> vector<16xf32>
      %mul3A_547 = arith.constant -2.000000e+00 : f32
      %mul3A_548 = vector.broadcast %mul3A_547 : f32 to vector<16xf32>
      %mul3A_549 = arith.mulf %gather3A_546, %mul3A_548 : vector<16xf32>
      %broadcast_in_dim3A_550 = vector.shape_cast %broadcast_in_dim3A_96 : vector<16xi32> to vector<16x1xi32>
      %gather3A_551 = vector.shape_cast %broadcast_in_dim3A_550 : vector<16x1xi32> to vector<16xi32>
      %gather3A_552 = tpu.dynamic_gather %get3A_124[%gather3A_551] in [0] : vector<16xf32>, vector<16xi32> -> vector<16xf32>
      %mul3A_553 = arith.constant -2.000000e+00 : f32
      %mul3A_554 = vector.broadcast %mul3A_553 : f32 to vector<16xf32>
      %mul3A_555 = arith.mulf %gather3A_552, %mul3A_554 : vector<16xf32>
      %broadcast_in_dim3A_556 = vector.shape_cast %broadcast_in_dim3A_96 : vector<16xi32> to vector<16x1xi32>
      %gather3A_557 = vector.shape_cast %broadcast_in_dim3A_556 : vector<16x1xi32> to vector<16xi32>
      %gather3A_558 = tpu.dynamic_gather %get3A_127[%gather3A_557] in [0] : vector<16xf32>, vector<16xi32> -> vector<16xf32>
      %mul3A_559 = arith.constant -2.000000e+00 : f32
      %mul3A_560 = vector.broadcast %mul3A_559 : f32 to vector<16xf32>
      %mul3A_561 = arith.mulf %gather3A_558, %mul3A_560 : vector<16xf32>
      %broadcast_in_dim3A_562 = vector.shape_cast %broadcast_in_dim3A_98 : vector<16xi32> to vector<16x1xi32>
      %gather3A_563 = vector.shape_cast %broadcast_in_dim3A_562 : vector<16x1xi32> to vector<16xi32>
      %gather3A_564 = tpu.dynamic_gather %get3A_121[%gather3A_563] in [0] : vector<16xf32>, vector<16xi32> -> vector<16xf32>
      %mul3A_565 = arith.constant -2.000000e+00 : f32
      %mul3A_566 = vector.broadcast %mul3A_565 : f32 to vector<16xf32>
      %mul3A_567 = arith.mulf %gather3A_564, %mul3A_566 : vector<16xf32>
      %broadcast_in_dim3A_568 = vector.shape_cast %broadcast_in_dim3A_98 : vector<16xi32> to vector<16x1xi32>
      %gather3A_569 = vector.shape_cast %broadcast_in_dim3A_568 : vector<16x1xi32> to vector<16xi32>
      %gather3A_570 = tpu.dynamic_gather %get3A_124[%gather3A_569] in [0] : vector<16xf32>, vector<16xi32> -> vector<16xf32>
      %mul3A_571 = arith.constant -2.000000e+00 : f32
      %mul3A_572 = vector.broadcast %mul3A_571 : f32 to vector<16xf32>
      %mul3A_573 = arith.mulf %gather3A_570, %mul3A_572 : vector<16xf32>
      %broadcast_in_dim3A_574 = vector.shape_cast %broadcast_in_dim3A_98 : vector<16xi32> to vector<16x1xi32>
      %gather3A_575 = vector.shape_cast %broadcast_in_dim3A_574 : vector<16x1xi32> to vector<16xi32>
      %gather3A_576 = tpu.dynamic_gather %get3A_127[%gather3A_575] in [0] : vector<16xf32>, vector<16xi32> -> vector<16xf32>
      %mul3A_577 = arith.constant -2.000000e+00 : f32
      %mul3A_578 = vector.broadcast %mul3A_577 : f32 to vector<16xf32>
      %mul3A_579 = arith.mulf %gather3A_576, %mul3A_578 : vector<16xf32>
      %broadcast_in_dim3A_580 = vector.shape_cast %broadcast_in_dim3A_100 : vector<16xi32> to vector<16x1xi32>
      %gather3A_581 = vector.shape_cast %broadcast_in_dim3A_580 : vector<16x1xi32> to vector<16xi32>
      %gather3A_582 = tpu.dynamic_gather %get3A_121[%gather3A_581] in [0] : vector<16xf32>, vector<16xi32> -> vector<16xf32>
      %mul3A_583 = arith.constant -2.000000e+00 : f32
      %mul3A_584 = vector.broadcast %mul3A_583 : f32 to vector<16xf32>
      %mul3A_585 = arith.mulf %gather3A_582, %mul3A_584 : vector<16xf32>
      %broadcast_in_dim3A_586 = vector.shape_cast %broadcast_in_dim3A_100 : vector<16xi32> to vector<16x1xi32>
      %gather3A_587 = vector.shape_cast %broadcast_in_dim3A_586 : vector<16x1xi32> to vector<16xi32>
      %gather3A_588 = tpu.dynamic_gather %get3A_124[%gather3A_587] in [0] : vector<16xf32>, vector<16xi32> -> vector<16xf32>
      %mul3A_589 = arith.constant -2.000000e+00 : f32
      %mul3A_590 = vector.broadcast %mul3A_589 : f32 to vector<16xf32>
      %mul3A_591 = arith.mulf %gather3A_588, %mul3A_590 : vector<16xf32>
      %broadcast_in_dim3A_592 = vector.shape_cast %broadcast_in_dim3A_100 : vector<16xi32> to vector<16x1xi32>
      %gather3A_593 = vector.shape_cast %broadcast_in_dim3A_592 : vector<16x1xi32> to vector<16xi32>
      %gather3A_594 = tpu.dynamic_gather %get3A_127[%gather3A_593] in [0] : vector<16xf32>, vector<16xi32> -> vector<16xf32>
      %mul3A_595 = arith.constant -2.000000e+00 : f32
      %mul3A_596 = vector.broadcast %mul3A_595 : f32 to vector<16xf32>
      %mul3A_597 = arith.mulf %gather3A_594, %mul3A_596 : vector<16xf32>
      %broadcast_in_dim3A_598 = arith.constant 0x7F800000 : f32
      %broadcast_in_dim3A_599 = vector.broadcast %broadcast_in_dim3A_598 : f32 to vector<16xf32>
      %broadcast_in_dim3A_600 = arith.constant 0x7F800000 : f32
      %broadcast_in_dim3A_601 = vector.broadcast %broadcast_in_dim3A_600 : f32 to vector<16xf32>
      %broadcast_in_dim3A_602 = arith.constant 0x7F800000 : f32
      %broadcast_in_dim3A_603 = vector.broadcast %broadcast_in_dim3A_602 : f32 to vector<16xf32>
      %broadcast_in_dim3A_604 = arith.constant 0x7F800000 : f32
      %broadcast_in_dim3A_605 = vector.broadcast %broadcast_in_dim3A_604 : f32 to vector<16xf32>
      %broadcast_in_dim3A_606 = arith.constant 0x7F800000 : f32
      %broadcast_in_dim3A_607 = vector.broadcast %broadcast_in_dim3A_606 : f32 to vector<16xf32>
      %broadcast_in_dim3A_608 = arith.constant 0x7F800000 : f32
      %broadcast_in_dim3A_609 = vector.broadcast %broadcast_in_dim3A_608 : f32 to vector<16xf32>
      %broadcast_in_dim3A_610 = arith.constant 0x7F800000 : f32
      %broadcast_in_dim3A_611 = vector.broadcast %broadcast_in_dim3A_610 : f32 to vector<16xf32>
      %broadcast_in_dim3A_612 = arith.constant 0x7F800000 : f32
      %broadcast_in_dim3A_613 = vector.broadcast %broadcast_in_dim3A_612 : f32 to vector<16xf32>
      %scan3A_614 = arith.constant 0 : i32
      %scan3A_615 = arith.constant 128 : i32
      %scan3A_616 = arith.addi %scan3A_614, %scan3A_615 : i32
      %scan3A_617 = arith.constant 1 : i32
      %scan3A_618:8 = scf.for %scan3A_790 = %scan3A_614 to %scan3A_616 step %scan3A_617 iter_args(%scan3A_791 = %broadcast_in_dim3A_599, %scan3A_792 = %broadcast_in_dim3A_601, %scan3A_793 = %broadcast_in_dim3A_603, %scan3A_794 = %broadcast_in_dim3A_605, %scan3A_795 = %broadcast_in_dim3A_607, %scan3A_796 = %broadcast_in_dim3A_609, %scan3A_797 = %broadcast_in_dim3A_611, %scan3A_798 = %broadcast_in_dim3A_613) -> (vector<16xf32>, vector<16xf32>, vector<16xf32>, vector<16xf32>, vector<16xf32>, vector<16xf32>, vector<16xf32>, vector<16xf32>)  : i32 {
        %mul3A_799 = arith.constant 16 : i32
        %mul3A_800 = arith.muli %scan3A_790, %mul3A_799 : i32
        %get3A_801 = arith.index_cast %mul3A_800 : i32 to index
        %get3A_802 = tpu.vector_load %arg8[%get3A_801] {strides = array<i32>} : memref<2048xf32, #tpu.memory_space<vmem>>, vector<16xf32>,
        %get3A_803 = vector.shape_cast %get3A_802 : vector<16xf32> to vector<16xf32>
        %get3A_804 = arith.index_cast %mul3A_800 : i32 to index
        %get3A_805 = tpu.vector_load %arg9[%get3A_804] {strides = array<i32>} : memref<2048xf32, #tpu.memory_space<vmem>>, vector<16xf32>,
        %get3A_806 = vector.shape_cast %get3A_805 : vector<16xf32> to vector<16xf32>
        %get3A_807 = arith.index_cast %mul3A_800 : i32 to index
        %get3A_808 = tpu.vector_load %arg10[%get3A_807] {strides = array<i32>} : memref<2048xf32, #tpu.memory_space<vmem>>, vector<16xf32>,
        %get3A_809 = vector.shape_cast %get3A_808 : vector<16xf32> to vector<16xf32>
        %get3A_810 = arith.index_cast %mul3A_800 : i32 to index
        %get3A_811 = tpu.vector_load %arg14[%get3A_810] {strides = array<i32>} : memref<2048xf32, #tpu.memory_space<vmem>>, vector<16xf32>,
        %get3A_812 = vector.shape_cast %get3A_811 : vector<16xf32> to vector<16xf32>
        %mul3A_813 = arith.mulf %mul3A_459, %get3A_803 : vector<16xf32>
        %add3A_814 = arith.addf %mul3A_813, %get3A_812 : vector<16xf32>
        %mul3A_815 = arith.mulf %mul3A_465, %get3A_806 : vector<16xf32>
        %add3A_816 = arith.addf %mul3A_815, %add3A_814 : vector<16xf32>
        %mul3A_817 = arith.mulf %mul3A_471, %get3A_809 : vector<16xf32>
        %add3A_818 = arith.addf %mul3A_817, %add3A_816 : vector<16xf32>
        %min3A_819 = arith.minimumf %scan3A_791, %add3A_818 : vector<16xf32>
        %mul3A_820 = arith.mulf %mul3A_477, %get3A_803 : vector<16xf32>
        %add3A_821 = arith.addf %mul3A_820, %get3A_812 : vector<16xf32>
        %mul3A_822 = arith.mulf %mul3A_483, %get3A_806 : vector<16xf32>
        %add3A_823 = arith.addf %mul3A_822, %add3A_821 : vector<16xf32>
        %mul3A_824 = arith.mulf %mul3A_489, %get3A_809 : vector<16xf32>
        %add3A_825 = arith.addf %mul3A_824, %add3A_823 : vector<16xf32>
        %min3A_826 = arith.minimumf %scan3A_792, %add3A_825 : vector<16xf32>
        %mul3A_827 = arith.mulf %mul3A_495, %get3A_803 : vector<16xf32>
        %add3A_828 = arith.addf %mul3A_827, %get3A_812 : vector<16xf32>
        %mul3A_829 = arith.mulf %mul3A_501, %get3A_806 : vector<16xf32>
        %add3A_830 = arith.addf %mul3A_829, %add3A_828 : vector<16xf32>
        %mul3A_831 = arith.mulf %mul3A_507, %get3A_809 : vector<16xf32>
        %add3A_832 = arith.addf %mul3A_831, %add3A_830 : vector<16xf32>
        %min3A_833 = arith.minimumf %scan3A_793, %add3A_832 : vector<16xf32>
        %mul3A_834 = arith.mulf %mul3A_513, %get3A_803 : vector<16xf32>
        %add3A_835 = arith.addf %mul3A_834, %get3A_812 : vector<16xf32>
        %mul3A_836 = arith.mulf %mul3A_519, %get3A_806 : vector<16xf32>
        %add3A_837 = arith.addf %mul3A_836, %add3A_835 : vector<16xf32>
        %mul3A_838 = arith.mulf %mul3A_525, %get3A_809 : vector<16xf32>
        %add3A_839 = arith.addf %mul3A_838, %add3A_837 : vector<16xf32>
        %min3A_840 = arith.minimumf %scan3A_794, %add3A_839 : vector<16xf32>
        %mul3A_841 = arith.mulf %mul3A_531, %get3A_803 : vector<16xf32>
        %add3A_842 = arith.addf %mul3A_841, %get3A_812 : vector<16xf32>
        %mul3A_843 = arith.mulf %mul3A_537, %get3A_806 : vector<16xf32>
        %add3A_844 = arith.addf %mul3A_843, %add3A_842 : vector<16xf32>
        %mul3A_845 = arith.mulf %mul3A_543, %get3A_809 : vector<16xf32>
        %add3A_846 = arith.addf %mul3A_845, %add3A_844 : vector<16xf32>
        %min3A_847 = arith.minimumf %scan3A_795, %add3A_846 : vector<16xf32>
        %mul3A_848 = arith.mulf %mul3A_549, %get3A_803 : vector<16xf32>
        %add3A_849 = arith.addf %mul3A_848, %get3A_812 : vector<16xf32>
        %mul3A_850 = arith.mulf %mul3A_555, %get3A_806 : vector<16xf32>
        %add3A_851 = arith.addf %mul3A_850, %add3A_849 : vector<16xf32>
        %mul3A_852 = arith.mulf %mul3A_561, %get3A_809 : vector<16xf32>
        %add3A_853 = arith.addf %mul3A_852, %add3A_851 : vector<16xf32>
        %min3A_854 = arith.minimumf %scan3A_796, %add3A_853 : vector<16xf32>
        %mul3A_855 = arith.mulf %mul3A_567, %get3A_803 : vector<16xf32>
        %add3A_856 = arith.addf %mul3A_855, %get3A_812 : vector<16xf32>
        %mul3A_857 = arith.mulf %mul3A_573, %get3A_806 : vector<16xf32>
        %add3A_858 = arith.addf %mul3A_857, %add3A_856 : vector<16xf32>
        %mul3A_859 = arith.mulf %mul3A_579, %get3A_809 : vector<16xf32>
        %add3A_860 = arith.addf %mul3A_859, %add3A_858 : vector<16xf32>
        %min3A_861 = arith.minimumf %scan3A_797, %add3A_860 : vector<16xf32>
        %mul3A_862 = arith.mulf %mul3A_585, %get3A_803 : vector<16xf32>
        %add3A_863 = arith.addf %mul3A_862, %get3A_812 : vector<16xf32>
        %mul3A_864 = arith.mulf %mul3A_591, %get3A_806 : vector<16xf32>
        %add3A_865 = arith.addf %mul3A_864, %add3A_863 : vector<16xf32>
        %mul3A_866 = arith.mulf %mul3A_597, %get3A_809 : vector<16xf32>
        %add3A_867 = arith.addf %mul3A_866, %add3A_865 : vector<16xf32>
        %min3A_868 = arith.minimumf %scan3A_798, %add3A_867 : vector<16xf32>
        scf.yield %min3A_819, %min3A_826, %min3A_833, %min3A_840, %min3A_847, %min3A_854, %min3A_861, %min3A_868 : vector<16xf32>, vector<16xf32>, vector<16xf32>, vector<16xf32>, vector<16xf32>, vector<16xf32>, vector<16xf32>, vector<16xf32>
      }
      %scan3A_619 = arith.constant 128 : i32
      %broadcast_in_dim3A_620 = vector.shape_cast %and3A_69 : vector<16xi32> to vector<16x1xi32>
      %gather3A_621 = vector.shape_cast %broadcast_in_dim3A_620 : vector<16x1xi32> to vector<16xi32>
      %gather3A_622 = tpu.dynamic_gather %scan3A_618#0[%gather3A_621] in [0] : vector<16xf32>, vector<16xi32> -> vector<16xf32>
      %min3A_623 = arith.minimumf %scan3A_618#0, %gather3A_622 : vector<16xf32>
      %broadcast_in_dim3A_624 = vector.shape_cast %and3A_63 : vector<16xi32> to vector<16x1xi32>
      %gather3A_625 = vector.shape_cast %broadcast_in_dim3A_624 : vector<16x1xi32> to vector<16xi32>
      %gather3A_626 = tpu.dynamic_gather %min3A_623[%gather3A_625] in [0] : vector<16xf32>, vector<16xi32> -> vector<16xf32>
      %min3A_627 = arith.minimumf %min3A_623, %gather3A_626 : vector<16xf32>
      %broadcast_in_dim3A_628 = vector.shape_cast %and3A_57 : vector<16xi32> to vector<16x1xi32>
      %gather3A_629 = vector.shape_cast %broadcast_in_dim3A_628 : vector<16x1xi32> to vector<16xi32>
      %gather3A_630 = tpu.dynamic_gather %min3A_627[%gather3A_629] in [0] : vector<16xf32>, vector<16xi32> -> vector<16xf32>
      %min3A_631 = arith.minimumf %min3A_627, %gather3A_630 : vector<16xf32>
      %broadcast_in_dim3A_632 = vector.shape_cast %and3A_51 : vector<16xi32> to vector<16x1xi32>
      %gather3A_633 = vector.shape_cast %broadcast_in_dim3A_632 : vector<16x1xi32> to vector<16xi32>
      %gather3A_634 = tpu.dynamic_gather %min3A_631[%gather3A_633] in [0] : vector<16xf32>, vector<16xi32> -> vector<16xf32>
      %min3A_635 = arith.minimumf %min3A_631, %gather3A_634 : vector<16xf32>
      %eq3A_636 = arith.constant 8 : i32
      %eq3A_637 = vector.broadcast %eq3A_636 : i32 to vector<16xi32>
      %eq3A_638 = arith.cmpi eq, %iota3A, %eq3A_637 : vector<16xi32>
      %select_n3A_639 = arith.select %eq3A_638, %min3A_635, %select_n3A_453 : vector<16xi1>, vector<16xf32>
      %broadcast_in_dim3A_640 = vector.shape_cast %and3A_69 : vector<16xi32> to vector<16x1xi32>
      %gather3A_641 = vector.shape_cast %broadcast_in_dim3A_640 : vector<16x1xi32> to vector<16xi32>
      %gather3A_642 = tpu.dynamic_gather %scan3A_618#1[%gather3A_641] in [0] : vector<16xf32>, vector<16xi32> -> vector<16xf32>
      %min3A_643 = arith.minimumf %scan3A_618#1, %gather3A_642 : vector<16xf32>
      %broadcast_in_dim3A_644 = vector.shape_cast %and3A_63 : vector<16xi32> to vector<16x1xi32>
      %gather3A_645 = vector.shape_cast %broadcast_in_dim3A_644 : vector<16x1xi32> to vector<16xi32>
      %gather3A_646 = tpu.dynamic_gather %min3A_643[%gather3A_645] in [0] : vector<16xf32>, vector<16xi32> -> vector<16xf32>
      %min3A_647 = arith.minimumf %min3A_643, %gather3A_646 : vector<16xf32>
      %broadcast_in_dim3A_648 = vector.shape_cast %and3A_57 : vector<16xi32> to vector<16x1xi32>
      %gather3A_649 = vector.shape_cast %broadcast_in_dim3A_648 : vector<16x1xi32> to vector<16xi32>
      %gather3A_650 = tpu.dynamic_gather %min3A_647[%gather3A_649] in [0] : vector<16xf32>, vector<16xi32> -> vector<16xf32>
      %min3A_651 = arith.minimumf %min3A_647, %gather3A_650 : vector<16xf32>
      %broadcast_in_dim3A_652 = vector.shape_cast %and3A_51 : vector<16xi32> to vector<16x1xi32>
      %gather3A_653 = vector.shape_cast %broadcast_in_dim3A_652 : vector<16x1xi32> to vector<16xi32>
      %gather3A_654 = tpu.dynamic_gather %min3A_651[%gather3A_653] in [0] : vector<16xf32>, vector<16xi32> -> vector<16xf32>
      %min3A_655 = arith.minimumf %min3A_651, %gather3A_654 : vector<16xf32>
      %eq3A_656 = arith.constant 9 : i32
      %eq3A_657 = vector.broadcast %eq3A_656 : i32 to vector<16xi32>
      %eq3A_658 = arith.cmpi eq, %iota3A, %eq3A_657 : vector<16xi32>
      %select_n3A_659 = arith.select %eq3A_658, %min3A_655, %select_n3A_639 : vector<16xi1>, vector<16xf32>
      %broadcast_in_dim3A_660 = vector.shape_cast %and3A_69 : vector<16xi32> to vector<16x1xi32>
      %gather3A_661 = vector.shape_cast %broadcast_in_dim3A_660 : vector<16x1xi32> to vector<16xi32>
      %gather3A_662 = tpu.dynamic_gather %scan3A_618#2[%gather3A_661] in [0] : vector<16xf32>, vector<16xi32> -> vector<16xf32>
      %min3A_663 = arith.minimumf %scan3A_618#2, %gather3A_662 : vector<16xf32>
      %broadcast_in_dim3A_664 = vector.shape_cast %and3A_63 : vector<16xi32> to vector<16x1xi32>
      %gather3A_665 = vector.shape_cast %broadcast_in_dim3A_664 : vector<16x1xi32> to vector<16xi32>
      %gather3A_666 = tpu.dynamic_gather %min3A_663[%gather3A_665] in [0] : vector<16xf32>, vector<16xi32> -> vector<16xf32>
      %min3A_667 = arith.minimumf %min3A_663, %gather3A_666 : vector<16xf32>
      %broadcast_in_dim3A_668 = vector.shape_cast %and3A_57 : vector<16xi32> to vector<16x1xi32>
      %gather3A_669 = vector.shape_cast %broadcast_in_dim3A_668 : vector<16x1xi32> to vector<16xi32>
      %gather3A_670 = tpu.dynamic_gather %min3A_667[%gather3A_669] in [0] : vector<16xf32>, vector<16xi32> -> vector<16xf32>
      %min3A_671 = arith.minimumf %min3A_667, %gather3A_670 : vector<16xf32>
      %broadcast_in_dim3A_672 = vector.shape_cast %and3A_51 : vector<16xi32> to vector<16x1xi32>
      %gather3A_673 = vector.shape_cast %broadcast_in_dim3A_672 : vector<16x1xi32> to vector<16xi32>
      %gather3A_674 = tpu.dynamic_gather %min3A_671[%gather3A_673] in [0] : vector<16xf32>, vector<16xi32> -> vector<16xf32>
      %min3A_675 = arith.minimumf %min3A_671, %gather3A_674 : vector<16xf32>
      %eq3A_676 = arith.constant 10 : i32
      %eq3A_677 = vector.broadcast %eq3A_676 : i32 to vector<16xi32>
      %eq3A_678 = arith.cmpi eq, %iota3A, %eq3A_677 : vector<16xi32>
      %select_n3A_679 = arith.select %eq3A_678, %min3A_675, %select_n3A_659 : vector<16xi1>, vector<16xf32>
      %broadcast_in_dim3A_680 = vector.shape_cast %and3A_69 : vector<16xi32> to vector<16x1xi32>
      %gather3A_681 = vector.shape_cast %broadcast_in_dim3A_680 : vector<16x1xi32> to vector<16xi32>
      %gather3A_682 = tpu.dynamic_gather %scan3A_618#3[%gather3A_681] in [0] : vector<16xf32>, vector<16xi32> -> vector<16xf32>
      %min3A_683 = arith.minimumf %scan3A_618#3, %gather3A_682 : vector<16xf32>
      %broadcast_in_dim3A_684 = vector.shape_cast %and3A_63 : vector<16xi32> to vector<16x1xi32>
      %gather3A_685 = vector.shape_cast %broadcast_in_dim3A_684 : vector<16x1xi32> to vector<16xi32>
      %gather3A_686 = tpu.dynamic_gather %min3A_683[%gather3A_685] in [0] : vector<16xf32>, vector<16xi32> -> vector<16xf32>
      %min3A_687 = arith.minimumf %min3A_683, %gather3A_686 : vector<16xf32>
      %broadcast_in_dim3A_688 = vector.shape_cast %and3A_57 : vector<16xi32> to vector<16x1xi32>
      %gather3A_689 = vector.shape_cast %broadcast_in_dim3A_688 : vector<16x1xi32> to vector<16xi32>
      %gather3A_690 = tpu.dynamic_gather %min3A_687[%gather3A_689] in [0] : vector<16xf32>, vector<16xi32> -> vector<16xf32>
      %min3A_691 = arith.minimumf %min3A_687, %gather3A_690 : vector<16xf32>
      %broadcast_in_dim3A_692 = vector.shape_cast %and3A_51 : vector<16xi32> to vector<16x1xi32>
      %gather3A_693 = vector.shape_cast %broadcast_in_dim3A_692 : vector<16x1xi32> to vector<16xi32>
      %gather3A_694 = tpu.dynamic_gather %min3A_691[%gather3A_693] in [0] : vector<16xf32>, vector<16xi32> -> vector<16xf32>
      %min3A_695 = arith.minimumf %min3A_691, %gather3A_694 : vector<16xf32>
      %eq3A_696 = arith.constant 11 : i32
      %eq3A_697 = vector.broadcast %eq3A_696 : i32 to vector<16xi32>
      %eq3A_698 = arith.cmpi eq, %iota3A, %eq3A_697 : vector<16xi32>
      %select_n3A_699 = arith.select %eq3A_698, %min3A_695, %select_n3A_679 : vector<16xi1>, vector<16xf32>
      %broadcast_in_dim3A_700 = vector.shape_cast %and3A_69 : vector<16xi32> to vector<16x1xi32>
      %gather3A_701 = vector.shape_cast %broadcast_in_dim3A_700 : vector<16x1xi32> to vector<16xi32>
      %gather3A_702 = tpu.dynamic_gather %scan3A_618#4[%gather3A_701] in [0] : vector<16xf32>, vector<16xi32> -> vector<16xf32>
      %min3A_703 = arith.minimumf %scan3A_618#4, %gather3A_702 : vector<16xf32>
      %broadcast_in_dim3A_704 = vector.shape_cast %and3A_63 : vector<16xi32> to vector<16x1xi32>
      %gather3A_705 = vector.shape_cast %broadcast_in_dim3A_704 : vector<16x1xi32> to vector<16xi32>
      %gather3A_706 = tpu.dynamic_gather %min3A_703[%gather3A_705] in [0] : vector<16xf32>, vector<16xi32> -> vector<16xf32>
      %min3A_707 = arith.minimumf %min3A_703, %gather3A_706 : vector<16xf32>
      %broadcast_in_dim3A_708 = vector.shape_cast %and3A_57 : vector<16xi32> to vector<16x1xi32>
      %gather3A_709 = vector.shape_cast %broadcast_in_dim3A_708 : vector<16x1xi32> to vector<16xi32>
      %gather3A_710 = tpu.dynamic_gather %min3A_707[%gather3A_709] in [0] : vector<16xf32>, vector<16xi32> -> vector<16xf32>
      %min3A_711 = arith.minimumf %min3A_707, %gather3A_710 : vector<16xf32>
      %broadcast_in_dim3A_712 = vector.shape_cast %and3A_51 : vector<16xi32> to vector<16x1xi32>
      %gather3A_713 = vector.shape_cast %broadcast_in_dim3A_712 : vector<16x1xi32> to vector<16xi32>
      %gather3A_714 = tpu.dynamic_gather %min3A_711[%gather3A_713] in [0] : vector<16xf32>, vector<16xi32> -> vector<16xf32>
      %min3A_715 = arith.minimumf %min3A_711, %gather3A_714 : vector<16xf32>
      %eq3A_716 = arith.constant 12 : i32
      %eq3A_717 = vector.broadcast %eq3A_716 : i32 to vector<16xi32>
      %eq3A_718 = arith.cmpi eq, %iota3A, %eq3A_717 : vector<16xi32>
      %select_n3A_719 = arith.select %eq3A_718, %min3A_715, %select_n3A_699 : vector<16xi1>, vector<16xf32>
      %broadcast_in_dim3A_720 = vector.shape_cast %and3A_69 : vector<16xi32> to vector<16x1xi32>
      %gather3A_721 = vector.shape_cast %broadcast_in_dim3A_720 : vector<16x1xi32> to vector<16xi32>
      %gather3A_722 = tpu.dynamic_gather %scan3A_618#5[%gather3A_721] in [0] : vector<16xf32>, vector<16xi32> -> vector<16xf32>
      %min3A_723 = arith.minimumf %scan3A_618#5, %gather3A_722 : vector<16xf32>
      %broadcast_in_dim3A_724 = vector.shape_cast %and3A_63 : vector<16xi32> to vector<16x1xi32>
      %gather3A_725 = vector.shape_cast %broadcast_in_dim3A_724 : vector<16x1xi32> to vector<16xi32>
      %gather3A_726 = tpu.dynamic_gather %min3A_723[%gather3A_725] in [0] : vector<16xf32>, vector<16xi32> -> vector<16xf32>
      %min3A_727 = arith.minimumf %min3A_723, %gather3A_726 : vector<16xf32>
      %broadcast_in_dim3A_728 = vector.shape_cast %and3A_57 : vector<16xi32> to vector<16x1xi32>
      %gather3A_729 = vector.shape_cast %broadcast_in_dim3A_728 : vector<16x1xi32> to vector<16xi32>
      %gather3A_730 = tpu.dynamic_gather %min3A_727[%gather3A_729] in [0] : vector<16xf32>, vector<16xi32> -> vector<16xf32>
      %min3A_731 = arith.minimumf %min3A_727, %gather3A_730 : vector<16xf32>
      %broadcast_in_dim3A_732 = vector.shape_cast %and3A_51 : vector<16xi32> to vector<16x1xi32>
      %gather3A_733 = vector.shape_cast %broadcast_in_dim3A_732 : vector<16x1xi32> to vector<16xi32>
      %gather3A_734 = tpu.dynamic_gather %min3A_731[%gather3A_733] in [0] : vector<16xf32>, vector<16xi32> -> vector<16xf32>
      %min3A_735 = arith.minimumf %min3A_731, %gather3A_734 : vector<16xf32>
      %eq3A_736 = arith.constant 13 : i32
      %eq3A_737 = vector.broadcast %eq3A_736 : i32 to vector<16xi32>
      %eq3A_738 = arith.cmpi eq, %iota3A, %eq3A_737 : vector<16xi32>
      %select_n3A_739 = arith.select %eq3A_738, %min3A_735, %select_n3A_719 : vector<16xi1>, vector<16xf32>
      %broadcast_in_dim3A_740 = vector.shape_cast %and3A_69 : vector<16xi32> to vector<16x1xi32>
      %gather3A_741 = vector.shape_cast %broadcast_in_dim3A_740 : vector<16x1xi32> to vector<16xi32>
      %gather3A_742 = tpu.dynamic_gather %scan3A_618#6[%gather3A_741] in [0] : vector<16xf32>, vector<16xi32> -> vector<16xf32>
      %min3A_743 = arith.minimumf %scan3A_618#6, %gather3A_742 : vector<16xf32>
      %broadcast_in_dim3A_744 = vector.shape_cast %and3A_63 : vector<16xi32> to vector<16x1xi32>
      %gather3A_745 = vector.shape_cast %broadcast_in_dim3A_744 : vector<16x1xi32> to vector<16xi32>
      %gather3A_746 = tpu.dynamic_gather %min3A_743[%gather3A_745] in [0] : vector<16xf32>, vector<16xi32> -> vector<16xf32>
      %min3A_747 = arith.minimumf %min3A_743, %gather3A_746 : vector<16xf32>
      %broadcast_in_dim3A_748 = vector.shape_cast %and3A_57 : vector<16xi32> to vector<16x1xi32>
      %gather3A_749 = vector.shape_cast %broadcast_in_dim3A_748 : vector<16x1xi32> to vector<16xi32>
      %gather3A_750 = tpu.dynamic_gather %min3A_747[%gather3A_749] in [0] : vector<16xf32>, vector<16xi32> -> vector<16xf32>
      %min3A_751 = arith.minimumf %min3A_747, %gather3A_750 : vector<16xf32>
      %broadcast_in_dim3A_752 = vector.shape_cast %and3A_51 : vector<16xi32> to vector<16x1xi32>
      %gather3A_753 = vector.shape_cast %broadcast_in_dim3A_752 : vector<16x1xi32> to vector<16xi32>
      %gather3A_754 = tpu.dynamic_gather %min3A_751[%gather3A_753] in [0] : vector<16xf32>, vector<16xi32> -> vector<16xf32>
      %min3A_755 = arith.minimumf %min3A_751, %gather3A_754 : vector<16xf32>
      %eq3A_756 = arith.constant 14 : i32
      %eq3A_757 = vector.broadcast %eq3A_756 : i32 to vector<16xi32>
      %eq3A_758 = arith.cmpi eq, %iota3A, %eq3A_757 : vector<16xi32>
      %select_n3A_759 = arith.select %eq3A_758, %min3A_755, %select_n3A_739 : vector<16xi1>, vector<16xf32>
      %broadcast_in_dim3A_760 = vector.shape_cast %and3A_69 : vector<16xi32> to vector<16x1xi32>
      %gather3A_761 = vector.shape_cast %broadcast_in_dim3A_760 : vector<16x1xi32> to vector<16xi32>
      %gather3A_762 = tpu.dynamic_gather %scan3A_618#7[%gather3A_761] in [0] : vector<16xf32>, vector<16xi32> -> vector<16xf32>
      %min3A_763 = arith.minimumf %scan3A_618#7, %gather3A_762 : vector<16xf32>
      %broadcast_in_dim3A_764 = vector.shape_cast %and3A_63 : vector<16xi32> to vector<16x1xi32>
      %gather3A_765 = vector.shape_cast %broadcast_in_dim3A_764 : vector<16x1xi32> to vector<16xi32>
      %gather3A_766 = tpu.dynamic_gather %min3A_763[%gather3A_765] in [0] : vector<16xf32>, vector<16xi32> -> vector<16xf32>
      %min3A_767 = arith.minimumf %min3A_763, %gather3A_766 : vector<16xf32>
      %broadcast_in_dim3A_768 = vector.shape_cast %and3A_57 : vector<16xi32> to vector<16x1xi32>
      %gather3A_769 = vector.shape_cast %broadcast_in_dim3A_768 : vector<16x1xi32> to vector<16xi32>
      %gather3A_770 = tpu.dynamic_gather %min3A_767[%gather3A_769] in [0] : vector<16xf32>, vector<16xi32> -> vector<16xf32>
      %min3A_771 = arith.minimumf %min3A_767, %gather3A_770 : vector<16xf32>
      %broadcast_in_dim3A_772 = vector.shape_cast %and3A_51 : vector<16xi32> to vector<16x1xi32>
      %gather3A_773 = vector.shape_cast %broadcast_in_dim3A_772 : vector<16x1xi32> to vector<16xi32>
      %gather3A_774 = tpu.dynamic_gather %min3A_771[%gather3A_773] in [0] : vector<16xf32>, vector<16xi32> -> vector<16xf32>
      %min3A_775 = arith.minimumf %min3A_771, %gather3A_774 : vector<16xf32>
      %eq3A_776 = arith.constant 15 : i32
      %eq3A_777 = vector.broadcast %eq3A_776 : i32 to vector<16xi32>
      %eq3A_778 = arith.cmpi eq, %iota3A, %eq3A_777 : vector<16xi32>
      %select_n3A_779 = arith.select %eq3A_778, %min3A_775, %select_n3A_759 : vector<16xi1>, vector<16xf32>
      %get3A_780 = arith.index_cast %add3A_119 : i32 to index
      %get3A_781 = tpu.vector_load %arg15[%get3A_780] {strides = array<i32>} : memref<2048xf32, #tpu.memory_space<vmem>>, vector<16xf32>,
      %get3A_782 = vector.shape_cast %get3A_781 : vector<16xf32> to vector<16xf32>
      %add3A_783 = arith.addf %select_n3A_779, %get3A_782 : vector<16xf32>
      %mul3A_784 = arith.constant 16 : i32
      %mul3A_785 = arith.muli %scan3A_115, %mul3A_784 : i32
      %swap3A = arith.index_cast %mul3A_785 : i32 to index
      %swap3A_786 = tpu.vector_load %arg17[%swap3A] {strides = array<i32>} : memref<128xf32, #tpu.memory_space<vmem>>, vector<16xf32>,
      %swap3A_787 = vector.shape_cast %swap3A_786 : vector<16xf32> to vector<16xf32>
      %swap3A_788 = vector.shape_cast %add3A_783 : vector<16xf32> to vector<16xf32>
      tpu.vector_store %arg17[%swap3A], %swap3A_788 {strides = array<i32>} : memref<128xf32, #tpu.memory_space<vmem>>, vector<16xf32>,
      %scan3A_789 = arith.constant 0 : i32
      scf.yield %scan3A_789 : i32
    }
    %scan3A_114 = arith.constant 8 : i32
    "tpu.region"() ({
      %run_scoped3A = tpu.sem_alloc : memref<!tpu.dma_semaphore, #tpu.memory_space<semaphore_mem>>
      %dma_start3A = tpu.memref_slice %arg4[%select_n3A, %mul3A_32] : memref<2x2048xf32, #tpu.memory_space<hbm>> -> memref<1x128xf32, #tpu.memory_space<hbm>>
      %dma_start3A_115 = tpu.memref_squeeze %dma_start3A : memref<1x128xf32, #tpu.memory_space<hbm>> -> memref<128xf32, #tpu.memory_space<hbm>>
      %dma_start3A_116 = tpu.memref_slice %arg4[%select_n3A, %mul3A_32] : memref<2x2048xf32, #tpu.memory_space<hbm>> -> memref<1x128xf32, #tpu.memory_space<hbm>>
      %dma_start3A_117 = tpu.memref_squeeze %dma_start3A_116 : memref<1x128xf32, #tpu.memory_space<hbm>> -> memref<128xf32, #tpu.memory_space<hbm>>
      tpu.enqueue_dma source(%arg16 : memref<128xf32, #tpu.memory_space<vmem>>) target(%dma_start3A_117 : memref<128xf32, #tpu.memory_space<hbm>>) target_semaphore(%run_scoped3A : memref<!tpu.dma_semaphore, #tpu.memory_space<semaphore_mem>>)
      %dma_wait3A = tpu.memref_slice %arg4[%select_n3A, %mul3A_32] : memref<2x2048xf32, #tpu.memory_space<hbm>> -> memref<1x128xf32, #tpu.memory_space<hbm>>
      %dma_wait3A_118 = tpu.memref_squeeze %dma_wait3A : memref<1x128xf32, #tpu.memory_space<hbm>> -> memref<128xf32, #tpu.memory_space<hbm>>
      %dma_wait3A_119 = tpu.memref_slice %arg4[%select_n3A, %mul3A_32] : memref<2x2048xf32, #tpu.memory_space<hbm>> -> memref<1x128xf32, #tpu.memory_space<hbm>>
      %dma_wait3A_120 = tpu.memref_squeeze %dma_wait3A_119 : memref<1x128xf32, #tpu.memory_space<hbm>> -> memref<128xf32, #tpu.memory_space<hbm>>
      tpu.wait_dma2 semaphore(%run_scoped3A : memref<!tpu.dma_semaphore, #tpu.memory_space<semaphore_mem>>) src(%arg16 : memref<128xf32, #tpu.memory_space<vmem>>) dst(%dma_wait3A_120 : memref<128xf32, #tpu.memory_space<hbm>>)
      tpu.yield
    }) : () -> ()
    "tpu.region"() ({
      %run_scoped3A = tpu.sem_alloc : memref<!tpu.dma_semaphore, #tpu.memory_space<semaphore_mem>>
      %dma_start3A = tpu.memref_slice %arg5[%select_n3A, %mul3A_32] : memref<2x2048xf32, #tpu.memory_space<hbm>> -> memref<1x128xf32, #tpu.memory_space<hbm>>
      %dma_start3A_115 = tpu.memref_squeeze %dma_start3A : memref<1x128xf32, #tpu.memory_space<hbm>> -> memref<128xf32, #tpu.memory_space<hbm>>
      %dma_start3A_116 = tpu.memref_slice %arg5[%select_n3A, %mul3A_32] : memref<2x2048xf32, #tpu.memory_space<hbm>> -> memref<1x128xf32, #tpu.memory_space<hbm>>
      %dma_start3A_117 = tpu.memref_squeeze %dma_start3A_116 : memref<1x128xf32, #tpu.memory_space<hbm>> -> memref<128xf32, #tpu.memory_space<hbm>>
      tpu.enqueue_dma source(%arg17 : memref<128xf32, #tpu.memory_space<vmem>>) target(%dma_start3A_117 : memref<128xf32, #tpu.memory_space<hbm>>) target_semaphore(%run_scoped3A : memref<!tpu.dma_semaphore, #tpu.memory_space<semaphore_mem>>)
      %dma_wait3A = tpu.memref_slice %arg5[%select_n3A, %mul3A_32] : memref<2x2048xf32, #tpu.memory_space<hbm>> -> memref<1x128xf32, #tpu.memory_space<hbm>>
      %dma_wait3A_118 = tpu.memref_squeeze %dma_wait3A : memref<1x128xf32, #tpu.memory_space<hbm>> -> memref<128xf32, #tpu.memory_space<hbm>>
      %dma_wait3A_119 = tpu.memref_slice %arg5[%select_n3A, %mul3A_32] : memref<2x2048xf32, #tpu.memory_space<hbm>> -> memref<1x128xf32, #tpu.memory_space<hbm>>
      %dma_wait3A_120 = tpu.memref_squeeze %dma_wait3A_119 : memref<1x128xf32, #tpu.memory_space<hbm>> -> memref<128xf32, #tpu.memory_space<hbm>>
      tpu.wait_dma2 semaphore(%run_scoped3A : memref<!tpu.dma_semaphore, #tpu.memory_space<semaphore_mem>>) src(%arg17 : memref<128xf32, #tpu.memory_space<vmem>>) dst(%dma_wait3A_120 : memref<128xf32, #tpu.memory_space<hbm>>)
      tpu.yield
    }) : () -> ()
    return
  }
}

module attributes {stable_mosaic.version = 14 : i64} {
  func.func @_finish_body(%arg0: memref<2x2048xf32, #tpu.memory_space<vmem>>, %arg1: memref<2x2048xf32, #tpu.memory_space<vmem>>, %arg2: memref<14x1x2048xf32, #tpu.memory_space<vmem>>, %arg3: memref<14x1x2048xf32, #tpu.memory_space<vmem>>, %arg4: memref<1x1xf32, #tpu.memory_space<smem>>) attributes {dimension_semantics = [], scalar_prefetch = 0 : i64, scratch_operands = 0 : i64, tpu.core_type = #tpu.core_type<tc>} {
    %get3A = arith.constant 0 : index
    %get3A_0 = arith.constant 0 : index
    %get3A_1 = vector.load %arg0[%get3A, %get3A_0] : memref<2x2048xf32, #tpu.memory_space<vmem>>, vector<2x2048xf32>
    %max3A = arith.constant 9.99999996E-13 : f32
    %max3A_2 = vector.broadcast %max3A : f32 to vector<2x2048xf32>
    %max3A_3 = arith.maximumf %get3A_1, %max3A_2 : vector<2x2048xf32>
    %sqrt3A = math.sqrt %max3A_3 : vector<2x2048xf32>
    %reduce_sum3A = vector.shape_cast %sqrt3A : vector<2x2048xf32> to vector<1x2x2048xf32>
    %reduce_sum3A_4 = arith.constant dense<0.000000e+00> : vector<1xf32>
    %reduce_sum3A_5 = vector.multi_reduction <add>, %reduce_sum3A, %reduce_sum3A_4 [1, 2] : vector<1x2x2048xf32> to vector<1xf32>
    %reduce_sum3A_6 = vector.shape_cast %reduce_sum3A_5 : vector<1xf32> to vector<1x1x1xf32>
    %reduce_sum3A_7 = vector.extract %reduce_sum3A_6[0, 0, 0] : f32 from vector<1x1x1xf32>
    %get3A_8 = arith.constant 0 : index
    %get3A_9 = arith.constant 0 : index
    %get3A_10 = vector.load %arg1[%get3A_8, %get3A_9] : memref<2x2048xf32, #tpu.memory_space<vmem>>, vector<2x2048xf32>
    %max3A_11 = arith.constant 9.99999996E-13 : f32
    %max3A_12 = vector.broadcast %max3A_11 : f32 to vector<2x2048xf32>
    %max3A_13 = arith.maximumf %get3A_10, %max3A_12 : vector<2x2048xf32>
    %sqrt3A_14 = math.sqrt %max3A_13 : vector<2x2048xf32>
    %reduce_sum3A_15 = vector.shape_cast %sqrt3A_14 : vector<2x2048xf32> to vector<1x2x2048xf32>
    %reduce_sum3A_16 = arith.constant dense<0.000000e+00> : vector<1xf32>
    %reduce_sum3A_17 = vector.multi_reduction <add>, %reduce_sum3A_15, %reduce_sum3A_16 [1, 2] : vector<1x2x2048xf32> to vector<1xf32>
    %reduce_sum3A_18 = vector.shape_cast %reduce_sum3A_17 : vector<1xf32> to vector<1x1x1xf32>
    %reduce_sum3A_19 = vector.extract %reduce_sum3A_18[0, 0, 0] : f32 from vector<1x1x1xf32>
    %add3A = arith.addf %reduce_sum3A_7, %reduce_sum3A_19 : f32
    %get3A_20 = arith.constant 0 : index
    %get3A_21 = arith.constant 0 : index
    %get3A_22 = arith.constant 0 : index
    %get3A_23 = vector.load %arg2[%get3A_20, %get3A_21, %get3A_22] : memref<14x1x2048xf32, #tpu.memory_space<vmem>>, vector<14x1x2048xf32>
    %max3A_24 = arith.constant 9.99999996E-13 : f32
    %max3A_25 = vector.broadcast %max3A_24 : f32 to vector<14x1x2048xf32>
    %max3A_26 = arith.maximumf %get3A_23, %max3A_25 : vector<14x1x2048xf32>
    %sqrt3A_27 = math.sqrt %max3A_26 : vector<14x1x2048xf32>
    %reduce_sum3A_28 = vector.shape_cast %sqrt3A_27 : vector<14x1x2048xf32> to vector<1x14x1x2048xf32>
    %reduce_sum3A_29 = arith.constant dense<0.000000e+00> : vector<1xf32>
    %reduce_sum3A_30 = vector.multi_reduction <add>, %reduce_sum3A_28, %reduce_sum3A_29 [1, 2, 3] : vector<1x14x1x2048xf32> to vector<1xf32>
    %reduce_sum3A_31 = vector.shape_cast %reduce_sum3A_30 : vector<1xf32> to vector<1x1x1x1xf32>
    %reduce_sum3A_32 = vector.extract %reduce_sum3A_31[0, 0, 0, 0] : f32 from vector<1x1x1x1xf32>
    %add3A_33 = arith.addf %add3A, %reduce_sum3A_32 : f32
    %get3A_34 = arith.constant 0 : index
    %get3A_35 = arith.constant 0 : index
    %get3A_36 = arith.constant 0 : index
    %get3A_37 = vector.load %arg3[%get3A_34, %get3A_35, %get3A_36] : memref<14x1x2048xf32, #tpu.memory_space<vmem>>, vector<14x1x2048xf32>
    %max3A_38 = arith.constant 9.99999996E-13 : f32
    %max3A_39 = vector.broadcast %max3A_38 : f32 to vector<14x1x2048xf32>
    %max3A_40 = arith.maximumf %get3A_37, %max3A_39 : vector<14x1x2048xf32>
    %sqrt3A_41 = math.sqrt %max3A_40 : vector<14x1x2048xf32>
    %reduce_sum3A_42 = vector.shape_cast %sqrt3A_41 : vector<14x1x2048xf32> to vector<1x14x1x2048xf32>
    %reduce_sum3A_43 = arith.constant dense<0.000000e+00> : vector<1xf32>
    %reduce_sum3A_44 = vector.multi_reduction <add>, %reduce_sum3A_42, %reduce_sum3A_43 [1, 2, 3] : vector<1x14x1x2048xf32> to vector<1xf32>
    %reduce_sum3A_45 = vector.shape_cast %reduce_sum3A_44 : vector<1xf32> to vector<1x1x1x1xf32>
    %reduce_sum3A_46 = vector.extract %reduce_sum3A_45[0, 0, 0, 0] : f32 from vector<1x1x1x1xf32>
    %add3A_47 = arith.addf %add3A_33, %reduce_sum3A_46 : f32
    %mul3A = arith.constant 1.52587891E-5 : f32
    %mul3A_48 = arith.mulf %add3A_47, %mul3A : f32
    %swap3A = arith.constant 0 : index
    %swap3A_49 = arith.constant 0 : index
    %swap3A_50 = memref.load %arg4[%swap3A, %swap3A_49] : memref<1x1xf32, #tpu.memory_space<smem>>
    memref.store %mul3A_48, %arg4[%swap3A, %swap3A_49] : memref<1x1xf32, #tpu.memory_space<smem>>
    return
  }
}

module attributes {stable_mosaic.version = 14 : i64} {
  func.func @_tc_body(%arg0: i32, %arg1: memref<1x2048x3xf32, #tpu.memory_space<vmem>>, %arg2: memref<1x3x2048xf32, #tpu.memory_space<vmem>>, %arg3: memref<1x3x2048xf32, #tpu.memory_space<vmem>>, %arg4: memref<1x1x2048xf32, #tpu.memory_space<vmem>>, %arg5: memref<1x1x2048xf32, #tpu.memory_space<vmem>>) attributes {dimension_semantics = [#tpu.dimension_semantics<arbitrary>], iteration_bounds = array<i64: 14>, scalar_prefetch = 0 : i64, scratch_operands = 0 : i64, tpu.core_type = #tpu.core_type<tc>, window_params = [{transform_indices = @transform_0, window_bounds = array<i64: 1, 2048, 3>}, {transform_indices = @transform_1, window_bounds = array<i64: 1, 3, 2048>}, {transform_indices = @transform_2, window_bounds = array<i64: 1, 3, 2048>}, {transform_indices = @transform_3, window_bounds = array<i64: 1, 1, 2048>}, {transform_indices = @transform_4, window_bounds = array<i64: 1, 1, 2048>}]} {
    %get3A = arith.constant 0 : index
    %get3A_0 = arith.constant 0 : index
    %get3A_1 = arith.constant 0 : index
    %get3A_2 = vector.load %arg2[%get3A, %get3A_0, %get3A_1] : memref<1x3x2048xf32, #tpu.memory_space<vmem>>, vector<1x1x2048xf32>
    %get3A_3 = vector.shape_cast %get3A_2 : vector<1x1x2048xf32> to vector<2048xf32>
    %get3A_4 = arith.constant 0 : index
    %get3A_5 = arith.constant 1 : index
    %get3A_6 = arith.constant 0 : index
    %get3A_7 = vector.load %arg2[%get3A_4, %get3A_5, %get3A_6] : memref<1x3x2048xf32, #tpu.memory_space<vmem>>, vector<1x1x2048xf32>
    %get3A_8 = vector.shape_cast %get3A_7 : vector<1x1x2048xf32> to vector<2048xf32>
    %get3A_9 = arith.constant 0 : index
    %get3A_10 = arith.constant 2 : index
    %get3A_11 = arith.constant 0 : index
    %get3A_12 = vector.load %arg2[%get3A_9, %get3A_10, %get3A_11] : memref<1x3x2048xf32, #tpu.memory_space<vmem>>, vector<1x1x2048xf32>
    %get3A_13 = vector.shape_cast %get3A_12 : vector<1x1x2048xf32> to vector<2048xf32>
    %get3A_14 = arith.constant 0 : index
    %get3A_15 = arith.constant 0 : index
    %get3A_16 = arith.constant 0 : index
    %get3A_17 = vector.load %arg3[%get3A_14, %get3A_15, %get3A_16] : memref<1x3x2048xf32, #tpu.memory_space<vmem>>, vector<1x1x2048xf32>
    %get3A_18 = vector.shape_cast %get3A_17 : vector<1x1x2048xf32> to vector<2048xf32>
    %get3A_19 = arith.constant 0 : index
    %get3A_20 = arith.constant 1 : index
    %get3A_21 = arith.constant 0 : index
    %get3A_22 = vector.load %arg3[%get3A_19, %get3A_20, %get3A_21] : memref<1x3x2048xf32, #tpu.memory_space<vmem>>, vector<1x1x2048xf32>
    %get3A_23 = vector.shape_cast %get3A_22 : vector<1x1x2048xf32> to vector<2048xf32>
    %get3A_24 = arith.constant 0 : index
    %get3A_25 = arith.constant 2 : index
    %get3A_26 = arith.constant 0 : index
    %get3A_27 = vector.load %arg3[%get3A_24, %get3A_25, %get3A_26] : memref<1x3x2048xf32, #tpu.memory_space<vmem>>, vector<1x1x2048xf32>
    %get3A_28 = vector.shape_cast %get3A_27 : vector<1x1x2048xf32> to vector<2048xf32>
    %get3A_29 = arith.constant 0 : index
    %get3A_30 = arith.constant 0 : index
    %get3A_31 = arith.constant 0 : index
    %get3A_32 = vector.load %arg3[%get3A_29, %get3A_30, %get3A_31] : memref<1x3x2048xf32, #tpu.memory_space<vmem>>, vector<1x3x2048xf32>
    %get3A_33 = vector.shape_cast %get3A_32 : vector<1x3x2048xf32> to vector<3x2048xf32>
    %convert_element_type3A = arith.truncf %get3A_33 : vector<3x2048xf32> to vector<3x2048xbf16>
    %mul3A = arith.mulf %get3A_18, %get3A_18 : vector<2048xf32>
    %mul3A_34 = arith.mulf %get3A_23, %get3A_23 : vector<2048xf32>
    %add3A = arith.addf %mul3A, %mul3A_34 : vector<2048xf32>
    %mul3A_35 = arith.mulf %get3A_28, %get3A_28 : vector<2048xf32>
    %add3A_36 = arith.addf %add3A, %mul3A_35 : vector<2048xf32>
    %reshape3A = vector.shape_cast %add3A_36 : vector<2048xf32> to vector<1x2048xf32>
    %mul3A_37 = arith.mulf %get3A_3, %get3A_3 : vector<2048xf32>
    %mul3A_38 = arith.mulf %get3A_8, %get3A_8 : vector<2048xf32>
    %add3A_39 = arith.addf %mul3A_37, %mul3A_38 : vector<2048xf32>
    %mul3A_40 = arith.mulf %get3A_13, %get3A_13 : vector<2048xf32>
    %add3A_41 = arith.addf %add3A_39, %mul3A_40 : vector<2048xf32>
    %get3A_42 = arith.constant 0 : index
    %get3A_43 = arith.constant 0 : index
    %get3A_44 = arith.constant 0 : index
    %get3A_45 = vector.load %arg1[%get3A_42, %get3A_43, %get3A_44] : memref<1x2048x3xf32, #tpu.memory_space<vmem>>, vector<1x512x3xf32>
    %get3A_46 = vector.shape_cast %get3A_45 : vector<1x512x3xf32> to vector<512x3xf32>
    %convert_element_type3A_47 = arith.truncf %get3A_46 : vector<512x3xf32> to vector<512x3xbf16>
    %mul3A_48 = arith.constant -2.000000e+00 : bf16
    %mul3A_49 = vector.broadcast %mul3A_48 : bf16 to vector<512x3xbf16>
    %mul3A_50 = arith.mulf %convert_element_type3A_47, %mul3A_49 : vector<512x3xbf16>
    %dot_general3A = arith.constant dense<0.000000e+00> : vector<512x2048xf32>
    %dot_general3A_51 = tpu.matmul %mul3A_50, %convert_element_type3A, %dot_general3A {dimension_numbers = #tpu.dot_dimension_numbers<[1], [0], [0], [1], [0, 0, 1, 1], [], []>, transpose_lhs_hint = false} : vector<512x3xbf16>, vector<3x2048xbf16>, vector<512x2048xf32> -> vector<512x2048xf32>
    %get3A_52 = arith.constant 0 : index
    %get3A_53 = arith.constant 512 : index
    %get3A_54 = arith.constant 0 : index
    %get3A_55 = vector.load %arg1[%get3A_52, %get3A_53, %get3A_54] : memref<1x2048x3xf32, #tpu.memory_space<vmem>>, vector<1x512x3xf32>
    %get3A_56 = vector.shape_cast %get3A_55 : vector<1x512x3xf32> to vector<512x3xf32>
    %convert_element_type3A_57 = arith.truncf %get3A_56 : vector<512x3xf32> to vector<512x3xbf16>
    %mul3A_58 = arith.constant -2.000000e+00 : bf16
    %mul3A_59 = vector.broadcast %mul3A_58 : bf16 to vector<512x3xbf16>
    %mul3A_60 = arith.mulf %convert_element_type3A_57, %mul3A_59 : vector<512x3xbf16>
    %dot_general3A_61 = arith.constant dense<0.000000e+00> : vector<512x2048xf32>
    %dot_general3A_62 = tpu.matmul %mul3A_60, %convert_element_type3A, %dot_general3A_61 {dimension_numbers = #tpu.dot_dimension_numbers<[1], [0], [0], [1], [0, 0, 1, 1], [], []>, transpose_lhs_hint = false} : vector<512x3xbf16>, vector<3x2048xbf16>, vector<512x2048xf32> -> vector<512x2048xf32>
    %get3A_63 = arith.constant 0 : index
    %get3A_64 = arith.constant 1024 : index
    %get3A_65 = arith.constant 0 : index
    %get3A_66 = vector.load %arg1[%get3A_63, %get3A_64, %get3A_65] : memref<1x2048x3xf32, #tpu.memory_space<vmem>>, vector<1x512x3xf32>
    %get3A_67 = vector.shape_cast %get3A_66 : vector<1x512x3xf32> to vector<512x3xf32>
    %convert_element_type3A_68 = arith.truncf %get3A_67 : vector<512x3xf32> to vector<512x3xbf16>
    %mul3A_69 = arith.constant -2.000000e+00 : bf16
    %mul3A_70 = vector.broadcast %mul3A_69 : bf16 to vector<512x3xbf16>
    %mul3A_71 = arith.mulf %convert_element_type3A_68, %mul3A_70 : vector<512x3xbf16>
    %dot_general3A_72 = arith.constant dense<0.000000e+00> : vector<512x2048xf32>
    %dot_general3A_73 = tpu.matmul %mul3A_71, %convert_element_type3A, %dot_general3A_72 {dimension_numbers = #tpu.dot_dimension_numbers<[1], [0], [0], [1], [0, 0, 1, 1], [], []>, transpose_lhs_hint = false} : vector<512x3xbf16>, vector<3x2048xbf16>, vector<512x2048xf32> -> vector<512x2048xf32>
    %get3A_74 = arith.constant 0 : index
    %get3A_75 = arith.constant 1536 : index
    %get3A_76 = arith.constant 0 : index
    %get3A_77 = vector.load %arg1[%get3A_74, %get3A_75, %get3A_76] : memref<1x2048x3xf32, #tpu.memory_space<vmem>>, vector<1x512x3xf32>
    %get3A_78 = vector.shape_cast %get3A_77 : vector<1x512x3xf32> to vector<512x3xf32>
    %convert_element_type3A_79 = arith.truncf %get3A_78 : vector<512x3xf32> to vector<512x3xbf16>
    %mul3A_80 = arith.constant -2.000000e+00 : bf16
    %mul3A_81 = vector.broadcast %mul3A_80 : bf16 to vector<512x3xbf16>
    %mul3A_82 = arith.mulf %convert_element_type3A_79, %mul3A_81 : vector<512x3xbf16>
    %dot_general3A_83 = arith.constant dense<0.000000e+00> : vector<512x2048xf32>
    %dot_general3A_84 = tpu.matmul %mul3A_82, %convert_element_type3A, %dot_general3A_83 {dimension_numbers = #tpu.dot_dimension_numbers<[1], [0], [0], [1], [0, 0, 1, 1], [], []>, transpose_lhs_hint = false} : vector<512x3xbf16>, vector<3x2048xbf16>, vector<512x2048xf32> -> vector<512x2048xf32>
    %broadcast_in_dim3A = arith.constant 0x7F800000 : f32
    %broadcast_in_dim3A_85 = vector.broadcast %broadcast_in_dim3A : f32 to vector<1x2048xf32>
    %slice3A = vector.extract_strided_slice %add3A_41 {offsets = [0], sizes = [512], strides = [1]} : vector<2048xf32> to vector<512xf32>
    %reshape3A_86 = vector.shape_cast %slice3A : vector<512xf32> to vector<512x1xf32>
    %add3A_87 = vector.broadcast %reshape3A_86 : vector<512x1xf32> to vector<512x2048xf32>
    %add3A_88 = vector.broadcast %reshape3A : vector<1x2048xf32> to vector<512x2048xf32>
    %add3A_89 = arith.addf %add3A_87, %add3A_88 : vector<512x2048xf32>
    %add3A_90 = arith.addf %dot_general3A_51, %add3A_89 : vector<512x2048xf32>
    %reduce_min3A = arith.constant dense<0x7F800000> : vector<512xf32>
    %reduce_min3A_91 = vector.multi_reduction <minimumf>, %add3A_90, %reduce_min3A [1] : vector<512x2048xf32> to vector<512xf32>
    %swap3A = arith.constant 0 : index
    %swap3A_92 = arith.constant 0 : index
    %swap3A_93 = arith.constant 0 : index
    %swap3A_94 = vector.load %arg4[%swap3A, %swap3A_92, %swap3A_93] : memref<1x1x2048xf32, #tpu.memory_space<vmem>>, vector<1x1x512xf32>
    %swap3A_95 = vector.shape_cast %swap3A_94 : vector<1x1x512xf32> to vector<512xf32>
    %swap3A_96 = vector.shape_cast %reduce_min3A_91 : vector<512xf32> to vector<1x1x512xf32>
    tpu.vector_store %arg4[%swap3A, %swap3A_92, %swap3A_93], %swap3A_96 {strides = array<i32>} : memref<1x1x2048xf32, #tpu.memory_space<vmem>>, vector<1x1x512xf32>,
    %reduce_min3A_97 = arith.constant dense<0x7F800000> : vector<2048xf32>
    %reduce_min3A_98 = vector.multi_reduction <minimumf>, %add3A_90, %reduce_min3A_97 [0] : vector<512x2048xf32> to vector<2048xf32>
    %broadcast_in_dim3A_99 = vector.shape_cast %reduce_min3A_98 : vector<2048xf32> to vector<1x2048xf32>
    %min3A = arith.minimumf %broadcast_in_dim3A_85, %broadcast_in_dim3A_99 : vector<1x2048xf32>
    %slice3A_100 = vector.extract_strided_slice %add3A_41 {offsets = [512], sizes = [512], strides = [1]} : vector<2048xf32> to vector<512xf32>
    %reshape3A_101 = vector.shape_cast %slice3A_100 : vector<512xf32> to vector<512x1xf32>
    %add3A_102 = vector.broadcast %reshape3A_101 : vector<512x1xf32> to vector<512x2048xf32>
    %add3A_103 = vector.broadcast %reshape3A : vector<1x2048xf32> to vector<512x2048xf32>
    %add3A_104 = arith.addf %add3A_102, %add3A_103 : vector<512x2048xf32>
    %add3A_105 = arith.addf %dot_general3A_62, %add3A_104 : vector<512x2048xf32>
    %reduce_min3A_106 = arith.constant dense<0x7F800000> : vector<512xf32>
    %reduce_min3A_107 = vector.multi_reduction <minimumf>, %add3A_105, %reduce_min3A_106 [1] : vector<512x2048xf32> to vector<512xf32>
    %swap3A_108 = arith.constant 0 : index
    %swap3A_109 = arith.constant 0 : index
    %swap3A_110 = arith.constant 512 : index
    %swap3A_111 = vector.load %arg4[%swap3A_108, %swap3A_109, %swap3A_110] : memref<1x1x2048xf32, #tpu.memory_space<vmem>>, vector<1x1x512xf32>
    %swap3A_112 = vector.shape_cast %swap3A_111 : vector<1x1x512xf32> to vector<512xf32>
    %swap3A_113 = vector.shape_cast %reduce_min3A_107 : vector<512xf32> to vector<1x1x512xf32>
    tpu.vector_store %arg4[%swap3A_108, %swap3A_109, %swap3A_110], %swap3A_113 {strides = array<i32>} : memref<1x1x2048xf32, #tpu.memory_space<vmem>>, vector<1x1x512xf32>,
    %reduce_min3A_114 = arith.constant dense<0x7F800000> : vector<2048xf32>
    %reduce_min3A_115 = vector.multi_reduction <minimumf>, %add3A_105, %reduce_min3A_114 [0] : vector<512x2048xf32> to vector<2048xf32>
    %broadcast_in_dim3A_116 = vector.shape_cast %reduce_min3A_115 : vector<2048xf32> to vector<1x2048xf32>
    %min3A_117 = arith.minimumf %min3A, %broadcast_in_dim3A_116 : vector<1x2048xf32>
    %slice3A_118 = vector.extract_strided_slice %add3A_41 {offsets = [1024], sizes = [512], strides = [1]} : vector<2048xf32> to vector<512xf32>
    %reshape3A_119 = vector.shape_cast %slice3A_118 : vector<512xf32> to vector<512x1xf32>
    %add3A_120 = vector.broadcast %reshape3A_119 : vector<512x1xf32> to vector<512x2048xf32>
    %add3A_121 = vector.broadcast %reshape3A : vector<1x2048xf32> to vector<512x2048xf32>
    %add3A_122 = arith.addf %add3A_120, %add3A_121 : vector<512x2048xf32>
    %add3A_123 = arith.addf %dot_general3A_73, %add3A_122 : vector<512x2048xf32>
    %reduce_min3A_124 = arith.constant dense<0x7F800000> : vector<512xf32>
    %reduce_min3A_125 = vector.multi_reduction <minimumf>, %add3A_123, %reduce_min3A_124 [1] : vector<512x2048xf32> to vector<512xf32>
    %swap3A_126 = arith.constant 0 : index
    %swap3A_127 = arith.constant 0 : index
    %swap3A_128 = arith.constant 1024 : index
    %swap3A_129 = vector.load %arg4[%swap3A_126, %swap3A_127, %swap3A_128] : memref<1x1x2048xf32, #tpu.memory_space<vmem>>, vector<1x1x512xf32>
    %swap3A_130 = vector.shape_cast %swap3A_129 : vector<1x1x512xf32> to vector<512xf32>
    %swap3A_131 = vector.shape_cast %reduce_min3A_125 : vector<512xf32> to vector<1x1x512xf32>
    tpu.vector_store %arg4[%swap3A_126, %swap3A_127, %swap3A_128], %swap3A_131 {strides = array<i32>} : memref<1x1x2048xf32, #tpu.memory_space<vmem>>, vector<1x1x512xf32>,
    %reduce_min3A_132 = arith.constant dense<0x7F800000> : vector<2048xf32>
    %reduce_min3A_133 = vector.multi_reduction <minimumf>, %add3A_123, %reduce_min3A_132 [0] : vector<512x2048xf32> to vector<2048xf32>
    %broadcast_in_dim3A_134 = vector.shape_cast %reduce_min3A_133 : vector<2048xf32> to vector<1x2048xf32>
    %min3A_135 = arith.minimumf %min3A_117, %broadcast_in_dim3A_134 : vector<1x2048xf32>
    %slice3A_136 = vector.extract_strided_slice %add3A_41 {offsets = [1536], sizes = [512], strides = [1]} : vector<2048xf32> to vector<512xf32>
    %reshape3A_137 = vector.shape_cast %slice3A_136 : vector<512xf32> to vector<512x1xf32>
    %add3A_138 = vector.broadcast %reshape3A_137 : vector<512x1xf32> to vector<512x2048xf32>
    %add3A_139 = vector.broadcast %reshape3A : vector<1x2048xf32> to vector<512x2048xf32>
    %add3A_140 = arith.addf %add3A_138, %add3A_139 : vector<512x2048xf32>
    %add3A_141 = arith.addf %dot_general3A_84, %add3A_140 : vector<512x2048xf32>
    %reduce_min3A_142 = arith.constant dense<0x7F800000> : vector<512xf32>
    %reduce_min3A_143 = vector.multi_reduction <minimumf>, %add3A_141, %reduce_min3A_142 [1] : vector<512x2048xf32> to vector<512xf32>
    %swap3A_144 = arith.constant 0 : index
    %swap3A_145 = arith.constant 0 : index
    %swap3A_146 = arith.constant 1536 : index
    %swap3A_147 = vector.load %arg4[%swap3A_144, %swap3A_145, %swap3A_146] : memref<1x1x2048xf32, #tpu.memory_space<vmem>>, vector<1x1x512xf32>
    %swap3A_148 = vector.shape_cast %swap3A_147 : vector<1x1x512xf32> to vector<512xf32>
    %swap3A_149 = vector.shape_cast %reduce_min3A_143 : vector<512xf32> to vector<1x1x512xf32>
    tpu.vector_store %arg4[%swap3A_144, %swap3A_145, %swap3A_146], %swap3A_149 {strides = array<i32>} : memref<1x1x2048xf32, #tpu.memory_space<vmem>>, vector<1x1x512xf32>,
    %reduce_min3A_150 = arith.constant dense<0x7F800000> : vector<2048xf32>
    %reduce_min3A_151 = vector.multi_reduction <minimumf>, %add3A_141, %reduce_min3A_150 [0] : vector<512x2048xf32> to vector<2048xf32>
    %broadcast_in_dim3A_152 = vector.shape_cast %reduce_min3A_151 : vector<2048xf32> to vector<1x2048xf32>
    %min3A_153 = arith.minimumf %min3A_135, %broadcast_in_dim3A_152 : vector<1x2048xf32>
    %squeeze3A = vector.shape_cast %min3A_153 : vector<1x2048xf32> to vector<2048xf32>
    %swap3A_154 = arith.constant 0 : index
    %swap3A_155 = arith.constant 0 : index
    %swap3A_156 = arith.constant 0 : index
    %swap3A_157 = vector.load %arg5[%swap3A_154, %swap3A_155, %swap3A_156] : memref<1x1x2048xf32, #tpu.memory_space<vmem>>, vector<1x1x2048xf32>
    %swap3A_158 = vector.shape_cast %swap3A_157 : vector<1x1x2048xf32> to vector<2048xf32>
    %swap3A_159 = vector.shape_cast %squeeze3A : vector<2048xf32> to vector<1x1x2048xf32>
    tpu.vector_store %arg5[%swap3A_154, %swap3A_155, %swap3A_156], %swap3A_159 {strides = array<i32>} : memref<1x1x2048xf32, #tpu.memory_space<vmem>>, vector<1x1x2048xf32>,
    return
  }
  func.func @transform_0(%arg0: i32) -> (i32, i32, i32) {
    %c0_i32 = arith.constant 0 : i32
    %c0_i32_0 = arith.constant 0 : i32
    %c0_i32_1 = arith.constant 0 : i32
    return %arg0, %c0_i32, %c0_i32_0 : i32, i32, i32
  }
  func.func @transform_1(%arg0: i32) -> (i32, i32, i32) {
    %c0_i32 = arith.constant 0 : i32
    %c0_i32_0 = arith.constant 0 : i32
    %c0_i32_1 = arith.constant 0 : i32
    return %arg0, %c0_i32, %c0_i32_0 : i32, i32, i32
  }
  func.func @transform_2(%arg0: i32) -> (i32, i32, i32) {
    %c0_i32 = arith.constant 0 : i32
    %c0_i32_0 = arith.constant 0 : i32
    %c0_i32_1 = arith.constant 0 : i32
    return %arg0, %c0_i32, %c0_i32_0 : i32, i32, i32
  }
  func.func @transform_3(%arg0: i32) -> (i32, i32, i32) {
    %c0_i32 = arith.constant 0 : i32
    %c0_i32_0 = arith.constant 0 : i32
    %c0_i32_1 = arith.constant 0 : i32
    return %arg0, %c0_i32, %c0_i32_0 : i32, i32, i32
  }
  func.func @transform_4(%arg0: i32) -> (i32, i32, i32) {
    %c0_i32 = arith.constant 0 : i32
    %c0_i32_0 = arith.constant 0 : i32
    %c0_i32_1 = arith.constant 0 : i32
    return %arg0, %c0_i32, %c0_i32_0 : i32, i32, i32
  }
}

</mosaic_0001>

<sc_bundles>
// kernel: kernel.5.cloned.1.call-start
scs
__scs_entry_jumppad:
0x0: {  	(pc) =	sbr.rel $0x88, $3  }
0x1: {  	(tag) =	ssettag $0x0;
	lr =	simm.s32 $0x1  }
0x2: {  	[smem:$0x3F9F] =	sst lr;
	_ =	strace $0xD0000000  }
0x3: {  	_ = 	snop  }
0x4: {  	_ = 	snop  }
0x5: {  	_ = 	snop  }
0x6: {  	_ = 	snop  }
0x7: {  	_ = 	snop  }
__scs_overlays_trampoline_lowered:
0x8: {  	[smem:$0x3FAE] =	sst s0  }
0x9: {  	[smem:$0x3FAF] =	sst s1  }
0xa: {  	[smem:$0x3FB0] =	sst s2  }
0xb: {  	[smem:$0x3FB1] =	sst s3  }
0xc: {  	[smem:$0x3FB2] =	sst s4  }
0xd: {  	[smem:$0x3FB3] =	sst s5  }
0xe: {  	[smem:$0x3FB4] =	sst s6  }
0xf: {  	[smem:$0x3FB5] =	sst s7  }
0x10: {  	[smem:$0x3FB6] =	sst s8  }
0x11: {  	[smem:$0x3FB7] =	sst s9;
	s0 =	simm.s32 @!p0 $0x0  }
0x12: {  	s1 =	sld [smem:$0x3F9D];
	s0 =	simm.s32 @p0 $0x1  }
0x13: {  	[smem:$0x3FB8] =	sst s0;
	s0 =	simm.s32 @!p1 $0x0  }
0x14: {  	s2 =	sld [smem:$0x3F9C];
	s0 =	simm.s32 @p1 $0x1  }
0x15: {  	[smem:$0x3FB9] =	sst s0;
	s0 =	simm.s32 @!p2 $0x0  }
0x16: {  	s3 =	sld [smem:$0x3FDB];
	s0 =	simm.s32 @p2 $0x1  }
0x17: {  	s4 =	simm.s32 $0x1BF5;
	[smem:$0x3FBB] =	sst s0  }
0x18: {  	s0 =	sld [smem:$0x3F9E];
	_ =	swait.ge [sflag:s4], $0x0  }
0x19: {  	s7 =	sld [smem:$0x3F9F]  }
0x1a: {  	s8 =	sadd.s32 $0xFFFFE003, lr  }
0x1b: {  	s9 =	sadd.s32 $0xFFFFFEF7, lr;
	s5 =	simm.s32 $0xFFFFFFFF;
	p2 =	slt.u32 s8, $0xFFFFF086  }
0x1c: {  	p1 =	slt.u32 s9, $0xF7A;
	s5 =	simm.s32 @!p2 $0x0  }
0x1d: {  	s5 =	simm.s32 @p1 $0x1;
	p0 =	seq.s32 s7, s2  }
0x1e: {  	s7 =	smul.u32 @!p0 $0xF7A, s2;
	p2 =	seq.s32 @!p0 s5, $0x0  }
0x1f: {  	s9 =	smul.u32 $0xF7A, s1;
	s8 =	simm.s32 @!p0 $0x1BF5;
	p2 =	por !p2, p0  }
0x20: {  	[sflag:s8] =	ssyncset.s32 @!p0 $0xFFFFF086;
	s6 =	sadd.s32 @!p0 s3, s7;
	s7 =	simm.s32 @!p0 $0x108  }
0x21: {  	s3 =	sadd.s32 s3, s9;
	s6 =	sadd.s32 @!p0 $0x88, s6;
	s7 =	simm.s32 @p2 $0x1082  }
0x22: {  	[simem:s7], [sflag:s8] =	dma.local @!p0 [hbm:s6], $0xF7A  }
0x23: {  	s9 =	sor.u32 $0xD0000000, s2;
	s6 =	simm.s32 $0x108;
	_ =	swait.ge @!p0 [sflag:s8], $0x0  }
0x24: {  	s3 =	sadd.s32 $0x88, s3;
	s6 =	simm.s32 @!p1 $0x1082;
	[sflag:s4] =	ssyncset.s32 $0xFFFFF086  }
0x25: {  	[simem:s6], [sflag:s4] =	dma.local [hbm:s3], $0xF7A  }
0x26: {  	[smem:$0x3F9F] =	sst s1;
	(tag) =	ssettag s2;
	_ =	strace s9  }
0x27: {  	s1 =	sld [smem:$0x3FAF]  }
0x28: {  	s2 =	sld [smem:$0x3FB0]  }
0x29: {  	s4 =	sld [smem:$0x3FB2]  }
0x2a: {  	p0 =	seq.s32 s5, $0x0;
	s5 =	sld [smem:$0x3FB3]  }
0x2b: {  	s6 =	sld [smem:$0x3FB4]  }
0x2c: {  	s7 =	sld [smem:$0x3FB5]  }
0x2d: {  	s3 =	simm.s32 $0x108;
	s8 =	sld [smem:$0x3FB6]  }
0x2e: {  	s3 =	simm.s32 @!p0 $0x1082;
	s9 =	sld [smem:$0x3FB7]  }
0x2f: {  	lr =	sadd.s32 s0, s3;
	s0 =	sld [smem:$0x3FAE]  }
0x30: {  	s3 =	sld [smem:$0x3FB1]  }
0x31: {  	[smem:$0x3FBA] =	sst s10  }
0x32: {  	s10 =	sld [smem:$0x3FB8];
	_ =	sdelay $0x3  }
0x33: {  	p0 =	seq.s32 s10, $0x1;
	s10 =	sld [smem:$0x3FBA];
	_ =	sdelay $0x3  }
0x34: {  	[smem:$0x3FBA] =	sst s10  }
0x35: {  	s10 =	sld [smem:$0x3FB9];
	_ =	sdelay $0x3  }
0x36: {  	p1 =	seq.s32 s10, $0x1;
	s10 =	sld [smem:$0x3FBA];
	_ =	sdelay $0x3  }
0x37: {  	[smem:$0x3FBA] =	sst s10  }
0x38: {  	s10 =	sld [smem:$0x3FBB]  }
0x39: {  	_ = 	snop;
	(pc) =	sbr.ind lr, $3  }
0x3a: {  	_ = 	snop  }
0x3b: {  	_ = 	snop  }
0x3c: {  	p2 =	seq.s32 s10, $0x1;
	s10 =	sld [smem:$0x3FBA]  }
0x3d: {  	_ =	shalt  }
0x3e: {  	_ =	shalt  }
0x3f: {  	_ =	shalt  }
0x40: {  	_ =	shalt  }
0x41: {  	_ =	shalt  }
0x42: {  	_ =	shalt  }
0x43: {  	_ =	shalt  }
0x44: {  	_ =	shalt  }
0x45: {  	_ =	shalt  }
0x46: {  	_ =	shalt  }
0x47: {  	_ =	shalt  }
0x48: {  	_ =	shalt  }
0x49: {  	_ =	shalt  }
0x4a: {  	_ =	shalt  }
0x4b: {  	_ =	shalt  }
0x4c: {  	_ =	shalt  }
0x4d: {  	_ =	shalt  }
0x4e: {  	_ =	shalt  }
0x4f: {  	_ =	shalt  }
0x50: {  	_ =	shalt  }
0x51: {  	_ =	shalt  }
0x52: {  	_ =	shalt  }
0x53: {  	_ =	shalt  }
0x54: {  	_ =	shalt  }
0x55: {  	_ =	shalt  }
0x56: {  	_ =	shalt  }
0x57: {  	_ =	shalt  }
0x58: {  	_ =	shalt  }
0x59: {  	_ =	shalt  }
0x5a: {  	_ =	shalt  }
0x5b: {  	_ =	shalt  }
0x5c: {  	_ =	shalt  }
0x5d: {  	_ =	shalt  }
0x5e: {  	_ =	shalt  }
0x5f: {  	_ =	shalt  }
0x60: {  	_ =	shalt  }
0x61: {  	_ =	shalt  }
0x62: {  	_ =	shalt  }
0x63: {  	_ =	shalt  }
0x64: {  	_ =	shalt  }
0x65: {  	_ =	shalt  }
0x66: {  	_ =	shalt  }
0x67: {  	_ =	shalt  }
0x68: {  	_ =	shalt  }
0x69: {  	_ =	shalt  }
0x6a: {  	_ =	shalt  }
0x6b: {  	_ =	shalt  }
0x6c: {  	_ =	shalt  }
0x6d: {  	_ =	shalt  }
0x6e: {  	_ =	shalt  }
0x6f: {  	_ =	shalt  }
0x70: {  	_ =	shalt  }
0x71: {  	_ =	shalt  }
0x72: {  	_ =	shalt  }
0x73: {  	_ =	shalt  }
0x74: {  	_ =	shalt  }
0x75: {  	_ =	shalt  }
0x76: {  	_ =	shalt  }
0x77: {  	_ =	shalt  }
0x78: {  	_ =	shalt  }
0x79: {  	_ =	shalt  }
0x7a: {  	_ =	shalt  }
0x7b: {  	_ =	shalt  }
0x7c: {  	_ =	shalt  }
0x7d: {  	_ =	shalt  }
0x7e: {  	_ =	shalt  }
0x7f: {  	_ =	shalt  }
0x80: {  	_ =	shalt  }
0x81: {  	_ =	shalt  }
0x82: {  	_ =	shalt  }
0x83: {  	_ =	shalt  }
0x84: {  	_ =	shalt  }
0x85: {  	_ =	shalt  }
0x86: {  	_ =	shalt  }
0x87: {  	_ =	shalt  }
.Lfunc_end0:
.L_simem_size_0:
called_computation_lowered:
.L_overlay_start_0:
0x88: {  	s2 =	sld [smem:$0x3FD9]  }
0x89: {  	s3 =	sld [smem:$0x3FFE];
	_ =	sdelay $0x1  }
0x8a: {  	s1 =	srdreg.scid  }
0x8b: {  	s0 =	sand.u32 $0x1, s1  }
0x8c: {  	s16 =	sshll.u32 s0, $0xA;
	s2 =	sadd.s32 s3, s2  }
0x8d: {  	s2 =	sadd.s32 s2, s16  }
0x8e: {  	[smem:$0x3FC6] =	sst s2  }
0x8f: {  	_ = 	snop  }
0x90: {  	(tm) =	ssettm $0x1  }
0x91: {  	s17 =	sld [smem:$0x3FFB];
	_ =	sdelay $0x3  }
0x92: {  	_ =	strace s17  }
0x93: {  	s2 =	sld [smem:$0x3FFC];
	_ =	sdelay $0x3  }
0x94: {  	_ =	strace s2  }
0x95: {  	s2 =	sld [smem:$0x3FFD];
	_ =	sdelay $0x3  }
0x96: {  	_ =	strace s2  }
0x97: {  	_ =	strace $0x8FFFFFFF  }
0x98: {  	s18 =	sld [smem:$0x3FDB];
	_ =	sdelay $0x1  }
0x99: {  	s19 =	simm.s32 $_scs_section_size  }
0x9a: {  	s4 =	simm.s32 $_size__tile_overlayer_lowered;
	s5 =	simm.s32 $_tile_overlayer_lowered  }
0x9b: {  	s22 =	simm.s32 $0x1BFF;
	s21 =	sshll.u32 s5, $0x1;
	s2 =	sadd.s32 s19, s18  }
0x9c: {  	s6 =	simm.s32 $0x0;
	s20 =	sshll.u32 s4, $0x1;
	s4 =	sadd.s32 s21, s2  }
0x9d: {  	[timem:s6], [sflag:s22] =	dma.local [hbm:s4], s20  }
0x9e: {  	_ =	swait.ge [sflag:s22], s20  }
0x9f: {  	s3 =	ssub.s32 $0x0, s20;
	[sflag:s22] =	ssyncset.done $0x0  }
0xa0: {  	[sflag:s22] =	ssyncadd.s32 s3;
	_ =	sdelay $0x1  }
0xa1: {  	s23 =	simm.s32 $0x1B8B  }
0xa2: {  	_ =	swait.ge [sflag:s23], $0x1  }
0xa3: {  	[sflag:s23] =	ssyncset.done $0x0  }
0xa4: {  	s25 =	simm.s32 $0x1B8E;
	s24 =	sld [smem:$0x3FFE];
	[sflag:s23] =	ssyncadd.s32 $0xFFFFFFFF  }
0xa5: {  	s26 =	simm.s32 $execute0_lowered;
	[smem:$0x3FD2] =	sst s25  }
0xa6: {  	s4 =	sshll.u32 s26, $0x1;
	_ =	strace $0x80000046;
	[dreg:$0x1] =	wrdreg $0xFFFFFFFF  }
0xa7: {  	s28 =	simm.s32 $_size_execute0_lowered;
	s2 =	sadd.s32 s2, s4;
	[dreg:$0x0] =	wrdreg $0x0  }
0xa8: {  	s4 =	sshll.u32 s28, $0x1;
	[dreg:$0x2] =	wrdreg s2  }
0xa9: {  	[dreg:$0x3] =	wrdreg s4  }
0xaa: {  	[dreg:$0x4] =	wrdreg $0xC0  }
0xab: {  	_ =	task [dreg:s6], $0x5FFFF  }
0xac: {  	[dreg:$0x1] =	wrdreg $0xFFFFFFFF  }
0xad: {  	[dreg:$0x0] =	wrdreg $0x60  }
0xae: {  	[dreg:$0x2] =	wrdreg s24  }
0xaf: {  	[dreg:$0x3] =	wrdreg $0x9  }
0xb0: {  	_ =	task.clear_ibuf [dreg:s6], $0x4FFFF;
	_ =	strace $0x90000046  }
0xb1: {  	s29 =	simm.s32 $0x9;
	_ =	strace $0x80000048  }
0xb2: {  	_ =	swait.ge [sflag:s29], $0x1  }
0xb3: {  	[sflag:s29] =	ssyncadd.s32 $0xFFFFFFFF  }
0xb4: {  	_ =	strace $0x90000048  }
0xb5: {  	_ =	sfence  }
0xb6: {  	s30 =	sld [smem:$0x0];
	_ =	sdelay $0x2  }
0xb7: {  	s31 =	sshll.u32 s1, $0xD;
	s1 =	sshrl.u32 s1, $0x2  }
0xb8: {  	s3 =	sand.u32 $0x4000, s31;
	s1 =	sadd.s32 s1, s30  }
0xb9: {  	s0 =	sor.u32 s3, s0;
	s1 =	sshll.u32 s1, $0x11  }
0xba: {  	s0 =	sor.u32 s1, s0  }
0xbb: {  	s0 =	sadd.s32 $0x8F2B, s0  }
0xbc: {  	[sflag:s0] =	ssyncadd.remote.s32 $0x1  }
0xbd: {  	_ =	sfence.sel $0xFFFF  }
0xbe: {  	[dreg:$0x0] =	wrdreg $0xFFFFFFFF;
	(pc) =	sbr.abs _section_cstart, $3  }
0xbf: {  	[dreg:$0x1] =	wrdreg $0xFFFFFFFF  }
0xc0: {  	_ =	task.clear_ibuf [dreg:s6], $0x2FFFF;
	_ =	strace $0x9FFFFFFF  }
0xc1: {  	(tm) =	ssettm $0x7FFFFFFF  }
tec
execute0_lowered:
.L_overlay_start_1:
0x0: {  	(tag) =	ssettag $0x1  }
0x1: {  	v0 =	vimm.s32 $0x76543210;
	v1 =	vimm.s32 $0xFEDCBA98  }
0x2: {  	v2 =	vimm.s32 $0x3210FEDC;
	v3 =	vimm.s32 $0xBA987654;
	v4 =	vimm.s32 $0x10FEDCBA  }
0x3: {  	v5 =	vimm.s32 $0x98765432;
	v6 =	vimm.s32 $0xFEDCBA9;
	v7 =	vimm.s32 $0x87654321  }
0x4: {  	vm0 =	vmmov $0x1;
	vm1 =	vmmov $0x3;
	vm2 =	vmmov $0x7  }
0x5: {  	vm3 =	vmmov $0xf;
	vm4 =	vmmov $0x1f;
	vm5 =	vmmov $0x3f  }
0x6: {  	s3 =	rddreg [dreg:$0x0];
	s0 =	stileid.u32;
	vm6 =	vmmov $0x7f;
	vm7 =	vmmov $0xff;
	vm8 =	vmmov $0x1ff  }
0x7: {  	s1 =	rddreg [dreg:$0x1];
	s4 =	srdreg.scid;
	s2 =	simm.s32 $0x0;
	vm9 =	vmmov $0x3ff;
	vm10 =	vmmov $0x7ff;
	vm11 =	vmmov $0xfff  }
0x8: {  	s9 =	simm.s32 $0x1;
	s10 =	simm.s32 $0x2000;
	s11 =	simm.s32 $0x8000;
	v0 =	vunpack.c.l.s4.s8 v0;
	v1 =	vunpack.c.l.s4.s8 v1;
	v2 =	vunpack.c.l.s4.s8 v2  }
0x9: {  	s12 =	simm.s32 $0x8080;
	s13 =	simm.s32 $0x0;
	v3 =	vunpack.c.l.s4.s8 v3;
	v4 =	vunpack.c.l.s4.s8 v4;
	s5 =	sshll.u32 s0, $0x1;
	v5 =	vunpack.c.l.s4.s8 v5  }
0xa: {  	s4 =	sand.u32 $0x1, s4;
	v6 =	vunpack.c.l.s4.s8 v6;
	v7 =	vunpack.c.l.s4.s8 v7;
	[smem:$0x7FF] =	sst s2;
	s6 =	sshrl.u32 s0, $0x3;
	v2 =	vunpack.c.0.s8.s32 v2  }
0xb: {  	s5 =	sand.u32 $0xE, s5;
	_ =	strace $0x80000047;
	s8 =	sshll.u32 s6, $0x4;
	v3 =	vunpack.c.0.s8.s32 v3;
	v4 =	vunpack.c.0.s8.s32 v4;
	v5 =	vunpack.c.0.s8.s32 v5  }
0xc: {  	s6 =	sshll.u32 s6, $0xA;
	s5 =	sor.u32 s4, s5;
	v1 =	vunpack.c.0.s8.s32 v1;
	v6 =	vunpack.c.0.s8.s32 v6;
	v7 =	vunpack.c.0.s8.s32 v7;
	s4 =	ssub.s32 $0x2, s4  }
0xd: {  	vm12 =	vmmov $0x1fff;
	v0 =	vunpack.c.0.s8.s32 v0;
	s6 =	sadd.s32 s6, s3;
	s7 =	sshll.u32 s5, $0x5;
	s30 =	sshrl.u32 s4, $0x1;
	v2 =	vcombine.low v3, v2  }
0xe: {  	s7 =	sor.u32 s8, s7;
	v62 =	vcombine.low v5, v4;
	v1 =	vand.u32 $0xF, v1;
	v63 =	vcombine.low v7, v6;
	s31 =	ssub.s32 s4, s30;
	s4 =	sadd.s32 $0x1600, s6  }
0xf: {  	vm13 =	vmmov $0x3fff;
	vm14 =	vmmov $0x7fff;
	s7 =	sadd.s32 s7, s3;
	s3 =	sshll.u32 s5, $0x7;
	v8 =	vcombine.low v1, v0;
	s5 =	sadd.s32 $0xE00, s6  }
0x10: {  	s8 =	smax.u32 s31, $0x1;
	v9 =	vand.u32 $0xF, v2;
	v10 =	vand.u32 $0xF, v62;
	s6 =	sadd.s32 $0x1E00, s7;
	s7 =	sadd.s32 $0x2000, s7;
	v11 =	vand.u32 $0xF, v63  }
.LBB2_1:
0x11: {  	[tilespmem:s2], [sflag:$0x1] =	stream.linear.gather [hbm4b:s4+s2], $0x2000, $0x38;
	[tilespmem:$0x8100] =	vst v63  }
0x12: {  	_ =	swait.ge [sflag:s9], $0x2000  }
0x13: {  	[sflag:s9] =	ssyncset.done $0x0  }
0x14: {  	[sflag:s9] =	ssyncadd.s32 $0xFFFFE000  }
0x15: {  	[tilespmem:s10], [sflag:$0x1] =	stream.linear.gather [hbm4b:s5+s2], $0x2000, $0x38;
	[tilespmem:$0x8100] =	vst v63  }
0x16: {  	s14 =	sand.u32 $0x70, s2;
	s15 =	sand.u32 $0x1E00, s2;
	_ =	swait.ge [sflag:s9], $0x2000  }
0x17: {  	s16 =	sor.u32 s14, s15;
	[sflag:s9] =	ssyncset.done $0x0  }
0x18: {  	s15 =	simm.s32 $0x10;
	s14 =	simm.s32 $0x0;
	[sflag:s9] =	ssyncadd.s32 $0xFFFFE000  }
.LBB2_2:
0x19: {  	p0 =	sne.s32 s15, $0x7F0;
	v0 =	vld [tilespmem:s16+$0x0]  }
0x1a: {  	v1 =	vld [tilespmem:s16+$0x80];
	_ =	sdelay $0x1  }
0x1b: {  	v2 =	vld [tilespmem:s16+$0x100];
	_ =	sdelay $0x1  }
0x1c: {  	v3 =	vmul.f32 $6.553700000e+04, v0  }
0x1d: {  	v4 =	vmul.f32 v0, v0;
	v5 =	vmul.f32 v1, v1  }
0x1e: {  	v6 =	vmul.f32 $6.553700000e+04, v1;
	v0 =	vsub.f32 v3, v0  }
0x1f: {  	v7 =	vmul.f32 $6.553700000e+04, v2;
	v4 =	vadd.f32 v5, v4;
	v5 =	vmul.f32 v2, v2  }
0x20: {  	v1 =	vsub.f32 v6, v1;
	v0 =	vsub.f32 v3, v0  }
.Ltmp0:
0x21: {  	s17 =	sshra.s32 s14, $0x2;
	v2 =	vsub.f32 v7, v2;
	v3 =	vadd.f32 v5, v4;
	(pc) =	sbr.rel @p0 .LBB2_2-.Ltmp0, $4  }
0x22: {  	[tilespmem:s17+$0x4000] =	vst v0;
	v0 =	vsub.f32 v6, v1  }
0x23: {  	s14 =	sadd.s32 $0x40, s14;
	v1 =	vsub.f32 v7, v2;
	[tilespmem:s17+$0x7000] =	vst v3  }
0x24: {  	s18 =	sand.u32 $0x1E00, s14;
	s16 =	sand.u32 $0x70, s15;
	[tilespmem:s17+$0x4800] =	vst v0  }
0x25: {  	s15 =	sadd.s32 $0x10, s15;
	s16 =	sor.u32 s16, s18;
	[tilespmem:s17+$0x5000] =	vst v1  }
0x26: {  	v0 =	vld [tilespmem:s16+$0x0]  }
0x27: {  	v1 =	vld [tilespmem:s16+$0x80];
	_ =	sdelay $0x1  }
0x28: {  	v2 =	vld [tilespmem:s16+$0x100];
	_ =	sdelay $0x1  }
0x29: {  	v3 =	vmul.f32 $6.553700000e+04, v0  }
0x2a: {  	v4 =	vmul.f32 v0, v0;
	v5 =	vmul.f32 v1, v1  }
0x2b: {  	v6 =	vmul.f32 $6.553700000e+04, v1;
	v0 =	vsub.f32 v3, v0  }
0x2c: {  	v7 =	vmul.f32 $6.553700000e+04, v2;
	v60 =	vmul.f32 v2, v2;
	v4 =	vadd.f32 v5, v4  }
0x2d: {  	v1 =	vsub.f32 v6, v1;
	v0 =	vsub.f32 v3, v0  }
0x2e: {  	s15 =	sshra.s32 s14, $0x2;
	v2 =	vsub.f32 v7, v2;
	v61 =	vadd.f32 v60, v4  }
0x2f: {  	v62 =	vsub.f32 v6, v1;
	[tilespmem:s15+$0x4000] =	vst v0  }
0x30: {  	s14 =	simm.s32 $0x0;
	v63 =	vsub.f32 v7, v2;
	[tilespmem:s15+$0x7000] =	vst v61  }
0x31: {  	s31 =	sand.u32 $0x70, s14;
	s17 =	sand.u32 $0x1E00, s14;
	[tilespmem:s15+$0x4800] =	vst v62  }
0x32: {  	s16 =	simm.s32 $0x10;
	s17 =	sor.u32 s31, s17;
	[tilespmem:s15+$0x5000] =	vst v63;
	s15 =	simm.s32 $0x0  }
.LBB2_4:
0x33: {  	p0 =	sne.s32 s16, $0x7F0;
	v0 =	vld [tilespmem:s17+$0x2000]  }
0x34: {  	v1 =	vld [tilespmem:s17+$0x2080];
	_ =	sdelay $0x1  }
0x35: {  	v2 =	vld [tilespmem:s17+$0x2100];
	_ =	sdelay $0x1  }
0x36: {  	v3 =	vmul.f32 $6.553700000e+04, v0  }
0x37: {  	v4 =	vmul.f32 v0, v0;
	v5 =	vmul.f32 v1, v1  }
0x38: {  	v6 =	vmul.f32 $6.553700000e+04, v1;
	v0 =	vsub.f32 v3, v0  }
0x39: {  	v7 =	vmul.f32 $6.553700000e+04, v2;
	v4 =	vadd.f32 v5, v4;
	v5 =	vmul.f32 v2, v2  }
0x3a: {  	v1 =	vsub.f32 v6, v1;
	v0 =	vsub.f32 v3, v0  }
.Ltmp1:
0x3b: {  	s18 =	sshra.s32 s15, $0x2;
	v2 =	vsub.f32 v7, v2;
	v3 =	vadd.f32 v5, v4;
	(pc) =	sbr.rel @p0 .LBB2_4-.Ltmp1, $4  }
0x3c: {  	[tilespmem:s18+$0x5800] =	vst v0;
	v0 =	vsub.f32 v6, v1  }
0x3d: {  	s15 =	sadd.s32 $0x40, s15;
	v1 =	vsub.f32 v7, v2;
	[tilespmem:s18+$0x7800] =	vst v3  }
0x3e: {  	s19 =	sand.u32 $0x1E00, s15;
	s17 =	sand.u32 $0x70, s16;
	[tilespmem:s18+$0x6000] =	vst v0  }
0x3f: {  	s16 =	sadd.s32 $0x10, s16;
	s17 =	sor.u32 s17, s19;
	[tilespmem:s18+$0x6800] =	vst v1  }
0x40: {  	v0 =	vld [tilespmem:s17+$0x2000]  }
0x41: {  	v1 =	vld [tilespmem:s17+$0x2080];
	_ =	sdelay $0x1  }
0x42: {  	v2 =	vld [tilespmem:s17+$0x2100];
	_ =	sdelay $0x1  }
0x43: {  	v3 =	vmul.f32 $6.553700000e+04, v0  }
0x44: {  	v4 =	vmul.f32 v0, v0;
	v5 =	vmul.f32 v1, v1  }
0x45: {  	v6 =	vmul.f32 $6.553700000e+04, v1;
	v0 =	vsub.f32 v3, v0  }
0x46: {  	v7 =	vmul.f32 $6.553700000e+04, v2;
	v60 =	vmul.f32 v2, v2;
	v4 =	vadd.f32 v5, v4  }
0x47: {  	v1 =	vsub.f32 v6, v1;
	v0 =	vsub.f32 v3, v0  }
0x48: {  	s15 =	sshra.s32 s15, $0x2;
	v2 =	vsub.f32 v7, v2;
	v61 =	vadd.f32 v60, v4  }
0x49: {  	v62 =	vsub.f32 v6, v1;
	[tilespmem:s15+$0x5800] =	vst v0  }
0x4a: {  	v63 =	vsub.f32 v7, v2;
	[tilespmem:s15+$0x7800] =	vst v61  }
0x4b: {  	[tilespmem:s15+$0x6000] =	vst v62  }
0x4c: {  	[tilespmem:s15+$0x6800] =	vst v63  }
.LBB2_6:
0x4d: {  	s15 =	sshll.u32 s14, $0x4  }
0x4e: {  	s16 =	sor.u32 s3, s15  }
0x4f: {  	v22 =	vld [tilespmem:s16+$0x4000]  }
0x50: {  	v21 =	vld [tilespmem:s16+$0x4800]  }
0x51: {  	v20 =	vld [tilespmem:s16+$0x5000];
	_ =	sdelay $0x2  }
0x52: {  	v2 =	vimm.s32 $0x0  }
0x53: {  	v0 =	vperm.xlane v22, v2  }
0x54: {  	v4 =	vimm.s32 $0x1;
	v1 =	vperm.xlane v21, v2;
	v2 =	vperm.xlane v20, v2  }
0x55: {  	v3 =	vperm.xlane v21, v4;
	v34 =	vadd.f32 v0, v0;
	v0 =	vperm.xlane v22, v4  }
0x56: {  	v28 =	vadd.f32 v1, v1;
	v23 =	vadd.f32 v2, v2;
	v1 =	vperm.xlane v20, v4  }
0x57: {  	v29 =	vadd.f32 v3, v3;
	v2 =	vimm.s32 $0x2;
	v4 =	vimm.s32 $0x3  }
0x58: {  	v3 =	vperm.xlane v21, v4;
	v36 =	vadd.f32 v0, v0;
	v0 =	vperm.xlane v22, v2  }
0x59: {  	v24 =	vadd.f32 v1, v1;
	v1 =	vperm.xlane v21, v2;
	v2 =	vperm.xlane v20, v2  }
0x5a: {  	v32 =	vadd.f32 v3, v3;
	v38 =	vadd.f32 v0, v0  }
0x5b: {  	v0 =	vperm.xlane v22, v4;
	v31 =	vadd.f32 v1, v1;
	v25 =	vadd.f32 v2, v2  }
0x5c: {  	v1 =	vperm.xlane v20, v4;
	v2 =	vimm.s32 $0x4;
	v4 =	vimm.s32 $0x5  }
0x5d: {  	v3 =	vperm.xlane v21, v4;
	v40 =	vadd.f32 v0, v0;
	v0 =	vperm.xlane v22, v2  }
0x5e: {  	v26 =	vadd.f32 v1, v1;
	v1 =	vperm.xlane v21, v2;
	v2 =	vperm.xlane v20, v2  }
0x5f: {  	s17 =	simm.s32 $0x0;
	v5 =	vimm.s32 $0x6;
	v7 =	vimm.s32 $0x7;
	v37 =	vadd.f32 v3, v3  }
0x60: {  	v41 =	vadd.f32 v0, v0;
	v0 =	vperm.xlane v22, v4;
	v27 =	vadd.f32 v2, v2;
	v2 =	vld [tilespmem:s17+$0x5800]  }
0x61: {  	v3 =	vperm.xlane v22, v7;
	v35 =	vadd.f32 v1, v1;
	v1 =	vperm.xlane v20, v4  }
0x62: {  	v4 =	vld [tilespmem:s17+$0x6000];
	v42 =	vadd.f32 v0, v0;
	v0 =	vperm.xlane v22, v5  }
0x63: {  	v46 =	vadd.f32 v3, v3;
	v30 =	vadd.f32 v1, v1;
	v1 =	vperm.xlane v21, v5  }
0x64: {  	v43 =	vadd.f32 v0, v0;
	v0 =	vperm.xlane v20, v5;
	v5 =	vperm.xlane v21, v7  }
0x65: {  	v39 =	vadd.f32 v1, v1;
	v1 =	vperm.xlane v20, v7;
	v3 =	vmul.f32 v2, v36  }
0x66: {  	v6 =	vld [tilespmem:s17+$0x7800];
	v7 =	vmul.f32 v2, v40;
	v13 =	vmul.f32 v2, v41  }
0x67: {  	v14 =	vmul.f32 v2, v42;
	v15 =	vmul.f32 v4, v28  }
0x68: {  	v48 =	vimm.f32 $+Inf;
	v16 =	vmul.f32 v4, v29;
	v50 =	vmul.f32 v4, v37  }
0x69: {  	v49 =	vld [tilespmem:s17+$0x6800];
	v33 =	vadd.f32 v0, v0;
	v45 =	vadd.f32 v5, v5;
	v0 =	vmul.f32 v2, v34  }
0x6a: {  	v44 =	vadd.f32 v1, v1;
	v1 =	vmul.f32 v2, v46;
	v5 =	vmul.f32 v2, v38  }
0x6b: {  	v2 =	vmul.f32 v2, v43;
	v3 =	vsub.f32 v6, v3;
	v17 =	vsub.f32 v6, v7  }
0x6c: {  	v18 =	vsub.f32 v6, v14;
	v1 =	vsub.f32 v6, v1;
	v12 =	vmul.f32 v4, v45  }
0x6d: {  	v7 =	vmul.f32 v4, v31;
	v0 =	vsub.f32 v6, v0;
	v5 =	vsub.f32 v6, v5  }
0x6e: {  	v2 =	vsub.f32 v6, v2;
	v1 =	vsub.f32 v1, v12;
	v12 =	vmul.f32 v49, v44  }
0x6f: {  	v14 =	vsub.f32 v3, v16;
	v3 =	vmul.f32 v4, v39;
	v0 =	vsub.f32 v0, v15  }
0x70: {  	v16 =	vmul.f32 v49, v25;
	v7 =	vsub.f32 v5, v7;
	v1 =	vsub.f32 v1, v12  }
0x71: {  	v15 =	vmul.f32 v49, v24;
	v5 =	vsub.f32 v2, v3;
	v12 =	vsub.f32 v6, v13  }
0x72: {  	v13 =	vmul.f32 v4, v32;
	v47 =	vmin.f32 v48, v1;
	v1 =	vmul.f32 v4, v35  }
0x73: {  	v2 =	vimm.f32 $+Inf;
	v3 =	vimm.f32 $+Inf;
	v4 =	vmul.f32 v49, v23  }
0x74: {  	v13 =	vsub.f32 v17, v13;
	v17 =	vmul.f32 v49, v26;
	v6 =	vsub.f32 v12, v1  }
0x75: {  	v12 =	vsub.f32 v18, v50;
	v51 =	vsub.f32 v0, v4;
	v0 =	vimm.f32 $+Inf  }
0x76: {  	s18 =	simm.s32 $0x10;
	s17 =	simm.s32 $0x80;
	v4 =	vimm.f32 $+Inf;
	v50 =	vimm.f32 $+Inf;
	v1 =	vimm.f32 $+Inf  }
.LBB2_7:
0x77: {  	p0 =	sne.s32 s17, $0x1FC0;
	v18 =	vld [tilespmem:s18+$0x5800];
	v14 =	vsub.f32 v14, v15;
	v15 =	vmul.f32 v49, v27;
	v52 =	vmul.f32 v49, v30  }
0x78: {  	v53 =	vld [tilespmem:s18+$0x6000];
	v7 =	vsub.f32 v7, v16;
	v13 =	vsub.f32 v13, v17;
	v16 =	vmul.f32 v49, v33  }
0x79: {  	v48 =	vmin.f32 v48, v51;
	v17 =	vld [tilespmem:s18+$0x7800];
	v6 =	vsub.f32 v6, v15;
	v12 =	vsub.f32 v12, v52  }
0x7a: {  	v2 =	vmin.f32 v2, v14;
	v3 =	vmin.f32 v3, v7;
	v5 =	vsub.f32 v5, v16  }
0x7b: {  	v0 =	vmin.f32 v0, v13;
	v49 =	vld [tilespmem:s18+$0x6800];
	v4 =	vmin.f32 v4, v6;
	v50 =	vmin.f32 v50, v12  }
0x7c: {  	v6 =	vmul.f32 v18, v34;
	v7 =	vmul.f32 v18, v46;
	v1 =	vmin.f32 v1, v5  }
0x7d: {  	v5 =	vmul.f32 v18, v36;
	v12 =	vmul.f32 v18, v38  }
0x7e: {  	v13 =	vmul.f32 v18, v40;
	v14 =	vmul.f32 v53, v45;
	v7 =	vsub.f32 v17, v7  }
0x7f: {  	v15 =	vmul.f32 v18, v41;
	v16 =	vmul.f32 v18, v42;
	v6 =	vsub.f32 v17, v6  }
0x80: {  	v18 =	vmul.f32 v18, v43;
	v7 =	vsub.f32 v7, v14;
	v14 =	vmul.f32 v49, v44  }
0x81: {  	v51 =	vmul.f32 v53, v28;
	v5 =	vsub.f32 v17, v5;
	v12 =	vsub.f32 v17, v12  }
0x82: {  	v52 =	vmul.f32 v53, v29;
	v13 =	vsub.f32 v17, v13;
	v7 =	vsub.f32 v7, v14  }
0x83: {  	v54 =	vmul.f32 v53, v31;
	v15 =	vsub.f32 v17, v15;
	v16 =	vsub.f32 v17, v16  }
0x84: {  	v55 =	vmul.f32 v53, v32;
	v17 =	vsub.f32 v17, v18;
	v47 =	vmin.f32 v47, v7  }
.Ltmp2:
0x85: {  	v18 =	vsub.f32 v6, v51;
	v6 =	vmul.f32 v53, v35;
	v51 =	vmul.f32 v53, v37;
	(pc) =	sbr.rel @p0 .LBB2_7-.Ltmp2, $4  }
0x86: {  	v14 =	vsub.f32 v5, v52;
	v5 =	vmul.f32 v53, v39;
	v7 =	vsub.f32 v12, v54  }
0x87: {  	v13 =	vsub.f32 v13, v55;
	v52 =	vmul.f32 v49, v23;
	v6 =	vsub.f32 v15, v6  }
0x88: {  	v15 =	vmul.f32 v49, v24;
	v12 =	vsub.f32 v16, v51;
	v5 =	vsub.f32 v17, v5  }
0x89: {  	s18 =	sshra.s32 s17, $0x2;
	s17 =	sadd.s32 $0x40, s17;
	v51 =	vsub.f32 v18, v52;
	v16 =	vmul.f32 v49, v25;
	v17 =	vmul.f32 v49, v26  }
0x8a: {  	v18 =	vld [tilespmem:s18+$0x5800]  }
0x8b: {  	v14 =	vsub.f32 v14, v15;
	v15 =	vmul.f32 v49, v27;
	v52 =	vmul.f32 v49, v30  }
0x8c: {  	v7 =	vsub.f32 v7, v16;
	v13 =	vsub.f32 v13, v17;
	v16 =	vmul.f32 v49, v33  }
0x8d: {  	v53 =	vld [tilespmem:s18+$0x6000];
	v6 =	vsub.f32 v6, v15;
	v12 =	vsub.f32 v12, v52  }
0x8e: {  	v17 =	vld [tilespmem:s18+$0x7800];
	v2 =	vmin.f32 v2, v14;
	v5 =	vsub.f32 v5, v16;
	v0 =	vmin.f32 v0, v13  }
0x8f: {  	v4 =	vmin.f32 v4, v6;
	v6 =	vmin.f32 v50, v12;
	v12 =	vmul.f32 v18, v34  }
0x90: {  	v13 =	vmul.f32 v18, v46;
	v1 =	vmin.f32 v1, v5;
	v5 =	vmul.f32 v18, v36  }
0x91: {  	v3 =	vmin.f32 v3, v7;
	v7 =	vld [tilespmem:s18+$0x6800];
	v14 =	vmul.f32 v18, v38;
	v15 =	vmul.f32 v18, v40  }
0x92: {  	v48 =	vmin.f32 v48, v51;
	v16 =	vmul.f32 v53, v45;
	v61 =	vmul.f32 v18, v41  }
0x93: {  	v62 =	vmul.f32 v18, v42;
	v28 =	vmul.f32 v53, v28;
	v13 =	vsub.f32 v17, v13  }
0x94: {  	v29 =	vmul.f32 v53, v29;
	v12 =	vsub.f32 v17, v12;
	v5 =	vsub.f32 v17, v5  }
0x95: {  	v32 =	vmul.f32 v53, v32;
	v14 =	vsub.f32 v17, v14;
	v15 =	vsub.f32 v17, v15  }
0x96: {  	v63 =	vsub.f32 v17, v62;
	v13 =	vsub.f32 v13, v16;
	v16 =	vmul.f32 v7, v44  }
0x97: {  	v18 =	vmul.f32 v18, v43;
	v12 =	vsub.f32 v12, v28;
	v5 =	vsub.f32 v5, v29  }
0x98: {  	v15 =	vsub.f32 v15, v32;
	v13 =	vsub.f32 v13, v16;
	v16 =	vmul.f32 v53, v31  }
0x99: {  	v28 =	vmul.f32 v53, v37;
	v31 =	vsub.f32 v17, v61;
	v17 =	vsub.f32 v17, v18  }
0x9a: {  	v14 =	vsub.f32 v14, v16;
	v16 =	vmul.f32 v7, v23;
	v23 =	vmul.f32 v7, v24  }
0x9b: {  	v18 =	vmul.f32 v53, v35;
	v28 =	vsub.f32 v63, v28;
	v24 =	vmul.f32 v53, v39  }
0x9c: {  	v12 =	vsub.f32 v12, v16;
	v16 =	vmul.f32 v7, v25;
	v5 =	vsub.f32 v5, v23  }
0x9d: {  	v18 =	vsub.f32 v31, v18;
	v25 =	vmul.f32 v7, v26;
	v17 =	vsub.f32 v17, v24  }
0x9e: {  	v14 =	vsub.f32 v14, v16;
	v12 =	vmin.f32 v48, v12;
	v2 =	vmin.f32 v2, v5  }
0x9f: {  	v5 =	vsub.f32 v15, v25;
	v15 =	vperm.xlane v12, v8;
	v16 =	vperm.xlane v2, v8  }
0xa0: {  	v23 =	vmul.f32 v7, v27;
	v24 =	vmul.f32 v7, v30;
	v3 =	vmin.f32 v3, v14  }
0xa1: {  	v12 =	vmin.f32 v12, v15;
	v2 =	vmin.f32 v2, v16;
	v14 =	vperm.xlane v3, v8  }
0xa2: {  	v18 =	vsub.f32 v18, v23;
	v16 =	vperm.xlane v12, v9;
	v23 =	vperm.xlane v2, v9  }
0xa3: {  	v7 =	vmul.f32 v7, v33;
	v0 =	vmin.f32 v0, v5;
	v3 =	vmin.f32 v3, v14  }
0xa4: {  	v5 =	vmin.f32 v12, v16;
	v2 =	vmin.f32 v2, v23;
	v12 =	vperm.xlane v3, v9  }
0xa5: {  	v14 =	vperm.xlane v5, v10;
	v16 =	vperm.xlane v2, v10  }
0xa6: {  	v15 =	vsub.f32 v28, v24;
	v3 =	vmin.f32 v3, v12;
	v12 =	vperm.xlane v0, v8  }
0xa7: {  	v23 =	vmin.f32 v5, v14;
	v24 =	vmin.f32 v2, v16;
	v2 =	vperm.xlane v3, v10  }
0xa8: {  	v7 =	vsub.f32 v17, v7;
	v5 =	vperm.xlane v23, v11;
	v0 =	vmin.f32 v0, v12  }
0xa9: {  	v4 =	vmin.f32 v4, v18;
	v25 =	vmin.f32 v3, v2;
	v2 =	vperm.xlane v0, v9  }
0xaa: {  	v3 =	vperm.xlane v4, v8;
	[tilespmem:$0x1FFC0] =	vst v5;
	v5 =	vperm.xlane v24, v11  }
0xab: {  	v13 =	vmin.f32 v47, v13;
	v1 =	vmin.f32 v1, v7;
	v0 =	vmin.f32 v0, v2  }
0xac: {  	v2 =	vmin.f32 v4, v3;
	v3 =	vperm.xlane v1, v8;
	[tilespmem:$0x1FFD0] =	vst v5;
	v5 =	vperm.xlane v25, v11  }
0xad: {  	v6 =	vmin.f32 v6, v15;
	v4 =	vperm.xlane v0, v10;
	v7 =	vperm.xlane v2, v9  }
0xae: {  	v1 =	vmin.f32 v1, v3;
	v3 =	vperm.xlane v13, v8;
	[tilespmem:$0x1FFE0] =	vst v5;
	v5 =	vperm.xlane v6, v8  }
0xaf: {  	v31 =	vmin.f32 v0, v4;
	v0 =	vmin.f32 v2, v7;
	v2 =	vperm.xlane v1, v9  }
0xb0: {  	v61 =	vimm.f32 $+Inf;
	v4 =	vperm.xlane v0, v10;
	v3 =	vmin.f32 v13, v3  }
0xb1: {  	v5 =	vmin.f32 v6, v5;
	v1 =	vmin.f32 v1, v2;
	v2 =	vperm.xlane v3, v9  }
0xb2: {  	v6 =	vperm.xlane v5, v9;
	v34 =	vmin.f32 v0, v4;
	v0 =	vperm.xlane v1, v10  }
0xb3: {  	v7 =	vimm.s32 $0xF;
	v37 =	vperm.xlane v31, v11;
	v2 =	vmin.f32 v3, v2  }
0xb4: {  	v5 =	vmin.f32 v5, v6;
	v30 =	vmin.f32 v1, v0;
	v0 =	vperm.xlane v2, v10  }
0xb5: {  	v4 =	vimm.s32 $0x9;
	v3 =	vimm.s32 $0x8;
	v6 =	vperm.xlane v5, v10  }
0xb6: {  	v1 =	vperm.xlane v30, v11;
	v29 =	vmin.f32 v2, v0;
	v0 =	vperm.xlane v21, v3  }
0xb7: {  	v36 =	vperm.xlane v34, v11;
	v2 =	vperm.xlane v20, v3;
	v33 =	vmin.f32 v5, v6  }
0xb8: {  	[tilespmem:$0x1FFF0] =	vst v1;
	v1 =	vperm.xlane v22, v3;
	v3 =	vperm.xlane v21, v4;
	v43 =	vadd.f32 v0, v0  }
0xb9: {  	v38 =	vadd.f32 v2, v2;
	v0 =	vperm.xlane v20, v4;
	v2 =	vimm.s32 $0xA  }
0xba: {  	v48 =	vadd.f32 v1, v1;
	v1 =	vperm.xlane v22, v4;
	v42 =	vadd.f32 v3, v3  }
0xbb: {  	v4 =	vimm.s32 $0xB;
	v39 =	vadd.f32 v0, v0;
	v0 =	vperm.xlane v21, v2  }
0xbc: {  	v3 =	vperm.xlane v21, v4;
	v49 =	vadd.f32 v1, v1;
	v1 =	vperm.xlane v22, v2  }
0xbd: {  	v5 =	vimm.s32 $0xE;
	v2 =	vperm.xlane v20, v2;
	v45 =	vadd.f32 v0, v0  }
0xbe: {  	v0 =	vperm.xlane v20, v4;
	v46 =	vadd.f32 v3, v3;
	v52 =	vadd.f32 v1, v1  }
0xbf: {  	v1 =	vperm.xlane v22, v4;
	v40 =	vadd.f32 v2, v2;
	v2 =	vimm.s32 $0xC  }
0xc0: {  	v4 =	vimm.s32 $0xD;
	v41 =	vadd.f32 v0, v0;
	v0 =	vperm.xlane v21, v2  }
0xc1: {  	v53 =	vadd.f32 v1, v1;
	v1 =	vperm.xlane v22, v2;
	v2 =	vperm.xlane v20, v2  }
0xc2: {  	s17 =	simm.s32 $0x0;
	v3 =	vperm.xlane v21, v4;
	v50 =	vadd.f32 v0, v0;
	v0 =	vperm.xlane v20, v4  }
0xc3: {  	v54 =	vadd.f32 v1, v1;
	v1 =	vperm.xlane v22, v4;
	v44 =	vadd.f32 v2, v2;
	v2 =	vld [tilespmem:s17+$0x5800]  }
0xc4: {  	v35 =	vperm.xlane v33, v11;
	v47 =	vadd.f32 v0, v0;
	v0 =	vperm.xlane v21, v5  }
0xc5: {  	v51 =	vadd.f32 v3, v3;
	v55 =	vadd.f32 v1, v1;
	v1 =	vperm.xlane v22, v5  }
0xc6: {  	v3 =	vperm.xlane v22, v7;
	v4 =	vld [tilespmem:s17+$0x6000];
	v22 =	vadd.f32 v0, v0;
	v0 =	vperm.xlane v20, v7  }
0xc7: {  	v56 =	vadd.f32 v1, v1;
	v1 =	vperm.xlane v20, v5;
	v5 =	vperm.xlane v21, v7  }
0xc8: {  	v6 =	vld [tilespmem:s17+$0x7800];
	v20 =	vperm.xlane v29, v11;
	v57 =	vadd.f32 v0, v0;
	v0 =	vmul.f32 v2, v48  }
0xc9: {  	v59 =	vadd.f32 v3, v3;
	v3 =	vmul.f32 v2, v49;
	v7 =	vmul.f32 v2, v53  }
0xca: {  	v63 =	vimm.f32 $+Inf;
	v13 =	vmul.f32 v2, v54;
	v14 =	vmul.f32 v2, v55  }
0xcb: {  	v62 =	vld [tilespmem:s17+$0x6800];
	v15 =	vmul.f32 v4, v43;
	v16 =	vmul.f32 v4, v42;
	v21 =	vadd.f32 v1, v1  }
0xcc: {  	v58 =	vadd.f32 v5, v5;
	v1 =	vmul.f32 v2, v59;
	v5 =	vmul.f32 v2, v52  }
0xcd: {  	v2 =	vmul.f32 v2, v56;
	v0 =	vsub.f32 v6, v0;
	v3 =	vsub.f32 v6, v3  }
0xce: {  	v17 =	vsub.f32 v6, v7;
	v1 =	vsub.f32 v6, v1;
	v12 =	vmul.f32 v4, v58  }
0xcf: {  	v7 =	vmul.f32 v4, v45;
	v18 =	vsub.f32 v6, v14;
	v5 =	vsub.f32 v6, v5  }
0xd0: {  	v2 =	vsub.f32 v6, v2;
	v1 =	vsub.f32 v1, v12;
	v12 =	vmul.f32 v62, v57  }
0xd1: {  	v0 =	vsub.f32 v0, v15;
	v14 =	vsub.f32 v3, v16;
	v3 =	vmul.f32 v4, v22  }
0xd2: {  	v15 =	vmul.f32 v4, v51;
	v7 =	vsub.f32 v5, v7;
	v1 =	vsub.f32 v1, v12  }
0xd3: {  	v16 =	vmul.f32 v62, v39;
	v5 =	vsub.f32 v2, v3;
	v12 =	vsub.f32 v6, v13  }
0xd4: {  	v13 =	vmul.f32 v4, v46;
	v60 =	vmin.f32 v61, v1;
	v1 =	vmul.f32 v4, v50  }
0xd5: {  	v3 =	vimm.f32 $+Inf;
	v2 =	vimm.f32 $+Inf;
	v4 =	vmul.f32 v62, v38  }
0xd6: {  	v13 =	vsub.f32 v17, v13;
	v17 =	vmul.f32 v62, v41;
	v6 =	vsub.f32 v12, v1  }
0xd7: {  	v12 =	vsub.f32 v18, v15;
	v15 =	vsub.f32 v0, v4;
	v18 =	vmul.f32 v62, v40  }
0xd8: {  	s18 =	simm.s32 $0x10;
	s17 =	simm.s32 $0x80;
	v4 =	vimm.f32 $+Inf;
	v1 =	vimm.f32 $+Inf;
	v0 =	vimm.f32 $+Inf  }
.LBB2_9:
0xd9: {  	p0 =	sne.s32 s17, $0x1FC0;
	v19 =	vld [tilespmem:s18+$0x5800];
	v14 =	vsub.f32 v14, v16;
	v16 =	vmul.f32 v62, v44;
	v26 =	vmul.f32 v62, v47  }
0xda: {  	v27 =	vld [tilespmem:s18+$0x6000];
	v7 =	vsub.f32 v7, v18;
	v13 =	vsub.f32 v13, v17;
	v17 =	vmul.f32 v62, v21  }
0xdb: {  	v61 =	vmin.f32 v61, v15;
	v18 =	vld [tilespmem:s18+$0x7800];
	v6 =	vsub.f32 v6, v16;
	v12 =	vsub.f32 v12, v26  }
0xdc: {  	v4 =	vmin.f32 v4, v14;
	v3 =	vmin.f32 v3, v7;
	v5 =	vsub.f32 v5, v17  }
0xdd: {  	v63 =	vmin.f32 v63, v13;
	v62 =	vld [tilespmem:s18+$0x6800];
	v1 =	vmin.f32 v1, v6;
	v2 =	vmin.f32 v2, v12  }
0xde: {  	v6 =	vmul.f32 v19, v48;
	v7 =	vmul.f32 v19, v59;
	v0 =	vmin.f32 v0, v5  }
0xdf: {  	v5 =	vmul.f32 v19, v49;
	v12 =	vmul.f32 v19, v52  }
0xe0: {  	v13 =	vmul.f32 v19, v53;
	v14 =	vmul.f32 v27, v58;
	v7 =	vsub.f32 v18, v7  }
0xe1: {  	v15 =	vmul.f32 v19, v54;
	v16 =	vmul.f32 v19, v55;
	v6 =	vsub.f32 v18, v6  }
0xe2: {  	v17 =	vmul.f32 v19, v56;
	v7 =	vsub.f32 v7, v14;
	v14 =	vmul.f32 v62, v57  }
0xe3: {  	v19 =	vmul.f32 v27, v43;
	v5 =	vsub.f32 v18, v5;
	v12 =	vsub.f32 v18, v12  }
0xe4: {  	v26 =	vmul.f32 v27, v42;
	v13 =	vsub.f32 v18, v13;
	v7 =	vsub.f32 v7, v14  }
0xe5: {  	v28 =	vmul.f32 v27, v45;
	v15 =	vsub.f32 v18, v15;
	v32 =	vsub.f32 v18, v16  }
0xe6: {  	v16 =	vmul.f32 v27, v46;
	v17 =	vsub.f32 v18, v17;
	v60 =	vmin.f32 v60, v7  }
.Ltmp3:
0xe7: {  	v18 =	vsub.f32 v6, v19;
	v6 =	vmul.f32 v27, v50;
	v19 =	vmul.f32 v27, v51;
	(pc) =	sbr.rel @p0 .LBB2_9-.Ltmp3, $4  }
0xe8: {  	v14 =	vsub.f32 v5, v26;
	v5 =	vmul.f32 v27, v22;
	v7 =	vsub.f32 v12, v28  }
0xe9: {  	v13 =	vsub.f32 v13, v16;
	v26 =	vmul.f32 v62, v38;
	v6 =	vsub.f32 v15, v6  }
0xea: {  	v16 =	vmul.f32 v62, v39;
	v12 =	vsub.f32 v32, v19;
	v5 =	vsub.f32 v17, v5  }
0xeb: {  	s18 =	sshra.s32 s17, $0x2;
	s17 =	sadd.s32 $0x40, s17;
	v15 =	vsub.f32 v18, v26;
	v18 =	vmul.f32 v62, v40;
	v17 =	vmul.f32 v62, v41  }
0xec: {  	v19 =	vld [tilespmem:s18+$0x5800]  }
0xed: {  	v26 =	vld [tilespmem:s18+$0x6000];
	v14 =	vsub.f32 v14, v16  }
0xee: {  	v28 =	vmul.f32 v62, v44;
	v32 =	vmul.f32 v62, v47;
	v36 =	vmin.f32 v34, v36  }
0xef: {  	v7 =	vsub.f32 v7, v18;
	v13 =	vsub.f32 v13, v17;
	v15 =	vmin.f32 v61, v15  }
0xf0: {  	v61 =	vmul.f32 v62, v21;
	v6 =	vsub.f32 v6, v28;
	v12 =	vsub.f32 v12, v32  }
0xf1: {  	v27 =	vld [tilespmem:s18+$0x7800];
	v4 =	vmin.f32 v4, v14;
	v3 =	vmin.f32 v3, v7;
	v59 =	vmul.f32 v19, v59  }
0xf2: {  	v17 =	vld [tilespmem:s18+$0x6800];
	v5 =	vsub.f32 v5, v61;
	v62 =	vmul.f32 v26, v58;
	v18 =	vmul.f32 v19, v48  }
0xf3: {  	v13 =	vmin.f32 v63, v13;
	v28 =	vmul.f32 v19, v49;
	v32 =	vmul.f32 v19, v53  }
0xf4: {  	v1 =	vmin.f32 v1, v6;
	v48 =	vmul.f32 v19, v54;
	v49 =	vmul.f32 v19, v55  }
0xf5: {  	v2 =	vmin.f32 v2, v12;
	v53 =	vmul.f32 v26, v45;
	v54 =	vmul.f32 v26, v46  }
0xf6: {  	v0 =	vmin.f32 v0, v5;
	v55 =	vmul.f32 v26, v51;
	v22 =	vmul.f32 v26, v22  }
0xf7: {  	v58 =	vmul.f32 v17, v40;
	v7 =	vsub.f32 v27, v59;
	v5 =	vsub.f32 v27, v18  }
0xf8: {  	v61 =	vmul.f32 v17, v47;
	v12 =	vsub.f32 v27, v28;
	v14 =	vsub.f32 v27, v32  }
0xf9: {  	v28 =	vmul.f32 v26, v43;
	v16 =	vsub.f32 v27, v48;
	v18 =	vsub.f32 v27, v49  }
0xfa: {  	v32 =	vmul.f32 v26, v50;
	v59 =	vmul.f32 v17, v41;
	v6 =	vsub.f32 v7, v62  }
0xfb: {  	v7 =	vmul.f32 v17, v57;
	v5 =	vsub.f32 v5, v28;
	v14 =	vsub.f32 v14, v54  }
0xfc: {  	v43 =	vmin.f32 v29, v20;
	v16 =	vsub.f32 v16, v32;
	v18 =	vsub.f32 v18, v55  }
0xfd: {  	v57 =	vmul.f32 v17, v39;
	v6 =	vsub.f32 v6, v7;
	v7 =	vmul.f32 v19, v52  }
0xfe: {  	v32 =	vmin.f32 v31, v37;
	v19 =	vmul.f32 v19, v56;
	v52 =	vmul.f32 v26, v42  }
0xff: {  	v56 =	vmul.f32 v17, v38;
	v14 =	vsub.f32 v14, v59;
	v63 =	vsub.f32 v18, v61  }
0x100: {  	v40 =	vld [tilespmem:$0x1FFF0];
	v37 =	vmin.f32 v33, v35;
	v7 =	vsub.f32 v27, v7;
	v19 =	vsub.f32 v27, v19  }
0x101: {  	v26 =	vld [tilespmem:$0x1FFD0];
	v6 =	vmin.f32 v60, v6;
	v12 =	vsub.f32 v12, v52;
	v5 =	vsub.f32 v5, v56  }
0x102: {  	v60 =	vmul.f32 v17, v44;
	v13 =	vmin.f32 v13, v14;
	v19 =	vsub.f32 v19, v22;
	v22 =	vld [tilespmem:$0x1FFC0]  }
0x103: {  	v17 =	vmul.f32 v17, v21;
	v2 =	vmin.f32 v2, v63;
	v45 =	vperm.xlane v13, v8  }
0x104: {  	v7 =	vsub.f32 v7, v53;
	v12 =	vsub.f32 v12, v57;
	v5 =	vmin.f32 v15, v5  }
0x105: {  	v27 =	vld [tilespmem:$0x1FFE0];
	v62 =	vsub.f32 v16, v60;
	v15 =	vmin.f32 v30, v40;
	v28 =	vperm.xlane v5, v8  }
0x106: {  	v53 =	vperm.xlane v2, v8;
	v21 =	vmin.f32 v24, v26;
	v7 =	vsub.f32 v7, v58  }
0x107: {  	v4 =	vmin.f32 v4, v12;
	v5 =	vmin.f32 v5, v28;
	v18 =	vmin.f32 v23, v22  }
0x108: {  	v3 =	vmin.f32 v3, v7;
	v7 =	vsel vm0, v18, v21;
	v18 =	vperm.xlane v5, v9  }
0x109: {  	v17 =	vsub.f32 v19, v17;
	v1 =	vmin.f32 v1, v62;
	v2 =	vmin.f32 v2, v53  }
0x10a: {  	v12 =	vmin.f32 v25, v27;
	v38 =	vperm.xlane v4, v8;
	v5 =	vmin.f32 v5, v18  }
0x10b: {  	v50 =	vperm.xlane v1, v8;
	v7 =	vsel vm1, v7, v12;
	v39 =	vperm.xlane v5, v10  }
0x10c: {  	v56 =	vperm.xlane v2, v9;
	v0 =	vmin.f32 v0, v17;
	v7 =	vsel vm2, v7, v32  }
0x10d: {  	v4 =	vmin.f32 v4, v38;
	v7 =	vsel vm3, v7, v36;
	v5 =	vmin.f32 v5, v39  }
0x10e: {  	v12 =	vmin.f32 v13, v45;
	v7 =	vsel vm4, v7, v37;
	v44 =	vperm.xlane v5, v11  }
0x10f: {  	v42 =	vperm.xlane v3, v8;
	v13 =	vperm.xlane v12, v9;
	v7 =	vsel vm5, v7, v15  }
0x110: {  	v41 =	vperm.xlane v4, v9;
	v7 =	vsel vm6, v7, v43;
	v5 =	vmin.f32 v5, v44  }
0x111: {  	v3 =	vmin.f32 v3, v42;
	v5 =	vsel vm7, v7, v5;
	v7 =	vmin.f32 v12, v13  }
0x112: {  	v4 =	vmin.f32 v4, v41;
	v47 =	vperm.xlane v3, v9;
	v12 =	vperm.xlane v7, v10  }
0x113: {  	v1 =	vmin.f32 v1, v50;
	v55 =	vperm.xlane v0, v8;
	v46 =	vperm.xlane v4, v10  }
0x114: {  	v2 =	vmin.f32 v2, v56;
	v3 =	vmin.f32 v3, v47;
	v51 =	vmin.f32 v7, v12  }
0x115: {  	v4 =	vmin.f32 v4, v46;
	v48 =	vperm.xlane v3, v10;
	v7 =	vperm.xlane v51, v11  }
0x116: {  	v52 =	vperm.xlane v1, v9;
	v0 =	vmin.f32 v0, v55;
	v14 =	vperm.xlane v4, v11  }
0x117: {  	v3 =	vmin.f32 v3, v48;
	v54 =	vmin.f32 v51, v7;
	v7 =	vperm.xlane v6, v8  }
0x118: {  	v1 =	vmin.f32 v1, v52;
	v4 =	vmin.f32 v4, v14;
	v49 =	vperm.xlane v3, v11  }
0x119: {  	v4 =	vsel vm8, v5, v4;
	v6 =	vmin.f32 v6, v7;
	v7 =	vperm.xlane v0, v9  }
0x11a: {  	v3 =	vmin.f32 v3, v49;
	v12 =	vperm.xlane v1, v10;
	v57 =	vperm.xlane v6, v9  }
0x11b: {  	v3 =	vsel vm9, v4, v3;
	v0 =	vmin.f32 v0, v7;
	v7 =	vperm.xlane v2, v10  }
0x11c: {  	v1 =	vmin.f32 v1, v12;
	v58 =	vmin.f32 v6, v57;
	v59 =	vperm.xlane v0, v10  }
0x11d: {  	v12 =	vperm.xlane v1, v11;
	v2 =	vmin.f32 v2, v7;
	v6 =	vperm.xlane v58, v10  }
0x11e: {  	v3 =	vsel vm10, v3, v54;
	v0 =	vmin.f32 v0, v59;
	v60 =	vperm.xlane v2, v11  }
0x11f: {  	v1 =	vmin.f32 v1, v12;
	v61 =	vperm.xlane v0, v11;
	v4 =	vmin.f32 v58, v6;
	v6 =	vld [tilespmem:s16+$0x7000]  }
0x120: {  	s14 =	sadd.s32 $0x1, s14;
	v1 =	vsel vm11, v3, v1;
	v2 =	vmin.f32 v2, v60;
	v62 =	vperm.xlane v4, v11  }
0x121: {  	p0 =	sne.s32 s14, $0x8;
	v1 =	vsel vm12, v1, v2;
	v0 =	vmin.f32 v0, v61  }
.Ltmp4:
0x122: {  	v0 =	vsel vm13, v1, v0;
	v63 =	vmin.f32 v4, v62;
	(pc) =	sbr.rel @p0 .LBB2_6-.Ltmp4, $3  }
0x123: {  	v0 =	vsel vm14, v0, v63  }
0x124: {  	v0 =	vadd.f32 v0, v6;
	_ =	sdelay $0x1  }
0x125: {  	[tilespmem:s15+$0x8000] =	vst v0;
	s15 =	simm.s32 $0x0  }
.LBB2_11:
0x126: {  	s14 =	sshll.u32 s15, $0x4  }
0x127: {  	s16 =	sor.u32 s3, s14  }
0x128: {  	v22 =	vld [tilespmem:s16+$0x5800]  }
0x129: {  	v21 =	vld [tilespmem:s16+$0x6000]  }
0x12a: {  	v20 =	vld [tilespmem:s16+$0x6800];
	_ =	sdelay $0x2  }
0x12b: {  	v2 =	vimm.s32 $0x0  }
0x12c: {  	v0 =	vperm.xlane v22, v2  }
0x12d: {  	v4 =	vimm.s32 $0x1;
	v1 =	vperm.xlane v21, v2;
	v2 =	vperm.xlane v20, v2  }
0x12e: {  	v3 =	vperm.xlane v21, v4;
	v34 =	vadd.f32 v0, v0  }
0x12f: {  	v0 =	vperm.xlane v22, v4;
	v28 =	vadd.f32 v1, v1;
	v23 =	vadd.f32 v2, v2  }
0x130: {  	v1 =	vperm.xlane v20, v4;
	v29 =	vadd.f32 v3, v3;
	v4 =	vimm.s32 $0x3  }
0x131: {  	v2 =	vimm.s32 $0x2;
	v3 =	vperm.xlane v21, v4;
	v36 =	vadd.f32 v0, v0  }
0x132: {  	v0 =	vperm.xlane v22, v2;
	v24 =	vadd.f32 v1, v1;
	v1 =	vperm.xlane v21, v2  }
0x133: {  	v5 =	vimm.s32 $0x6;
	v2 =	vperm.xlane v20, v2;
	v32 =	vadd.f32 v3, v3  }
0x134: {  	v38 =	vadd.f32 v0, v0;
	v0 =	vperm.xlane v22, v4;
	v31 =	vadd.f32 v1, v1  }
0x135: {  	v25 =	vadd.f32 v2, v2;
	v1 =	vperm.xlane v20, v4;
	v2 =	vimm.s32 $0x4  }
0x136: {  	v4 =	vimm.s32 $0x5;
	v40 =	vadd.f32 v0, v0;
	v0 =	vperm.xlane v22, v2  }
0x137: {  	v26 =	vadd.f32 v1, v1;
	v1 =	vperm.xlane v21, v2;
	v2 =	vperm.xlane v20, v2  }
0x138: {  	s17 =	simm.s32 $0x0;
	v3 =	vperm.xlane v21, v4;
	v41 =	vadd.f32 v0, v0;
	v0 =	vperm.xlane v22, v4  }
0x139: {  	v35 =	vadd.f32 v1, v1;
	v27 =	vadd.f32 v2, v2;
	v1 =	vperm.xlane v20, v4;
	v2 =	vld [tilespmem:s17+$0x4000]  }
0x13a: {  	v7 =	vimm.s32 $0x7;
	v42 =	vadd.f32 v0, v0;
	v0 =	vperm.xlane v22, v5  }
0x13b: {  	v37 =	vadd.f32 v3, v3;
	v4 =	vld [tilespmem:s17+$0x4800];
	v30 =	vadd.f32 v1, v1;
	v1 =	vperm.xlane v21, v5  }
0x13c: {  	v3 =	vperm.xlane v22, v7;
	v43 =	vadd.f32 v0, v0;
	v0 =	vperm.xlane v20, v5  }
0x13d: {  	v5 =	vperm.xlane v21, v7;
	v39 =	vadd.f32 v1, v1;
	v1 =	vperm.xlane v20, v7  }
0x13e: {  	v6 =	vld [tilespmem:s17+$0x7000];
	v46 =	vadd.f32 v3, v3;
	v3 =	vmul.f32 v2, v36;
	v7 =	vmul.f32 v2, v40  }
0x13f: {  	v48 =	vimm.f32 $+Inf;
	v13 =	vmul.f32 v2, v41;
	v14 =	vmul.f32 v2, v42  }
0x140: {  	v50 =	vimm.f32 $+Inf;
	v15 =	vmul.f32 v4, v28;
	v16 =	vmul.f32 v4, v29  }
0x141: {  	v49 =	vld [tilespmem:s17+$0x5000];
	v33 =	vadd.f32 v0, v0;
	v45 =	vadd.f32 v5, v5;
	v0 =	vmul.f32 v2, v34  }
0x142: {  	v44 =	vadd.f32 v1, v1;
	v1 =	vmul.f32 v2, v46;
	v5 =	vmul.f32 v2, v38  }
0x143: {  	v2 =	vmul.f32 v2, v43;
	v3 =	vsub.f32 v6, v3;
	v17 =	vsub.f32 v6, v7  }
0x144: {  	v18 =	vsub.f32 v6, v14;
	v1 =	vsub.f32 v6, v1;
	v12 =	vmul.f32 v4, v45  }
0x145: {  	v7 =	vmul.f32 v4, v31;
	v0 =	vsub.f32 v6, v0;
	v5 =	vsub.f32 v6, v5  }
0x146: {  	v2 =	vsub.f32 v6, v2;
	v1 =	vsub.f32 v1, v12;
	v12 =	vmul.f32 v49, v44  }
0x147: {  	v14 =	vsub.f32 v3, v16;
	v3 =	vmul.f32 v4, v39;
	v0 =	vsub.f32 v0, v15  }
0x148: {  	v16 =	vmul.f32 v49, v24;
	v7 =	vsub.f32 v5, v7;
	v1 =	vsub.f32 v1, v12  }
0x149: {  	v15 =	vmul.f32 v4, v37;
	v5 =	vsub.f32 v2, v3;
	v12 =	vsub.f32 v6, v13  }
0x14a: {  	v13 =	vmul.f32 v4, v32;
	v47 =	vmin.f32 v48, v1;
	v1 =	vmul.f32 v4, v35  }
0x14b: {  	v2 =	vimm.f32 $+Inf;
	v3 =	vimm.f32 $+Inf;
	v4 =	vmul.f32 v49, v23  }
0x14c: {  	v13 =	vsub.f32 v17, v13;
	v17 =	vmul.f32 v49, v25;
	v6 =	vsub.f32 v12, v1  }
0x14d: {  	v12 =	vsub.f32 v18, v15;
	v15 =	vsub.f32 v0, v4;
	v18 =	vmul.f32 v49, v26  }
0x14e: {  	s18 =	simm.s32 $0x10;
	s17 =	simm.s32 $0x80;
	v0 =	vimm.f32 $+Inf;
	v4 =	vimm.f32 $+Inf;
	v1 =	vimm.f32 $+Inf  }
.LBB2_12:
0x14f: {  	p0 =	sne.s32 s17, $0x1FC0;
	v19 =	vld [tilespmem:s18+$0x4000];
	v14 =	vsub.f32 v14, v16;
	v16 =	vmul.f32 v49, v27;
	v51 =	vmul.f32 v49, v30  }
0x150: {  	v52 =	vld [tilespmem:s18+$0x4800];
	v7 =	vsub.f32 v7, v17;
	v13 =	vsub.f32 v13, v18;
	v17 =	vmul.f32 v49, v33  }
0x151: {  	v48 =	vmin.f32 v48, v15;
	v18 =	vld [tilespmem:s18+$0x7000];
	v6 =	vsub.f32 v6, v16;
	v12 =	vsub.f32 v12, v51  }
0x152: {  	v2 =	vmin.f32 v2, v14;
	v3 =	vmin.f32 v3, v7;
	v5 =	vsub.f32 v5, v17  }
0x153: {  	v0 =	vmin.f32 v0, v13;
	v49 =	vld [tilespmem:s18+$0x5000];
	v4 =	vmin.f32 v4, v6;
	v50 =	vmin.f32 v50, v12  }
0x154: {  	v6 =	vmul.f32 v19, v34;
	v7 =	vmul.f32 v19, v46;
	v1 =	vmin.f32 v1, v5  }
0x155: {  	v5 =	vmul.f32 v19, v36;
	v12 =	vmul.f32 v19, v38  }
0x156: {  	v13 =	vmul.f32 v19, v40;
	v14 =	vmul.f32 v52, v45;
	v7 =	vsub.f32 v18, v7  }
0x157: {  	v15 =	vmul.f32 v19, v41;
	v16 =	vmul.f32 v19, v42;
	v6 =	vsub.f32 v18, v6  }
0x158: {  	v17 =	vmul.f32 v19, v43;
	v7 =	vsub.f32 v7, v14;
	v14 =	vmul.f32 v49, v44  }
0x159: {  	v19 =	vmul.f32 v52, v28;
	v5 =	vsub.f32 v18, v5;
	v12 =	vsub.f32 v18, v12  }
0x15a: {  	v51 =	vmul.f32 v52, v29;
	v13 =	vsub.f32 v18, v13;
	v7 =	vsub.f32 v7, v14  }
0x15b: {  	v53 =	vmul.f32 v52, v31;
	v15 =	vsub.f32 v18, v15;
	v54 =	vsub.f32 v18, v16  }
0x15c: {  	v16 =	vmul.f32 v52, v32;
	v17 =	vsub.f32 v18, v17;
	v47 =	vmin.f32 v47, v7  }
.Ltmp5:
0x15d: {  	v18 =	vsub.f32 v6, v19;
	v6 =	vmul.f32 v52, v35;
	v19 =	vmul.f32 v52, v37;
	(pc) =	sbr.rel @p0 .LBB2_12-.Ltmp5, $4  }
0x15e: {  	v14 =	vsub.f32 v5, v51;
	v5 =	vmul.f32 v52, v39;
	v7 =	vsub.f32 v12, v53  }
0x15f: {  	v13 =	vsub.f32 v13, v16;
	v51 =	vmul.f32 v49, v23;
	v6 =	vsub.f32 v15, v6  }
0x160: {  	v16 =	vmul.f32 v49, v24;
	v12 =	vsub.f32 v54, v19;
	v5 =	vsub.f32 v17, v5  }
0x161: {  	s18 =	sshra.s32 s17, $0x2;
	s17 =	sadd.s32 $0x40, s17;
	v15 =	vsub.f32 v18, v51;
	v17 =	vmul.f32 v49, v25;
	v18 =	vmul.f32 v49, v26  }
0x162: {  	v19 =	vld [tilespmem:s18+$0x4000]  }
0x163: {  	v14 =	vsub.f32 v14, v16;
	v16 =	vmul.f32 v49, v27;
	v51 =	vmul.f32 v49, v30  }
0x164: {  	v7 =	vsub.f32 v7, v17;
	v13 =	vsub.f32 v13, v18;
	v17 =	vmul.f32 v49, v33  }
0x165: {  	v52 =	vld [tilespmem:s18+$0x4800];
	v6 =	vsub.f32 v6, v16;
	v12 =	vsub.f32 v12, v51  }
0x166: {  	v18 =	vld [tilespmem:s18+$0x7000];
	v2 =	vmin.f32 v2, v14;
	v5 =	vsub.f32 v5, v17;
	v0 =	vmin.f32 v0, v13  }
0x167: {  	v4 =	vmin.f32 v4, v6;
	v6 =	vmin.f32 v50, v12;
	v12 =	vmul.f32 v19, v34  }
0x168: {  	v13 =	vmul.f32 v19, v46;
	v1 =	vmin.f32 v1, v5;
	v5 =	vmul.f32 v19, v36  }
0x169: {  	v3 =	vmin.f32 v3, v7;
	v7 =	vld [tilespmem:s18+$0x5000];
	v14 =	vmul.f32 v19, v38;
	v16 =	vmul.f32 v19, v40  }
0x16a: {  	v15 =	vmin.f32 v48, v15;
	v17 =	vmul.f32 v52, v45;
	v61 =	vmul.f32 v19, v41  }
0x16b: {  	v62 =	vmul.f32 v19, v42;
	v28 =	vmul.f32 v52, v28;
	v13 =	vsub.f32 v18, v13  }
0x16c: {  	v29 =	vmul.f32 v52, v29;
	v12 =	vsub.f32 v18, v12;
	v5 =	vsub.f32 v18, v5  }
0x16d: {  	v32 =	vmul.f32 v52, v32;
	v14 =	vsub.f32 v18, v14;
	v16 =	vsub.f32 v18, v16  }
0x16e: {  	v63 =	vsub.f32 v18, v62;
	v13 =	vsub.f32 v13, v17;
	v17 =	vmul.f32 v7, v44  }
0x16f: {  	v19 =	vmul.f32 v19, v43;
	v12 =	vsub.f32 v12, v28;
	v5 =	vsub.f32 v5, v29  }
0x170: {  	v16 =	vsub.f32 v16, v32;
	v13 =	vsub.f32 v13, v17;
	v17 =	vmul.f32 v52, v31  }
0x171: {  	v28 =	vmul.f32 v52, v37;
	v31 =	vsub.f32 v18, v61;
	v18 =	vsub.f32 v18, v19  }
0x172: {  	v14 =	vsub.f32 v14, v17;
	v17 =	vmul.f32 v7, v23;
	v23 =	vmul.f32 v7, v24  }
0x173: {  	v19 =	vmul.f32 v52, v35;
	v28 =	vsub.f32 v63, v28;
	v24 =	vmul.f32 v52, v39  }
0x174: {  	v12 =	vsub.f32 v12, v17;
	v17 =	vmul.f32 v7, v25;
	v5 =	vsub.f32 v5, v23  }
0x175: {  	v19 =	vsub.f32 v31, v19;
	v25 =	vmul.f32 v7, v26;
	v18 =	vsub.f32 v18, v24  }
0x176: {  	v14 =	vsub.f32 v14, v17;
	v12 =	vmin.f32 v15, v12;
	v2 =	vmin.f32 v2, v5  }
0x177: {  	v5 =	vsub.f32 v16, v25;
	v15 =	vperm.xlane v12, v8;
	v16 =	vperm.xlane v2, v8  }
0x178: {  	v23 =	vmul.f32 v7, v27;
	v24 =	vmul.f32 v7, v30;
	v3 =	vmin.f32 v3, v14  }
0x179: {  	v12 =	vmin.f32 v12, v15;
	v2 =	vmin.f32 v2, v16;
	v14 =	vperm.xlane v3, v8  }
0x17a: {  	v17 =	vsub.f32 v19, v23;
	v16 =	vperm.xlane v12, v9;
	v19 =	vperm.xlane v2, v9  }
0x17b: {  	v7 =	vmul.f32 v7, v33;
	v0 =	vmin.f32 v0, v5;
	v3 =	vmin.f32 v3, v14  }
0x17c: {  	v5 =	vmin.f32 v12, v16;
	v2 =	vmin.f32 v2, v19;
	v12 =	vperm.xlane v3, v9  }
0x17d: {  	v14 =	vperm.xlane v5, v10;
	v16 =	vperm.xlane v2, v10  }
0x17e: {  	v15 =	vsub.f32 v28, v24;
	v3 =	vmin.f32 v3, v12;
	v12 =	vperm.xlane v0, v8  }
0x17f: {  	v23 =	vmin.f32 v5, v14;
	v24 =	vmin.f32 v2, v16;
	v2 =	vperm.xlane v3, v10  }
0x180: {  	v7 =	vsub.f32 v18, v7;
	v5 =	vperm.xlane v23, v11;
	v0 =	vmin.f32 v0, v12  }
0x181: {  	v4 =	vmin.f32 v4, v17;
	v25 =	vmin.f32 v3, v2;
	v2 =	vperm.xlane v0, v9  }
0x182: {  	v3 =	vperm.xlane v4, v8;
	[tilespmem:$0x1FF80] =	vst v5;
	v5 =	vperm.xlane v24, v11  }
0x183: {  	v13 =	vmin.f32 v47, v13;
	v1 =	vmin.f32 v1, v7;
	v0 =	vmin.f32 v0, v2  }
0x184: {  	v2 =	vmin.f32 v4, v3;
	v3 =	vperm.xlane v1, v8;
	[tilespmem:$0x1FF90] =	vst v5;
	v5 =	vperm.xlane v25, v11  }
0x185: {  	v6 =	vmin.f32 v6, v15;
	v4 =	vperm.xlane v0, v10;
	v7 =	vperm.xlane v2, v9  }
0x186: {  	v1 =	vmin.f32 v1, v3;
	v3 =	vperm.xlane v13, v8;
	[tilespmem:$0x1FFA0] =	vst v5;
	v5 =	vperm.xlane v6, v8  }
0x187: {  	v30 =	vmin.f32 v0, v4;
	v0 =	vmin.f32 v2, v7;
	v2 =	vperm.xlane v1, v9  }
0x188: {  	v61 =	vimm.f32 $+Inf;
	v4 =	vperm.xlane v0, v10;
	v3 =	vmin.f32 v13, v3  }
0x189: {  	v5 =	vmin.f32 v6, v5;
	v1 =	vmin.f32 v1, v2;
	v2 =	vperm.xlane v3, v9  }
0x18a: {  	v6 =	vperm.xlane v5, v9;
	v33 =	vmin.f32 v0, v4;
	v0 =	vperm.xlane v1, v10  }
0x18b: {  	v7 =	vimm.s32 $0xF;
	v35 =	vperm.xlane v30, v11;
	v2 =	vmin.f32 v3, v2  }
0x18c: {  	v5 =	vmin.f32 v5, v6;
	v31 =	vmin.f32 v1, v0;
	v0 =	vperm.xlane v2, v10  }
0x18d: {  	v4 =	vimm.s32 $0x9;
	v3 =	vimm.s32 $0x8;
	v6 =	vperm.xlane v5, v10  }
0x18e: {  	v1 =	vperm.xlane v31, v11;
	v29 =	vmin.f32 v2, v0;
	v0 =	vperm.xlane v21, v3  }
0x18f: {  	v36 =	vperm.xlane v33, v11;
	v2 =	vperm.xlane v20, v3;
	v34 =	vmin.f32 v5, v6  }
0x190: {  	[tilespmem:$0x1FFB0] =	vst v1;
	v1 =	vperm.xlane v22, v3;
	v3 =	vperm.xlane v21, v4;
	v41 =	vadd.f32 v0, v0  }
0x191: {  	v38 =	vadd.f32 v2, v2;
	v0 =	vperm.xlane v20, v4;
	v2 =	vimm.s32 $0xA  }
0x192: {  	v48 =	vadd.f32 v1, v1;
	v1 =	vperm.xlane v22, v4;
	v43 =	vadd.f32 v3, v3  }
0x193: {  	v4 =	vimm.s32 $0xB;
	v39 =	vadd.f32 v0, v0;
	v0 =	vperm.xlane v21, v2  }
0x194: {  	v3 =	vperm.xlane v21, v4;
	v49 =	vadd.f32 v1, v1;
	v1 =	vperm.xlane v22, v2  }
0x195: {  	v5 =	vimm.s32 $0xE;
	v2 =	vperm.xlane v20, v2;
	v46 =	vadd.f32 v0, v0  }
0x196: {  	v0 =	vperm.xlane v20, v4;
	v47 =	vadd.f32 v3, v3;
	v52 =	vadd.f32 v1, v1  }
0x197: {  	v1 =	vperm.xlane v22, v4;
	v40 =	vadd.f32 v2, v2;
	v2 =	vimm.s32 $0xC  }
0x198: {  	v4 =	vimm.s32 $0xD;
	v42 =	vadd.f32 v0, v0;
	v0 =	vperm.xlane v21, v2  }
0x199: {  	v53 =	vadd.f32 v1, v1;
	v1 =	vperm.xlane v22, v2;
	v2 =	vperm.xlane v20, v2  }
0x19a: {  	s17 =	simm.s32 $0x0;
	v3 =	vperm.xlane v21, v4;
	v50 =	vadd.f32 v0, v0;
	v0 =	vperm.xlane v20, v4  }
0x19b: {  	v54 =	vadd.f32 v1, v1;
	v1 =	vperm.xlane v22, v4;
	v44 =	vadd.f32 v2, v2;
	v2 =	vld [tilespmem:s17+$0x4000]  }
0x19c: {  	v37 =	vperm.xlane v34, v11;
	v45 =	vadd.f32 v0, v0;
	v0 =	vperm.xlane v21, v5  }
0x19d: {  	v51 =	vadd.f32 v3, v3;
	v55 =	vadd.f32 v1, v1;
	v1 =	vperm.xlane v22, v5  }
0x19e: {  	v3 =	vperm.xlane v22, v7;
	v4 =	vld [tilespmem:s17+$0x4800];
	v22 =	vadd.f32 v0, v0;
	v0 =	vperm.xlane v20, v7  }
0x19f: {  	v56 =	vadd.f32 v1, v1;
	v1 =	vperm.xlane v20, v5;
	v5 =	vperm.xlane v21, v7  }
0x1a0: {  	v6 =	vld [tilespmem:s17+$0x7000];
	v20 =	vperm.xlane v29, v11;
	v57 =	vadd.f32 v0, v0;
	v0 =	vmul.f32 v2, v48  }
0x1a1: {  	v59 =	vadd.f32 v3, v3;
	v3 =	vmul.f32 v2, v49;
	v7 =	vmul.f32 v2, v53  }
0x1a2: {  	v63 =	vimm.f32 $+Inf;
	v13 =	vmul.f32 v2, v54;
	v14 =	vmul.f32 v2, v55  }
0x1a3: {  	v62 =	vld [tilespmem:s17+$0x5000];
	v15 =	vmul.f32 v4, v41;
	v16 =	vmul.f32 v4, v43;
	v21 =	vadd.f32 v1, v1  }
0x1a4: {  	v58 =	vadd.f32 v5, v5;
	v1 =	vmul.f32 v2, v59;
	v5 =	vmul.f32 v2, v52  }
0x1a5: {  	v2 =	vmul.f32 v2, v56;
	v0 =	vsub.f32 v6, v0;
	v3 =	vsub.f32 v6, v3  }
0x1a6: {  	v17 =	vsub.f32 v6, v7;
	v1 =	vsub.f32 v6, v1;
	v12 =	vmul.f32 v4, v58  }
0x1a7: {  	v7 =	vmul.f32 v4, v46;
	v18 =	vsub.f32 v6, v14;
	v5 =	vsub.f32 v6, v5  }
0x1a8: {  	v2 =	vsub.f32 v6, v2;
	v1 =	vsub.f32 v1, v12;
	v12 =	vmul.f32 v62, v57  }
0x1a9: {  	v0 =	vsub.f32 v0, v15;
	v14 =	vsub.f32 v3, v16;
	v3 =	vmul.f32 v4, v22  }
0x1aa: {  	v15 =	vmul.f32 v4, v51;
	v7 =	vsub.f32 v5, v7;
	v1 =	vsub.f32 v1, v12  }
0x1ab: {  	v16 =	vmul.f32 v62, v39;
	v5 =	vsub.f32 v2, v3;
	v12 =	vsub.f32 v6, v13  }
0x1ac: {  	v13 =	vmul.f32 v4, v47;
	v60 =	vmin.f32 v61, v1;
	v1 =	vmul.f32 v4, v50  }
0x1ad: {  	v2 =	vimm.f32 $+Inf;
	v3 =	vimm.f32 $+Inf;
	v4 =	vmul.f32 v62, v38  }
0x1ae: {  	v13 =	vsub.f32 v17, v13;
	v17 =	vmul.f32 v62, v42;
	v6 =	vsub.f32 v12, v1  }
0x1af: {  	v12 =	vsub.f32 v18, v15;
	v15 =	vsub.f32 v0, v4;
	v18 =	vmul.f32 v62, v40  }
0x1b0: {  	s18 =	simm.s32 $0x10;
	s17 =	simm.s32 $0x80;
	v4 =	vimm.f32 $+Inf;
	v0 =	vimm.f32 $+Inf;
	v1 =	vimm.f32 $+Inf  }
.LBB2_14:
0x1b1: {  	p0 =	sne.s32 s17, $0x1FC0;
	v19 =	vld [tilespmem:s18+$0x4000];
	v14 =	vsub.f32 v14, v16;
	v16 =	vmul.f32 v62, v44;
	v26 =	vmul.f32 v62, v45  }
0x1b2: {  	v27 =	vld [tilespmem:s18+$0x4800];
	v7 =	vsub.f32 v7, v18;
	v13 =	vsub.f32 v13, v17;
	v17 =	vmul.f32 v62, v21  }
0x1b3: {  	v61 =	vmin.f32 v61, v15;
	v18 =	vld [tilespmem:s18+$0x7000];
	v6 =	vsub.f32 v6, v16;
	v12 =	vsub.f32 v12, v26  }
0x1b4: {  	v4 =	vmin.f32 v4, v14;
	v2 =	vmin.f32 v2, v7;
	v5 =	vsub.f32 v5, v17  }
0x1b5: {  	v0 =	vmin.f32 v0, v13;
	v62 =	vld [tilespmem:s18+$0x5000];
	v3 =	vmin.f32 v3, v6;
	v1 =	vmin.f32 v1, v12  }
0x1b6: {  	v6 =	vmul.f32 v19, v48;
	v7 =	vmul.f32 v19, v59;
	v63 =	vmin.f32 v63, v5  }
0x1b7: {  	v5 =	vmul.f32 v19, v49;
	v12 =	vmul.f32 v19, v52  }
0x1b8: {  	v13 =	vmul.f32 v19, v53;
	v14 =	vmul.f32 v27, v58;
	v7 =	vsub.f32 v18, v7  }
0x1b9: {  	v15 =	vmul.f32 v19, v54;
	v16 =	vmul.f32 v19, v55;
	v6 =	vsub.f32 v18, v6  }
0x1ba: {  	v17 =	vmul.f32 v19, v56;
	v7 =	vsub.f32 v7, v14;
	v14 =	vmul.f32 v62, v57  }
0x1bb: {  	v19 =	vmul.f32 v27, v41;
	v5 =	vsub.f32 v18, v5;
	v12 =	vsub.f32 v18, v12  }
0x1bc: {  	v26 =	vmul.f32 v27, v43;
	v13 =	vsub.f32 v18, v13;
	v7 =	vsub.f32 v7, v14  }
0x1bd: {  	v28 =	vmul.f32 v27, v46;
	v15 =	vsub.f32 v18, v15;
	v32 =	vsub.f32 v18, v16  }
0x1be: {  	v16 =	vmul.f32 v27, v47;
	v17 =	vsub.f32 v18, v17;
	v60 =	vmin.f32 v60, v7  }
.Ltmp6:
0x1bf: {  	v18 =	vsub.f32 v6, v19;
	v6 =	vmul.f32 v27, v50;
	v19 =	vmul.f32 v27, v51;
	(pc) =	sbr.rel @p0 .LBB2_14-.Ltmp6, $4  }
0x1c0: {  	v14 =	vsub.f32 v5, v26;
	v5 =	vmul.f32 v27, v22;
	v7 =	vsub.f32 v12, v28  }
0x1c1: {  	v13 =	vsub.f32 v13, v16;
	v26 =	vmul.f32 v62, v38;
	v6 =	vsub.f32 v15, v6  }
0x1c2: {  	v16 =	vmul.f32 v62, v39;
	v12 =	vsub.f32 v32, v19;
	v5 =	vsub.f32 v17, v5  }
0x1c3: {  	s18 =	sshra.s32 s17, $0x2;
	s17 =	sadd.s32 $0x40, s17;
	v15 =	vsub.f32 v18, v26;
	v18 =	vmul.f32 v62, v40;
	v17 =	vmul.f32 v62, v42  }
0x1c4: {  	v19 =	vld [tilespmem:s18+$0x4000]  }
0x1c5: {  	v26 =	vld [tilespmem:s18+$0x4800];
	v14 =	vsub.f32 v14, v16  }
0x1c6: {  	v16 =	vmul.f32 v62, v44;
	v28 =	vmul.f32 v62, v45;
	v30 =	vmin.f32 v30, v35  }
0x1c7: {  	v35 =	vmin.f32 v33, v36;
	v7 =	vsub.f32 v7, v18;
	v18 =	vld [tilespmem:s18+$0x5000];
	v13 =	vsub.f32 v13, v17  }
0x1c8: {  	v15 =	vmin.f32 v61, v15;
	v6 =	vsub.f32 v6, v16;
	v12 =	vsub.f32 v12, v28  }
0x1c9: {  	v27 =	vld [tilespmem:s18+$0x7000];
	v4 =	vmin.f32 v4, v14;
	v32 =	vmul.f32 v19, v59;
	v59 =	vmul.f32 v62, v21  }
0x1ca: {  	v2 =	vmin.f32 v2, v7;
	v62 =	vmul.f32 v26, v58;
	v28 =	vmul.f32 v19, v48  }
0x1cb: {  	v0 =	vmin.f32 v0, v13;
	v48 =	vmul.f32 v19, v53;
	v53 =	vmul.f32 v26, v41  }
0x1cc: {  	v3 =	vmin.f32 v3, v6;
	v22 =	vmul.f32 v26, v22;
	v7 =	vmul.f32 v18, v57  }
0x1cd: {  	v1 =	vmin.f32 v1, v12;
	v57 =	vmul.f32 v26, v51;
	v58 =	vmul.f32 v18, v38  }
0x1ce: {  	v38 =	vmin.f32 v34, v37;
	v61 =	vsub.f32 v27, v32;
	v5 =	vsub.f32 v5, v59  }
0x1cf: {  	v32 =	vmul.f32 v19, v49;
	v12 =	vsub.f32 v27, v28;
	v49 =	vmul.f32 v19, v54  }
0x1d0: {  	v14 =	vsub.f32 v27, v48;
	v54 =	vmul.f32 v26, v43;
	v59 =	vmul.f32 v18, v39  }
0x1d1: {  	v43 =	vmin.f32 v29, v20;
	v6 =	vsub.f32 v61, v62;
	v13 =	vsub.f32 v27, v32  }
0x1d2: {  	v5 =	vmin.f32 v63, v5;
	v16 =	vsub.f32 v27, v49;
	v32 =	vmul.f32 v26, v46  }
0x1d3: {  	v12 =	vsub.f32 v12, v53;
	v61 =	vmul.f32 v18, v42;
	v62 =	vmul.f32 v18, v44  }
0x1d4: {  	v6 =	vsub.f32 v6, v7;
	v7 =	vmul.f32 v19, v52;
	v52 =	vmul.f32 v19, v55  }
0x1d5: {  	v41 =	vld [tilespmem:$0x1FFB0];
	v19 =	vmul.f32 v19, v56;
	v55 =	vmul.f32 v26, v47;
	v13 =	vsub.f32 v13, v54  }
0x1d6: {  	v56 =	vmul.f32 v26, v50;
	v12 =	vsub.f32 v12, v58;
	v7 =	vsub.f32 v27, v7  }
0x1d7: {  	v63 =	vmul.f32 v18, v45;
	v17 =	vsub.f32 v27, v52;
	v19 =	vsub.f32 v27, v19  }
0x1d8: {  	v26 =	vld [tilespmem:$0x1FF80];
	v6 =	vmin.f32 v60, v6;
	v14 =	vsub.f32 v14, v55;
	v16 =	vsub.f32 v16, v56  }
0x1d9: {  	v60 =	vmul.f32 v18, v40;
	v13 =	vsub.f32 v13, v59;
	v18 =	vmul.f32 v18, v21  }
0x1da: {  	v28 =	vld [tilespmem:$0x1FFA0];
	v12 =	vmin.f32 v15, v12;
	v15 =	vmin.f32 v31, v41;
	v7 =	vsub.f32 v7, v32  }
0x1db: {  	v27 =	vld [tilespmem:$0x1FF90];
	v54 =	vperm.xlane v6, v8;
	v17 =	vsub.f32 v17, v57;
	v19 =	vsub.f32 v19, v22  }
0x1dc: {  	v14 =	vsub.f32 v14, v61;
	v21 =	vsub.f32 v16, v62;
	v4 =	vmin.f32 v4, v13  }
0x1dd: {  	v32 =	vperm.xlane v12, v8;
	v13 =	vmin.f32 v23, v26;
	v36 =	vperm.xlane v4, v8  }
0x1de: {  	v7 =	vsub.f32 v7, v60;
	v22 =	vsub.f32 v17, v63;
	v0 =	vmin.f32 v0, v14  }
0x1df: {  	v14 =	vmin.f32 v25, v28;
	v12 =	vmin.f32 v12, v32;
	v3 =	vmin.f32 v3, v21  }
0x1e0: {  	v17 =	vmin.f32 v24, v27;
	v4 =	vmin.f32 v4, v36;
	v45 =	vperm.xlane v0, v8  }
0x1e1: {  	v51 =	vperm.xlane v3, v8;
	v2 =	vmin.f32 v2, v7;
	v7 =	vsub.f32 v19, v18  }
0x1e2: {  	v13 =	vsel vm0, v13, v17;
	v17 =	vperm.xlane v12, v9;
	v40 =	vperm.xlane v4, v9  }
0x1e3: {  	v1 =	vmin.f32 v1, v22;
	v13 =	vsel vm1, v13, v14;
	v39 =	vperm.xlane v2, v8  }
0x1e4: {  	v0 =	vmin.f32 v0, v45;
	v52 =	vperm.xlane v1, v8;
	v3 =	vmin.f32 v3, v51  }
0x1e5: {  	v13 =	vsel vm2, v13, v30;
	v12 =	vmin.f32 v12, v17;
	v4 =	vmin.f32 v4, v40  }
0x1e6: {  	v48 =	vperm.xlane v0, v9;
	v5 =	vmin.f32 v5, v7;
	v53 =	vperm.xlane v3, v9  }
0x1e7: {  	v2 =	vmin.f32 v2, v39;
	v17 =	vperm.xlane v12, v10;
	v44 =	vperm.xlane v4, v10  }
0x1e8: {  	v13 =	vsel vm3, v13, v35;
	v7 =	vperm.xlane v5, v8;
	v42 =	vperm.xlane v2, v9  }
0x1e9: {  	v1 =	vmin.f32 v1, v52;
	v13 =	vsel vm4, v13, v38;
	v0 =	vmin.f32 v0, v48  }
0x1ea: {  	v3 =	vmin.f32 v3, v53;
	v13 =	vsel vm5, v13, v15;
	v2 =	vmin.f32 v2, v42  }
0x1eb: {  	v12 =	vmin.f32 v12, v17;
	v4 =	vmin.f32 v4, v44;
	v46 =	vperm.xlane v2, v10  }
0x1ec: {  	v50 =	vperm.xlane v0, v10;
	v5 =	vmin.f32 v5, v7;
	v17 =	vperm.xlane v12, v11  }
0x1ed: {  	v7 =	vperm.xlane v1, v9;
	v47 =	vperm.xlane v4, v11;
	v2 =	vmin.f32 v2, v46  }
0x1ee: {  	v13 =	vsel vm6, v13, v43;
	v12 =	vmin.f32 v12, v17;
	v49 =	vperm.xlane v2, v11  }
0x1ef: {  	v56 =	vperm.xlane v5, v9;
	v4 =	vmin.f32 v4, v47;
	v12 =	vsel vm7, v13, v12  }
0x1f0: {  	v0 =	vmin.f32 v0, v50;
	v4 =	vsel vm8, v12, v4;
	v2 =	vmin.f32 v2, v49  }
0x1f1: {  	v55 =	vperm.xlane v0, v11;
	v2 =	vsel vm9, v4, v2;
	v4 =	vmin.f32 v6, v54  }
0x1f2: {  	v1 =	vmin.f32 v1, v7;
	v6 =	vperm.xlane v3, v10;
	v7 =	vperm.xlane v4, v9  }
0x1f3: {  	v5 =	vmin.f32 v5, v56;
	v57 =	vperm.xlane v1, v10;
	v0 =	vmin.f32 v0, v55  }
0x1f4: {  	v3 =	vmin.f32 v3, v6;
	v6 =	vperm.xlane v5, v10;
	v4 =	vmin.f32 v4, v7  }
0x1f5: {  	v1 =	vmin.f32 v1, v57;
	v7 =	vperm.xlane v3, v11;
	v58 =	vperm.xlane v4, v10  }
0x1f6: {  	v60 =	vperm.xlane v1, v11;
	v0 =	vsel vm10, v2, v0;
	v59 =	vmin.f32 v5, v6  }
0x1f7: {  	v3 =	vmin.f32 v3, v7;
	v6 =	vperm.xlane v59, v11;
	v7 =	vld [tilespmem:s16+$0x7800];
	v4 =	vmin.f32 v4, v58  }
0x1f8: {  	s15 =	sadd.s32 $0x1, s15;
	v1 =	vmin.f32 v1, v60;
	v0 =	vsel vm11, v0, v3;
	v61 =	vperm.xlane v4, v11  }
0x1f9: {  	p0 =	sne.s32 s15, $0x8;
	v0 =	vsel vm12, v0, v1;
	v62 =	vmin.f32 v59, v6  }
.Ltmp7:
0x1fa: {  	v0 =	vsel vm13, v0, v62;
	v63 =	vmin.f32 v4, v61;
	(pc) =	sbr.rel @p0 .LBB2_11-.Ltmp7, $3  }
0x1fb: {  	v0 =	vsel vm14, v0, v63  }
0x1fc: {  	v0 =	vadd.f32 v0, v7;
	_ =	sdelay $0x1  }
0x1fd: {  	[tilespmem:s14+$0x8080] =	vst v0  }
0x1fe: {  	[hbm4b:s6+s2] =	stream.linear.scatter [tilespmem:s11], [sflag:$0x1], $0x80, $0x38;
	[tilespmem:$0x8100] =	vst v63  }
0x1ff: {  	s13 =	sadd.s32 $0x1, s13;
	_ =	swait.ge [sflag:s9], $0x80  }
0x200: {  	p0 =	sne.s32 s13, s8;
	[sflag:s9] =	ssyncset.done $0x0  }
.Ltmp8:
0x201: {  	[sflag:s9] =	ssyncadd.s32 $0xFFFFFF80;
	(pc) =	sbr.rel @p0 .LBB2_1-.Ltmp8, $4  }
0x202: {  	[hbm4b:s7+s2] =	stream.linear.scatter [tilespmem:s12], [sflag:$0x1], $0x80, $0x38;
	[tilespmem:$0x8100] =	vst v63  }
0x203: {  	_ =	swait.ge [sflag:s9], $0x80  }
0x204: {  	[sflag:s9] =	ssyncset.done $0x0  }
0x205: {  	[sflag:s9] =	ssyncadd.s32 $0xFFFFFF80  }
0x206: {  	_ =	sfence.sel $0x180000  }
0x207: {  	[bflag:$0x0] =	sbarrier.arrive $0xFFFF  }
0x208: {  	p0 =	sne.s32 s0, $0x0;
	_ =	strace $0x90000047  }
0x209: {  	s0 =	sadd.s32 @!p0 $0x100000, s1;
	[bflag:$0x2] =	sbarrier.arrive $0xFFFF  }
0x20a: {  	[sflag:s0] =	ssyncadd.tile.s32 @!p0 $0x1;
	_ =	shalt  }
.Lfunc_end2:
_tile_overlayer_lowered:
.L_overlay_start_2:
0x20b: {  	(tag) =	ssettag $0x2  }
0x20c: {  	s0 =	rddreg [dreg:$0x0];
	s2 =	stileid.u32  }
0x20d: {  	s1 =	rddreg [dreg:$0x1];
	p0 =	sne.s32 s2, $0x0  }
0x20e: {  	s3 =	rddreg [dreg:$0x2];
	[bflag:$0x3] =	sbarrier.arrive $0xFFFF;
	s2 =	simm.s32 @!p0 $0x1C01  }
0x20f: {  	[timem:s3], [sflag:s2] =	dma.local @!p0 [hbm:s0], s1  }
0x210: {  	s0 =	simm.s32 @!p0 $0x1  }
0x211: {  	_ =	swait.ge @!p0 [sflag:s0], s1  }
0x212: {  	s1 =	ssub.s32 @!p0 $0x0, s1;
	[sflag:s0] =	ssyncset.done @!p0 $0x0  }
0x213: {  	[sflag:s0] =	ssyncadd.s32 @!p0 s1  }
0x214: {  	[bflag:$0x3] =	sbarrier.arrive $0xFFFF  }
0x215: {  	_ =	shalt  }

</sc_bundles>
